<compile_context>
chip_gen: v7x
topology: tpu7x:2x2x1
jax: 0.10.2.dev20260603
libtpu: 0.0.44.dev20260713+nightly
codegen_flags: <defaults>
</compile_context>

<pallas_src>
import jax
import jax.numpy as jnp
from jax import lax
from jax.experimental import pallas as pl
from jax.experimental.pallas import tpu as pltpu
from jax.experimental.pallas import tpu_sc as plsc

N_NODES = 100000
N_EDGES = 1600000
HIDDEN = 32
NODE_IN = 128

NC = 2
NS = 16
HALF = HIDDEN // NC
GROUP = 128
NGROUPS = N_EDGES // GROUP
NGPAD = 12504
GPT = NGROUPS // NS
CH = 3
E_CH = CH * GROUP
NBUF = 2
NCH_MAIN = 260
MAIN_GROUPS = NCH_MAIN * CH
N_STATIC = (GPT - MAIN_GROUPS) // CH
ROWS_PER_TILE = N_NODES // NS
ZCHUNK = 125
AGG_PAD = 128


def _sc_scatter_body(col2d_hbm, eat_hbm, agg_hbm, agg_sh,
                     sem_in0, sem_in1, sem_sc0, sem_sc1):
    pl.run_scoped(
        lambda idx_v, in_v, rows_v, zbuf: _sc_scatter_inner(
            col2d_hbm, eat_hbm, agg_hbm, idx_v, in_v, rows_v, zbuf, agg_sh,
            (sem_in0, sem_in1), (sem_sc0, sem_sc1)),
        pltpu.VMEM((NBUF, CH, GROUP), jnp.int32),
        pltpu.VMEM((NBUF, HALF, E_CH), jnp.float32),
        pltpu.VMEM((NBUF, E_CH, HALF), jnp.float32),
        pltpu.VMEM((ZCHUNK, HALF), jnp.float32),
    )


def _sc_scatter_inner(col2d_hbm, eat_hbm, agg_hbm, idx_v, in_v, rows_v, zbuf,
                      agg_sh, sems_in, sems_sc):
    c = lax.axis_index("c")
    s = lax.axis_index("s")
    base = s * GPT + jnp.minimum(s, NGROUPS - GPT * NS)
    count = GPT + (s < NGROUPS - GPT * NS).astype(jnp.int32)

    def _zrow(i, _):
        zbuf[i] = jnp.zeros((HALF,), jnp.float32)
        return 0
    lax.fori_loop(0, ZCHUNK, _zrow, 0)

    def _zcopy(k, _):
        pltpu.sync_copy(zbuf,
                        agg_sh.at[pl.ds(s * ROWS_PER_TILE + k * ZCHUNK, ZCHUNK)])
        return 0
    lax.fori_loop(0, ROWS_PER_TILE // ZCHUNK, _zcopy, 0)
    plsc.subcore_barrier()

    def issue_inputs(q, b):
        g0 = base + q * CH
        pltpu.async_copy(col2d_hbm.at[pl.ds(g0, CH)], idx_v.at[b], sems_in[b])
        pltpu.async_copy(eat_hbm.at[pl.ds(c * HALF, HALF),
                                    pl.ds(g0 * GROUP, E_CH)],
                         in_v.at[b], sems_in[b])

    def wait_inputs(b):
        pltpu.make_async_copy(col2d_hbm.at[pl.ds(0, CH)], idx_v.at[b],
                              sems_in[b]).wait()
        pltpu.make_async_copy(eat_hbm.at[pl.ds(0, HALF), pl.ds(0, E_CH)],
                              in_v.at[b], sems_in[b]).wait()

    def transpose(b, n16):
        def _tp(e16, _):
            ebase = e16 * 16
            eidx = lax.broadcasted_iota(jnp.int32, (16,), 0) + ebase
            for f in range(HALF):
                vals = in_v[b, f, pl.ds(ebase, 16)]
                plsc.store_scatter(rows_v.at[b],
                                   [eidx, jnp.full((16,), f, jnp.int32)], vals)
            return 0
        lax.fori_loop(0, n16, _tp, 0)

    def issue_scatters(b, ngr):
        for j in range(ngr):
            pltpu.async_copy(rows_v.at[b, pl.ds(j * GROUP, GROUP)],
                             agg_sh.at[idx_v.at[b, j]], sems_sc[b], add=True)

    def wait_scatters(b, ngr):
        pltpu.make_async_copy(rows_v.at[b, pl.ds(0, ngr * GROUP)],
                              agg_sh.at[pl.ds(0, ngr * GROUP)],
                              sems_sc[b]).wait()

    def chunk(q, b):
        bn = (b + 1) % NBUF
        wait_inputs(b)

        @pl.when(q >= NBUF - 1)
        def _():
            wait_scatters(bn, CH)

        @pl.when(q + 1 < NCH_MAIN)
        def _():
            issue_inputs(q + 1, bn)

        transpose(b, E_CH // 16)
        issue_scatters(b, CH)

    issue_inputs(0, 0)

    def _pair(p, _):
        chunk(NBUF * p, 0)
        chunk(NBUF * p + 1, 1)
        return 0
    lax.fori_loop(0, NCH_MAIN // NBUF, _pair, 0)
    wait_scatters(1, CH)

    for st in range(N_STATIC):
        issue_inputs(NCH_MAIN + st, 0)
        wait_inputs(0)
        transpose(0, E_CH // 16)
        issue_scatters(0, CH)
        wait_scatters(0, CH)

    def _single(t, _):
        pltpu.sync_copy(col2d_hbm.at[pl.ds(base + t, 1)], idx_v.at[0, pl.ds(0, 1)])
        pltpu.sync_copy(eat_hbm.at[pl.ds(c * HALF, HALF),
                                   pl.ds((base + t) * GROUP, GROUP)],
                        in_v.at[0, :, pl.ds(0, GROUP)])
        transpose(0, GROUP // 16)
        pltpu.sync_copy(rows_v.at[0, pl.ds(0, GROUP)],
                        agg_sh.at[idx_v.at[0, 0]], add=True)
        return 0
    lax.fori_loop(MAIN_GROUPS + N_STATIC * CH, count, _single, 0)

    plsc.subcore_barrier()

    def _wb(k, _):
        r0 = s * ROWS_PER_TILE + k * ZCHUNK
        pltpu.sync_copy(agg_sh.at[pl.ds(r0, ZCHUNK)],
                        agg_hbm.at[pl.ds(r0, ZCHUNK), pl.ds(c * HALF, HALF)])
        return 0
    lax.fori_loop(0, ROWS_PER_TILE // ZCHUNK, _wb, 0)


def _sc_scatter(col2d, eat):
    mesh = plsc.VectorSubcoreMesh(core_axis_name="c", subcore_axis_name="s")
    return pl.kernel(
        _sc_scatter_body,
        out_type=jax.ShapeDtypeStruct((N_NODES, AGG_PAD), jnp.float32),
        mesh=mesh,
        scratch_types=[
            pltpu.VMEM_SHARED((N_NODES + 8, HALF), jnp.float32),
            pltpu.SemaphoreType.DMA,
            pltpu.SemaphoreType.DMA,
            pltpu.SemaphoreType.DMA,
            pltpu.SemaphoreType.DMA,
        ],
        compiler_params=pltpu.CompilerParams(use_tc_tiling_on_sc=False,
                                             needs_layout_passes=False),
    )(col2d, eat)


ROW_BLOCK = 4000


def _mlp_body(x_ref, agg_ref, w1x_ref, w1a_ref, b1_ref, w2_ref, b2_ref, out_ref):
    h = jnp.dot(x_ref[...], w1x_ref[...], preferred_element_type=jnp.float32)
    h = h + jnp.dot(agg_ref[:, :HIDDEN], w1a_ref[...],
                    preferred_element_type=jnp.float32)
    h = jnp.maximum(h + b1_ref[...], 0.0)
    h = jnp.dot(h, w2_ref[...], preferred_element_type=jnp.float32)
    out_ref[...] = jnp.maximum(h + b2_ref[...], 0.0)


def _mlp(x, agg_pad, w1x, w1a, b1, w2, b2):
    n_blocks = N_NODES // ROW_BLOCK
    return pl.pallas_call(
        _mlp_body,
        out_shape=jax.ShapeDtypeStruct((N_NODES, HIDDEN), jnp.float32),
        grid=(n_blocks,),
        in_specs=[
            pl.BlockSpec((ROW_BLOCK, NODE_IN), lambda i: (i, 0)),
            pl.BlockSpec((ROW_BLOCK, AGG_PAD), lambda i: (i, 0)),
            pl.BlockSpec((NODE_IN, HIDDEN), lambda i: (0, 0)),
            pl.BlockSpec((HIDDEN, HIDDEN), lambda i: (0, 0)),
            pl.BlockSpec((1, HIDDEN), lambda i: (0, 0)),
            pl.BlockSpec((HIDDEN, HIDDEN), lambda i: (0, 0)),
            pl.BlockSpec((1, HIDDEN), lambda i: (0, 0)),
        ],
        out_specs=pl.BlockSpec((ROW_BLOCK, HIDDEN), lambda i: (i, 0)),
    )(x, agg_pad, w1x, w1a, b1, w2, b2)


def kernel(x, edge_index, edge_attr, u, batch, W1, b1, W2, b2):
    col2d = edge_index[1].astype(jnp.int32).reshape(NGROUPS, GROUP)
    col2d = jnp.pad(col2d, ((0, NGPAD - NGROUPS), (0, 0)))
    eat = edge_attr.T
    agg_pad = _sc_scatter(col2d, eat)
    return _mlp(x, agg_pad, W1[:NODE_IN], W1[NODE_IN:], b1.reshape(1, HIDDEN),
                W2, b2.reshape(1, HIDDEN))

# --- scband reference (transcript-rebuilt; emitter-appended) ---
"""Pipeline reference for scband-node-model-7584912245435 (READ-ONLY COPY).

The authoritative reference and input builder live on the scoring server;
editing this copy changes nothing except your own understanding.
"""

import jax, jax.numpy as jnp
import numpy as np

N_NODES = 100000
N_EDGES = 1600000
NODE_IN_DIM = 128
HIDDEN_DIM = 32
NUM_GRAPHS = 16
U_DIM = 64


def setup_inputs(seed: int = 0) -> dict:
    key = jax.random.key(seed)
    ks = jax.random.split(key, 10)
    x = jax.random.normal(ks[0], (N_NODES, NODE_IN_DIM), dtype=jnp.float32)
    edge_index = jax.random.randint(ks[1], (2, N_EDGES), 0, N_NODES, dtype=jnp.int64)
    edge_attr = jax.random.normal(ks[2], (N_EDGES, HIDDEN_DIM), dtype=jnp.float32)
    u = jax.random.normal(ks[3], (NUM_GRAPHS, U_DIM), dtype=jnp.float32)
    batch = jnp.sort(jax.random.randint(ks[4], (N_NODES,), 0, NUM_GRAPHS, dtype=jnp.int64))
    # MLP params: Linear(node_in_dim + hidden_dim -> hidden_dim), Linear(hidden_dim -> hidden_dim)
    in1 = NODE_IN_DIM + HIDDEN_DIM
    lim1 = 1.0 / np.sqrt(in1)
    W1 = jax.random.uniform(ks[5], (in1, HIDDEN_DIM), dtype=jnp.float32, minval=-lim1, maxval=lim1)
    b1 = jax.random.uniform(ks[6], (HIDDEN_DIM,), dtype=jnp.float32, minval=-lim1, maxval=lim1)
    lim2 = 1.0 / np.sqrt(HIDDEN_DIM)
    W2 = jax.random.uniform(ks[7], (HIDDEN_DIM, HIDDEN_DIM), dtype=jnp.float32, minval=-lim2, maxval=lim2)
    b2 = jax.random.uniform(ks[8], (HIDDEN_DIM,), dtype=jnp.float32, minval=-lim2, maxval=lim2)
    return {"x": x, "edge_index": edge_index, "edge_attr": edge_attr, "u": u, "batch": batch,
            "W1": W1, "b1": b1, "W2": W2, "b2": b2}


def reference(x, edge_index, edge_attr, u, batch, W1, b1, W2, b2):
    # _, col = edge_index
    col = edge_index[1]
    # scatter_sum(edge_attr, col, dim=0, dim_size=x.size(0))
    agg = jax.ops.segment_sum(edge_attr, col, num_segments=x.shape[0])
    out = jnp.concatenate([x, agg], axis=1)
    h = jax.nn.relu(out @ W1 + b1)
    h = jax.nn.relu(h @ W2 + b2)
    return h

if __name__ == "__main__":
    import jax
    _d = setup_inputs()
    print(jax.jit(kernel)(*tuple(_d.values())))

</pallas_src>

<mosaic_0001>
#map = affine_map<(d0, d1) -> (0, 0)>
module attributes {stable_mosaic.version = 14 : i64} {
  func.func @_sc_scatter_body(%arg0: i32, %arg1: i32, %arg2: memref<12504x128xi32, #tpu.memory_space<hbm>>, %arg3: memref<32x1600000xf32, #tpu.memory_space<hbm>>, %arg4: memref<100000x128xf32, #tpu.memory_space<hbm>>, %arg5: memref<100008x16xf32, #tpu.memory_space<vmem_shared>>, %arg6: memref<!tpu.dma_semaphore, #tpu.memory_space<semaphore_mem>>, %arg7: memref<!tpu.dma_semaphore, #tpu.memory_space<semaphore_mem>>, %arg8: memref<!tpu.dma_semaphore, #tpu.memory_space<semaphore_mem>>, %arg9: memref<!tpu.dma_semaphore, #tpu.memory_space<semaphore_mem>>) attributes {dimension_semantics = [#tpu.dimension_semantics<core_parallel>, #tpu.dimension_semantics<subcore_parallel>], iteration_bounds = array<i64: 2, 16>, scalar_prefetch = 0 : i64, scratch_operands = 5 : i64, tpu.core_type = #tpu.core_type<sc_vector_subcore>, window_params = [{transform_indices = #map}, {transform_indices = #map}, {transform_indices = #map}]} {
    "tpu.region"() ({
      %run_scoped3A = memref.alloca() : memref<2x3x128xi32, #tpu.memory_space<vmem>>
      %run_scoped3A_0 = memref.alloca() : memref<2x16x384xf32, #tpu.memory_space<vmem>>
      %run_scoped3A_1 = memref.alloca() : memref<2x384x16xf32, #tpu.memory_space<vmem>>
      %run_scoped3A_2 = memref.alloca() : memref<125x16xf32, #tpu.memory_space<vmem>>
      %mul3A = arith.constant 781 : i32
      %mul3A_3 = arith.muli %arg1, %mul3A : i32
      %min3A = arith.constant 4 : i32
      %min3A_4 = arith.minsi %arg1, %min3A : i32
      %add3A = arith.addi %mul3A_3, %min3A_4 : i32
      %lt3A = arith.constant 4 : i32
      %lt3A_5 = arith.cmpi slt, %arg1, %lt3A : i32
      %convert_element_type3A = arith.extui %lt3A_5 : i1 to i32
      %add3A_6 = arith.constant 781 : i32
      %add3A_7 = arith.addi %add3A_6, %convert_element_type3A : i32
      %scan3A = arith.constant 0 : i32
      %scan3A_8 = arith.constant 0 : i32
      %scan3A_9 = arith.constant 125 : i32
      %scan3A_10 = arith.addi %scan3A_8, %scan3A_9 : i32
      %scan3A_11 = arith.constant 1 : i32
      %scan3A_12 = scf.for %scan3A_90 = %scan3A_8 to %scan3A_10 step %scan3A_11 iter_args(%scan3A_91 = %scan3A) -> (i32)  : i32 {
        %broadcast_in_dim3A = arith.constant 0.000000e+00 : f32
        %broadcast_in_dim3A_92 = vector.broadcast %broadcast_in_dim3A : f32 to vector<16xf32>
        %swap3A = arith.index_cast %scan3A_90 : i32 to index
        %swap3A_93 = arith.constant 0 : index
        %swap3A_94 = tpu.vector_load %run_scoped3A_2[%swap3A, %swap3A_93] {strides = array<i32>} : memref<125x16xf32, #tpu.memory_space<vmem>>, vector<16xf32>,
        tpu.vector_store %run_scoped3A_2[%swap3A, %swap3A_93], %broadcast_in_dim3A_92 {strides = array<i32>} : memref<125x16xf32, #tpu.memory_space<vmem>>, vector<16xf32>,
        %scan3A_95 = arith.constant 0 : i32
        scf.yield %scan3A_95 : i32
      }
      %scan3A_13 = arith.constant 125 : i32
      %scan3A_14 = arith.constant 0 : i32
      %scan3A_15 = arith.constant 0 : i32
      %scan3A_16 = arith.constant 50 : i32
      %scan3A_17 = arith.addi %scan3A_15, %scan3A_16 : i32
      %scan3A_18 = arith.constant 1 : i32
      %scan3A_19 = scf.for %scan3A_90 = %scan3A_15 to %scan3A_17 step %scan3A_18 iter_args(%scan3A_91 = %scan3A_14) -> (i32)  : i32 {
        %mul3A_92 = arith.constant 6250 : i32
        %mul3A_93 = arith.muli %arg1, %mul3A_92 : i32
        %mul3A_94 = arith.constant 125 : i32
        %mul3A_95 = arith.muli %scan3A_90, %mul3A_94 : i32
        %add3A_96 = arith.addi %mul3A_93, %mul3A_95 : i32
        "tpu.region"() ({
          %run_scoped3A_98 = tpu.sem_alloc : memref<!tpu.dma_semaphore, #tpu.memory_space<semaphore_mem>>
          %dma_start3A_99 = arith.constant 0 : i32
          %dma_start3A_100 = tpu.memref_slice %arg5[%add3A_96, %dma_start3A_99] : memref<100008x16xf32, #tpu.memory_space<vmem_shared>> -> memref<125x16xf32, #tpu.memory_space<vmem_shared>>
          %dma_start3A_101 = arith.constant 0 : i32
          %dma_start3A_102 = tpu.memref_slice %arg5[%add3A_96, %dma_start3A_101] : memref<100008x16xf32, #tpu.memory_space<vmem_shared>> -> memref<125x16xf32, #tpu.memory_space<vmem_shared>>
          tpu.enqueue_dma source(%run_scoped3A_2 : memref<125x16xf32, #tpu.memory_space<vmem>>) target(%dma_start3A_102 : memref<125x16xf32, #tpu.memory_space<vmem_shared>>) target_semaphore(%run_scoped3A_98 : memref<!tpu.dma_semaphore, #tpu.memory_space<semaphore_mem>>)
          %dma_wait3A_103 = arith.constant 0 : i32
          %dma_wait3A_104 = tpu.memref_slice %arg5[%add3A_96, %dma_wait3A_103] : memref<100008x16xf32, #tpu.memory_space<vmem_shared>> -> memref<125x16xf32, #tpu.memory_space<vmem_shared>>
          %dma_wait3A_105 = arith.constant 0 : i32
          %dma_wait3A_106 = tpu.memref_slice %arg5[%add3A_96, %dma_wait3A_105] : memref<100008x16xf32, #tpu.memory_space<vmem_shared>> -> memref<125x16xf32, #tpu.memory_space<vmem_shared>>
          tpu.wait_dma2 semaphore(%run_scoped3A_98 : memref<!tpu.dma_semaphore, #tpu.memory_space<semaphore_mem>>) src(%run_scoped3A_2 : memref<125x16xf32, #tpu.memory_space<vmem>>) dst(%dma_wait3A_106 : memref<125x16xf32, #tpu.memory_space<vmem_shared>>)
          tpu.yield
        }) : () -> ()
        %scan3A_97 = arith.constant 0 : i32
        scf.yield %scan3A_97 : i32
      }
      %scan3A_20 = arith.constant 50 : i32
      %barrier3A = arith.constant 0 : index
      tpu.barrier barrier_id(%barrier3A)
      %add3A_21 = arith.constant 0 : i32
      %add3A_22 = arith.addi %add3A, %add3A_21 : i32
      %dma_start3A = arith.constant 0 : i32
      %dma_start3A_23 = arith.constant 0 : i32
      %dma_start3A_24 = arith.constant 0 : i32
      %dma_start3A_25 = tpu.memref_slice %run_scoped3A[%dma_start3A, %dma_start3A_23, %dma_start3A_24] : memref<2x3x128xi32, #tpu.memory_space<vmem>> -> memref<1x3x128xi32, #tpu.memory_space<vmem>>
      %dma_start3A_26 = tpu.memref_squeeze %dma_start3A_25 : memref<1x3x128xi32, #tpu.memory_space<vmem>> -> memref<3x128xi32, #tpu.memory_space<vmem>>
      %dma_start3A_27 = arith.constant 0 : i32
      %dma_start3A_28 = tpu.memref_slice %arg2[%add3A_22, %dma_start3A_27] : memref<12504x128xi32, #tpu.memory_space<hbm>> -> memref<3x128xi32, #tpu.memory_space<hbm>>
      %dma_start3A_29 = arith.constant 0 : i32
      %dma_start3A_30 = arith.constant 0 : i32
      %dma_start3A_31 = tpu.memref_slice %run_scoped3A[%dma_start3A, %dma_start3A_29, %dma_start3A_30] : memref<2x3x128xi32, #tpu.memory_space<vmem>> -> memref<1x3x128xi32, #tpu.memory_space<vmem>>
      %dma_start3A_32 = tpu.memref_squeeze %dma_start3A_31 : memref<1x3x128xi32, #tpu.memory_space<vmem>> -> memref<3x128xi32, #tpu.memory_space<vmem>>
      %dma_start3A_33 = arith.constant 0 : i32
      %dma_start3A_34 = tpu.memref_slice %arg2[%add3A_22, %dma_start3A_33] : memref<12504x128xi32, #tpu.memory_space<hbm>> -> memref<3x128xi32, #tpu.memory_space<hbm>>
      tpu.enqueue_dma source(%dma_start3A_34 : memref<3x128xi32, #tpu.memory_space<hbm>>) target(%dma_start3A_32 : memref<3x128xi32, #tpu.memory_space<vmem>>) target_semaphore(%arg6 : memref<!tpu.dma_semaphore, #tpu.memory_space<semaphore_mem>>)
      %mul3A_35 = arith.constant 16 : i32
      %mul3A_36 = arith.muli %arg0, %mul3A_35 : i32
      %mul3A_37 = arith.constant 128 : i32
      %mul3A_38 = arith.muli %add3A_22, %mul3A_37 : i32
      %dma_start3A_39 = arith.constant 0 : i32
      %dma_start3A_40 = arith.constant 0 : i32
      %dma_start3A_41 = arith.constant 0 : i32
      %dma_start3A_42 = tpu.memref_slice %run_scoped3A_0[%dma_start3A_39, %dma_start3A_40, %dma_start3A_41] : memref<2x16x384xf32, #tpu.memory_space<vmem>> -> memref<1x16x384xf32, #tpu.memory_space<vmem>>
      %dma_start3A_43 = tpu.memref_squeeze %dma_start3A_42 : memref<1x16x384xf32, #tpu.memory_space<vmem>> -> memref<16x384xf32, #tpu.memory_space<vmem>>
      %dma_start3A_44 = tpu.memref_slice %arg3[%mul3A_36, %mul3A_38] : memref<32x1600000xf32, #tpu.memory_space<hbm>> -> memref<16x384xf32, #tpu.memory_space<hbm>>
      %dma_start3A_45 = arith.constant 0 : i32
      %dma_start3A_46 = arith.constant 0 : i32
      %dma_start3A_47 = tpu.memref_slice %run_scoped3A_0[%dma_start3A_39, %dma_start3A_45, %dma_start3A_46] : memref<2x16x384xf32, #tpu.memory_space<vmem>> -> memref<1x16x384xf32, #tpu.memory_space<vmem>>
      %dma_start3A_48 = tpu.memref_squeeze %dma_start3A_47 : memref<1x16x384xf32, #tpu.memory_space<vmem>> -> memref<16x384xf32, #tpu.memory_space<vmem>>
      %dma_start3A_49 = tpu.memref_slice %arg3[%mul3A_36, %mul3A_38] : memref<32x1600000xf32, #tpu.memory_space<hbm>> -> memref<16x384xf32, #tpu.memory_space<hbm>>
      tpu.enqueue_dma source(%dma_start3A_49 : memref<16x384xf32, #tpu.memory_space<hbm>>) target(%dma_start3A_48 : memref<16x384xf32, #tpu.memory_space<vmem>>) target_semaphore(%arg6 : memref<!tpu.dma_semaphore, #tpu.memory_space<semaphore_mem>>)
      %scan3A_50 = arith.constant 0 : i32
      %scan3A_51 = arith.constant 0 : i32
      %scan3A_52 = arith.constant 130 : i32
      %scan3A_53 = arith.addi %scan3A_51, %scan3A_52 : i32
      %scan3A_54 = arith.constant 1 : i32
      %scan3A_55 = scf.for %scan3A_90 = %scan3A_51 to %scan3A_53 step %scan3A_54 iter_args(%scan3A_91 = %scan3A_50) -> (i32)  : i32 {
        %mul3A_92 = arith.constant 2 : i32
        %mul3A_93 = arith.muli %mul3A_92, %scan3A_90 : i32
        %dma_wait3A_94 = arith.constant 0 : i32
        %dma_wait3A_95 = arith.constant 0 : i32
        %dma_wait3A_96 = arith.constant 0 : i32
        %dma_wait3A_97 = tpu.memref_slice %run_scoped3A[%dma_wait3A_94, %dma_wait3A_95, %dma_wait3A_96] : memref<2x3x128xi32, #tpu.memory_space<vmem>> -> memref<1x3x128xi32, #tpu.memory_space<vmem>>
        %dma_wait3A_98 = tpu.memref_squeeze %dma_wait3A_97 : memref<1x3x128xi32, #tpu.memory_space<vmem>> -> memref<3x128xi32, #tpu.memory_space<vmem>>
        %dma_wait3A_99 = arith.constant 0 : i32
        %dma_wait3A_100 = arith.constant 0 : i32
        %dma_wait3A_101 = tpu.memref_slice %arg2[%dma_wait3A_99, %dma_wait3A_100] : memref<12504x128xi32, #tpu.memory_space<hbm>> -> memref<3x128xi32, #tpu.memory_space<hbm>>
        %dma_wait3A_102 = arith.constant 0 : i32
        %dma_wait3A_103 = arith.constant 0 : i32
        %dma_wait3A_104 = tpu.memref_slice %run_scoped3A[%dma_wait3A_94, %dma_wait3A_102, %dma_wait3A_103] : memref<2x3x128xi32, #tpu.memory_space<vmem>> -> memref<1x3x128xi32, #tpu.memory_space<vmem>>
        %dma_wait3A_105 = tpu.memref_squeeze %dma_wait3A_104 : memref<1x3x128xi32, #tpu.memory_space<vmem>> -> memref<3x128xi32, #tpu.memory_space<vmem>>
        %dma_wait3A_106 = arith.constant 0 : i32
        %dma_wait3A_107 = arith.constant 0 : i32
        %dma_wait3A_108 = tpu.memref_slice %arg2[%dma_wait3A_106, %dma_wait3A_107] : memref<12504x128xi32, #tpu.memory_space<hbm>> -> memref<3x128xi32, #tpu.memory_space<hbm>>
        tpu.wait_dma2 semaphore(%arg6 : memref<!tpu.dma_semaphore, #tpu.memory_space<semaphore_mem>>) src(%dma_wait3A_108 : memref<3x128xi32, #tpu.memory_space<hbm>>) dst(%dma_wait3A_105 : memref<3x128xi32, #tpu.memory_space<vmem>>)
        %dma_wait3A_109 = arith.constant 0 : i32
        %dma_wait3A_110 = arith.constant 0 : i32
        %dma_wait3A_111 = arith.constant 0 : i32
        %dma_wait3A_112 = tpu.memref_slice %run_scoped3A_0[%dma_wait3A_109, %dma_wait3A_110, %dma_wait3A_111] : memref<2x16x384xf32, #tpu.memory_space<vmem>> -> memref<1x16x384xf32, #tpu.memory_space<vmem>>
        %dma_wait3A_113 = tpu.memref_squeeze %dma_wait3A_112 : memref<1x16x384xf32, #tpu.memory_space<vmem>> -> memref<16x384xf32, #tpu.memory_space<vmem>>
        %dma_wait3A_114 = arith.constant 0 : i32
        %dma_wait3A_115 = arith.constant 0 : i32
        %dma_wait3A_116 = tpu.memref_slice %arg3[%dma_wait3A_114, %dma_wait3A_115] : memref<32x1600000xf32, #tpu.memory_space<hbm>> -> memref<16x384xf32, #tpu.memory_space<hbm>>
        %dma_wait3A_117 = arith.constant 0 : i32
        %dma_wait3A_118 = arith.constant 0 : i32
        %dma_wait3A_119 = tpu.memref_slice %run_scoped3A_0[%dma_wait3A_109, %dma_wait3A_117, %dma_wait3A_118] : memref<2x16x384xf32, #tpu.memory_space<vmem>> -> memref<1x16x384xf32, #tpu.memory_space<vmem>>
        %dma_wait3A_120 = tpu.memref_squeeze %dma_wait3A_119 : memref<1x16x384xf32, #tpu.memory_space<vmem>> -> memref<16x384xf32, #tpu.memory_space<vmem>>
        %dma_wait3A_121 = arith.constant 0 : i32
        %dma_wait3A_122 = arith.constant 0 : i32
        %dma_wait3A_123 = tpu.memref_slice %arg3[%dma_wait3A_121, %dma_wait3A_122] : memref<32x1600000xf32, #tpu.memory_space<hbm>> -> memref<16x384xf32, #tpu.memory_space<hbm>>
        tpu.wait_dma2 semaphore(%arg6 : memref<!tpu.dma_semaphore, #tpu.memory_space<semaphore_mem>>) src(%dma_wait3A_123 : memref<16x384xf32, #tpu.memory_space<hbm>>) dst(%dma_wait3A_120 : memref<16x384xf32, #tpu.memory_space<vmem>>)
        %ge3A = arith.constant 1 : i32
        %ge3A_124 = arith.cmpi sge, %mul3A_93, %ge3A : i32
        %convert_element_type3A_125 = arith.extui %ge3A_124 : i1 to i32
        %cond3A = arith.constant 0 : i32
        %cond3A_126 = arith.cmpi ne, %convert_element_type3A_125, %cond3A : i32
        scf.if %cond3A_126 {
          %dma_wait3A_273 = arith.constant 1 : i32
          %dma_wait3A_274 = arith.constant 0 : i32
          %dma_wait3A_275 = arith.constant 0 : i32
          %dma_wait3A_276 = tpu.memref_slice %run_scoped3A_1[%dma_wait3A_273, %dma_wait3A_274, %dma_wait3A_275] : memref<2x384x16xf32, #tpu.memory_space<vmem>> -> memref<1x384x16xf32, #tpu.memory_space<vmem>>
          %dma_wait3A_277 = tpu.memref_squeeze %dma_wait3A_276 : memref<1x384x16xf32, #tpu.memory_space<vmem>> -> memref<384x16xf32, #tpu.memory_space<vmem>>
          %dma_wait3A_278 = arith.constant 0 : i32
          %dma_wait3A_279 = arith.constant 0 : i32
          %dma_wait3A_280 = tpu.memref_slice %arg5[%dma_wait3A_278, %dma_wait3A_279] : memref<100008x16xf32, #tpu.memory_space<vmem_shared>> -> memref<384x16xf32, #tpu.memory_space<vmem_shared>>
          %dma_wait3A_281 = arith.constant 0 : i32
          %dma_wait3A_282 = arith.constant 0 : i32
          %dma_wait3A_283 = tpu.memref_slice %arg5[%dma_wait3A_281, %dma_wait3A_282] : memref<100008x16xf32, #tpu.memory_space<vmem_shared>> -> memref<384x16xf32, #tpu.memory_space<vmem_shared>>
          %dma_wait3A_284 = arith.constant 0 : i32
          %dma_wait3A_285 = arith.constant 0 : i32
          %dma_wait3A_286 = tpu.memref_slice %run_scoped3A_1[%dma_wait3A_273, %dma_wait3A_284, %dma_wait3A_285] : memref<2x384x16xf32, #tpu.memory_space<vmem>> -> memref<1x384x16xf32, #tpu.memory_space<vmem>>
          %dma_wait3A_287 = tpu.memref_squeeze %dma_wait3A_286 : memref<1x384x16xf32, #tpu.memory_space<vmem>> -> memref<384x16xf32, #tpu.memory_space<vmem>>
          tpu.wait_dma2 semaphore(%arg9 : memref<!tpu.dma_semaphore, #tpu.memory_space<semaphore_mem>>) src(%dma_wait3A_287 : memref<384x16xf32, #tpu.memory_space<vmem>>) dst(%dma_wait3A_283 : memref<384x16xf32, #tpu.memory_space<vmem_shared>>)
        } else {
        }
        %add3A_127 = arith.constant 1 : i32
        %add3A_128 = arith.addi %mul3A_93, %add3A_127 : i32
        %lt3A_129 = arith.constant 260 : i32
        %lt3A_130 = arith.cmpi slt, %add3A_128, %lt3A_129 : i32
        %convert_element_type3A_131 = arith.extui %lt3A_130 : i1 to i32
        %cond3A_132 = arith.constant 0 : i32
        %cond3A_133 = arith.cmpi ne, %convert_element_type3A_131, %cond3A_132 : i32
        scf.if %cond3A_133 {
          %add3A_273 = arith.constant 1 : i32
          %add3A_274 = arith.addi %mul3A_93, %add3A_273 : i32
          %mul3A_275 = arith.constant 3 : i32
          %mul3A_276 = arith.muli %add3A_274, %mul3A_275 : i32
          %add3A_277 = arith.addi %add3A, %mul3A_276 : i32
          %dma_start3A_278 = arith.constant 1 : i32
          %dma_start3A_279 = arith.constant 0 : i32
          %dma_start3A_280 = arith.constant 0 : i32
          %dma_start3A_281 = tpu.memref_slice %run_scoped3A[%dma_start3A_278, %dma_start3A_279, %dma_start3A_280] : memref<2x3x128xi32, #tpu.memory_space<vmem>> -> memref<1x3x128xi32, #tpu.memory_space<vmem>>
          %dma_start3A_282 = tpu.memref_squeeze %dma_start3A_281 : memref<1x3x128xi32, #tpu.memory_space<vmem>> -> memref<3x128xi32, #tpu.memory_space<vmem>>
          %dma_start3A_283 = arith.constant 0 : i32
          %dma_start3A_284 = tpu.memref_slice %arg2[%add3A_277, %dma_start3A_283] : memref<12504x128xi32, #tpu.memory_space<hbm>> -> memref<3x128xi32, #tpu.memory_space<hbm>>
          %dma_start3A_285 = arith.constant 0 : i32
          %dma_start3A_286 = arith.constant 0 : i32
          %dma_start3A_287 = tpu.memref_slice %run_scoped3A[%dma_start3A_278, %dma_start3A_285, %dma_start3A_286] : memref<2x3x128xi32, #tpu.memory_space<vmem>> -> memref<1x3x128xi32, #tpu.memory_space<vmem>>
          %dma_start3A_288 = tpu.memref_squeeze %dma_start3A_287 : memref<1x3x128xi32, #tpu.memory_space<vmem>> -> memref<3x128xi32, #tpu.memory_space<vmem>>
          %dma_start3A_289 = arith.constant 0 : i32
          %dma_start3A_290 = tpu.memref_slice %arg2[%add3A_277, %dma_start3A_289] : memref<12504x128xi32, #tpu.memory_space<hbm>> -> memref<3x128xi32, #tpu.memory_space<hbm>>
          tpu.enqueue_dma source(%dma_start3A_290 : memref<3x128xi32, #tpu.memory_space<hbm>>) target(%dma_start3A_288 : memref<3x128xi32, #tpu.memory_space<vmem>>) target_semaphore(%arg7 : memref<!tpu.dma_semaphore, #tpu.memory_space<semaphore_mem>>)
          %mul3A_291 = arith.constant 16 : i32
          %mul3A_292 = arith.muli %arg0, %mul3A_291 : i32
          %mul3A_293 = arith.constant 128 : i32
          %mul3A_294 = arith.muli %add3A_277, %mul3A_293 : i32
          %dma_start3A_295 = arith.constant 1 : i32
          %dma_start3A_296 = arith.constant 0 : i32
          %dma_start3A_297 = arith.constant 0 : i32
          %dma_start3A_298 = tpu.memref_slice %run_scoped3A_0[%dma_start3A_295, %dma_start3A_296, %dma_start3A_297] : memref<2x16x384xf32, #tpu.memory_space<vmem>> -> memref<1x16x384xf32, #tpu.memory_space<vmem>>
          %dma_start3A_299 = tpu.memref_squeeze %dma_start3A_298 : memref<1x16x384xf32, #tpu.memory_space<vmem>> -> memref<16x384xf32, #tpu.memory_space<vmem>>
          %dma_start3A_300 = tpu.memref_slice %arg3[%mul3A_292, %mul3A_294] : memref<32x1600000xf32, #tpu.memory_space<hbm>> -> memref<16x384xf32, #tpu.memory_space<hbm>>
          %dma_start3A_301 = arith.constant 0 : i32
          %dma_start3A_302 = arith.constant 0 : i32
          %dma_start3A_303 = tpu.memref_slice %run_scoped3A_0[%dma_start3A_295, %dma_start3A_301, %dma_start3A_302] : memref<2x16x384xf32, #tpu.memory_space<vmem>> -> memref<1x16x384xf32, #tpu.memory_space<vmem>>
          %dma_start3A_304 = tpu.memref_squeeze %dma_start3A_303 : memref<1x16x384xf32, #tpu.memory_space<vmem>> -> memref<16x384xf32, #tpu.memory_space<vmem>>
          %dma_start3A_305 = tpu.memref_slice %arg3[%mul3A_292, %mul3A_294] : memref<32x1600000xf32, #tpu.memory_space<hbm>> -> memref<16x384xf32, #tpu.memory_space<hbm>>
          tpu.enqueue_dma source(%dma_start3A_305 : memref<16x384xf32, #tpu.memory_space<hbm>>) target(%dma_start3A_304 : memref<16x384xf32, #tpu.memory_space<vmem>>) target_semaphore(%arg7 : memref<!tpu.dma_semaphore, #tpu.memory_space<semaphore_mem>>)
        } else {
        }
        %scan3A_134 = arith.constant 0 : i32
        %scan3A_135 = arith.constant 0 : i32
        %scan3A_136 = arith.constant 24 : i32
        %scan3A_137 = arith.addi %scan3A_135, %scan3A_136 : i32
        %scan3A_138 = arith.constant 1 : i32
        %scan3A_139 = scf.for %scan3A_273 = %scan3A_135 to %scan3A_137 step %scan3A_138 iter_args(%scan3A_274 = %scan3A_134) -> (i32)  : i32 {
          %mul3A_275 = arith.constant 16 : i32
          %mul3A_276 = arith.muli %scan3A_273, %mul3A_275 : i32
          %iota3A = tpu.iota {dimensions = array<i32: 0>} : vector<16xi32>
          %add3A_277 = vector.broadcast %mul3A_276 : i32 to vector<16xi32>
          %add3A_278 = arith.addi %iota3A, %add3A_277 : vector<16xi32>
          %get3A = arith.constant 0 : i32
          %get3A_279 = arith.constant 0 : i32
          %get3A_280 = arith.index_cast %get3A : i32 to index
          %get3A_281 = arith.index_cast %get3A_279 : i32 to index
          %get3A_282 = arith.index_cast %mul3A_276 : i32 to index
          %get3A_283 = tpu.vector_load %run_scoped3A_0[%get3A_280, %get3A_281, %get3A_282] {strides = array<i32>} : memref<2x16x384xf32, #tpu.memory_space<vmem>>, vector<16xf32>,
          %broadcast_in_dim3A = arith.constant 0 : i32
          %broadcast_in_dim3A_284 = vector.broadcast %broadcast_in_dim3A : i32 to vector<16xi32>
          %scatter3A = arith.constant 0 : i32
          %scatter3A_285 = arith.constant 0 : i32
          %scatter3A_286 = arith.constant 0 : i32
          %scatter3A_287 = tpu.memref_slice %run_scoped3A_1[%scatter3A, %scatter3A_285, %scatter3A_286] : memref<2x384x16xf32, #tpu.memory_space<vmem>> -> memref<1x384x16xf32, #tpu.memory_space<vmem>>
          %scatter3A_288 = tpu.memref_squeeze %scatter3A_287 : memref<1x384x16xf32, #tpu.memory_space<vmem>> -> memref<384x16xf32, #tpu.memory_space<vmem>>
          tpu.vector_store_idx %scatter3A_288[%add3A_278, %broadcast_in_dim3A_284], %get3A_283 : memref<384x16xf32, #tpu.memory_space<vmem>>[vector<16xi32>, vector<16xi32>], vector<16xf32>,
          %get3A_289 = arith.constant 0 : i32
          %get3A_290 = arith.constant 1 : i32
          %get3A_291 = arith.index_cast %get3A_289 : i32 to index
          %get3A_292 = arith.index_cast %get3A_290 : i32 to index
          %get3A_293 = arith.index_cast %mul3A_276 : i32 to index
          %get3A_294 = tpu.vector_load %run_scoped3A_0[%get3A_291, %get3A_292, %get3A_293] {strides = array<i32>} : memref<2x16x384xf32, #tpu.memory_space<vmem>>, vector<16xf32>,
          %broadcast_in_dim3A_295 = arith.constant 1 : i32
          %broadcast_in_dim3A_296 = vector.broadcast %broadcast_in_dim3A_295 : i32 to vector<16xi32>
          %scatter3A_297 = arith.constant 0 : i32
          %scatter3A_298 = arith.constant 0 : i32
          %scatter3A_299 = arith.constant 0 : i32
          %scatter3A_300 = tpu.memref_slice %run_scoped3A_1[%scatter3A_297, %scatter3A_298, %scatter3A_299] : memref<2x384x16xf32, #tpu.memory_space<vmem>> -> memref<1x384x16xf32, #tpu.memory_space<vmem>>
          %scatter3A_301 = tpu.memref_squeeze %scatter3A_300 : memref<1x384x16xf32, #tpu.memory_space<vmem>> -> memref<384x16xf32, #tpu.memory_space<vmem>>
          tpu.vector_store_idx %scatter3A_301[%add3A_278, %broadcast_in_dim3A_296], %get3A_294 : memref<384x16xf32, #tpu.memory_space<vmem>>[vector<16xi32>, vector<16xi32>], vector<16xf32>,
          %get3A_302 = arith.constant 0 : i32
          %get3A_303 = arith.constant 2 : i32
          %get3A_304 = arith.index_cast %get3A_302 : i32 to index
          %get3A_305 = arith.index_cast %get3A_303 : i32 to index
          %get3A_306 = arith.index_cast %mul3A_276 : i32 to index
          %get3A_307 = tpu.vector_load %run_scoped3A_0[%get3A_304, %get3A_305, %get3A_306] {strides = array<i32>} : memref<2x16x384xf32, #tpu.memory_space<vmem>>, vector<16xf32>,
          %broadcast_in_dim3A_308 = arith.constant 2 : i32
          %broadcast_in_dim3A_309 = vector.broadcast %broadcast_in_dim3A_308 : i32 to vector<16xi32>
          %scatter3A_310 = arith.constant 0 : i32
          %scatter3A_311 = arith.constant 0 : i32
          %scatter3A_312 = arith.constant 0 : i32
          %scatter3A_313 = tpu.memref_slice %run_scoped3A_1[%scatter3A_310, %scatter3A_311, %scatter3A_312] : memref<2x384x16xf32, #tpu.memory_space<vmem>> -> memref<1x384x16xf32, #tpu.memory_space<vmem>>
          %scatter3A_314 = tpu.memref_squeeze %scatter3A_313 : memref<1x384x16xf32, #tpu.memory_space<vmem>> -> memref<384x16xf32, #tpu.memory_space<vmem>>
          tpu.vector_store_idx %scatter3A_314[%add3A_278, %broadcast_in_dim3A_309], %get3A_307 : memref<384x16xf32, #tpu.memory_space<vmem>>[vector<16xi32>, vector<16xi32>], vector<16xf32>,
          %get3A_315 = arith.constant 0 : i32
          %get3A_316 = arith.constant 3 : i32
          %get3A_317 = arith.index_cast %get3A_315 : i32 to index
          %get3A_318 = arith.index_cast %get3A_316 : i32 to index
          %get3A_319 = arith.index_cast %mul3A_276 : i32 to index
          %get3A_320 = tpu.vector_load %run_scoped3A_0[%get3A_317, %get3A_318, %get3A_319] {strides = array<i32>} : memref<2x16x384xf32, #tpu.memory_space<vmem>>, vector<16xf32>,
          %broadcast_in_dim3A_321 = arith.constant 3 : i32
          %broadcast_in_dim3A_322 = vector.broadcast %broadcast_in_dim3A_321 : i32 to vector<16xi32>
          %scatter3A_323 = arith.constant 0 : i32
          %scatter3A_324 = arith.constant 0 : i32
          %scatter3A_325 = arith.constant 0 : i32
          %scatter3A_326 = tpu.memref_slice %run_scoped3A_1[%scatter3A_323, %scatter3A_324, %scatter3A_325] : memref<2x384x16xf32, #tpu.memory_space<vmem>> -> memref<1x384x16xf32, #tpu.memory_space<vmem>>
          %scatter3A_327 = tpu.memref_squeeze %scatter3A_326 : memref<1x384x16xf32, #tpu.memory_space<vmem>> -> memref<384x16xf32, #tpu.memory_space<vmem>>
          tpu.vector_store_idx %scatter3A_327[%add3A_278, %broadcast_in_dim3A_322], %get3A_320 : memref<384x16xf32, #tpu.memory_space<vmem>>[vector<16xi32>, vector<16xi32>], vector<16xf32>,
          %get3A_328 = arith.constant 0 : i32
          %get3A_329 = arith.constant 4 : i32
          %get3A_330 = arith.index_cast %get3A_328 : i32 to index
          %get3A_331 = arith.index_cast %get3A_329 : i32 to index
          %get3A_332 = arith.index_cast %mul3A_276 : i32 to index
          %get3A_333 = tpu.vector_load %run_scoped3A_0[%get3A_330, %get3A_331, %get3A_332] {strides = array<i32>} : memref<2x16x384xf32, #tpu.memory_space<vmem>>, vector<16xf32>,
          %broadcast_in_dim3A_334 = arith.constant 4 : i32
          %broadcast_in_dim3A_335 = vector.broadcast %broadcast_in_dim3A_334 : i32 to vector<16xi32>
          %scatter3A_336 = arith.constant 0 : i32
          %scatter3A_337 = arith.constant 0 : i32
          %scatter3A_338 = arith.constant 0 : i32
          %scatter3A_339 = tpu.memref_slice %run_scoped3A_1[%scatter3A_336, %scatter3A_337, %scatter3A_338] : memref<2x384x16xf32, #tpu.memory_space<vmem>> -> memref<1x384x16xf32, #tpu.memory_space<vmem>>
          %scatter3A_340 = tpu.memref_squeeze %scatter3A_339 : memref<1x384x16xf32, #tpu.memory_space<vmem>> -> memref<384x16xf32, #tpu.memory_space<vmem>>
          tpu.vector_store_idx %scatter3A_340[%add3A_278, %broadcast_in_dim3A_335], %get3A_333 : memref<384x16xf32, #tpu.memory_space<vmem>>[vector<16xi32>, vector<16xi32>], vector<16xf32>,
          %get3A_341 = arith.constant 0 : i32
          %get3A_342 = arith.constant 5 : i32
          %get3A_343 = arith.index_cast %get3A_341 : i32 to index
          %get3A_344 = arith.index_cast %get3A_342 : i32 to index
          %get3A_345 = arith.index_cast %mul3A_276 : i32 to index
          %get3A_346 = tpu.vector_load %run_scoped3A_0[%get3A_343, %get3A_344, %get3A_345] {strides = array<i32>} : memref<2x16x384xf32, #tpu.memory_space<vmem>>, vector<16xf32>,
          %broadcast_in_dim3A_347 = arith.constant 5 : i32
          %broadcast_in_dim3A_348 = vector.broadcast %broadcast_in_dim3A_347 : i32 to vector<16xi32>
          %scatter3A_349 = arith.constant 0 : i32
          %scatter3A_350 = arith.constant 0 : i32
          %scatter3A_351 = arith.constant 0 : i32
          %scatter3A_352 = tpu.memref_slice %run_scoped3A_1[%scatter3A_349, %scatter3A_350, %scatter3A_351] : memref<2x384x16xf32, #tpu.memory_space<vmem>> -> memref<1x384x16xf32, #tpu.memory_space<vmem>>
          %scatter3A_353 = tpu.memref_squeeze %scatter3A_352 : memref<1x384x16xf32, #tpu.memory_space<vmem>> -> memref<384x16xf32, #tpu.memory_space<vmem>>
          tpu.vector_store_idx %scatter3A_353[%add3A_278, %broadcast_in_dim3A_348], %get3A_346 : memref<384x16xf32, #tpu.memory_space<vmem>>[vector<16xi32>, vector<16xi32>], vector<16xf32>,
          %get3A_354 = arith.constant 0 : i32
          %get3A_355 = arith.constant 6 : i32
          %get3A_356 = arith.index_cast %get3A_354 : i32 to index
          %get3A_357 = arith.index_cast %get3A_355 : i32 to index
          %get3A_358 = arith.index_cast %mul3A_276 : i32 to index
          %get3A_359 = tpu.vector_load %run_scoped3A_0[%get3A_356, %get3A_357, %get3A_358] {strides = array<i32>} : memref<2x16x384xf32, #tpu.memory_space<vmem>>, vector<16xf32>,
          %broadcast_in_dim3A_360 = arith.constant 6 : i32
          %broadcast_in_dim3A_361 = vector.broadcast %broadcast_in_dim3A_360 : i32 to vector<16xi32>
          %scatter3A_362 = arith.constant 0 : i32
          %scatter3A_363 = arith.constant 0 : i32
          %scatter3A_364 = arith.constant 0 : i32
          %scatter3A_365 = tpu.memref_slice %run_scoped3A_1[%scatter3A_362, %scatter3A_363, %scatter3A_364] : memref<2x384x16xf32, #tpu.memory_space<vmem>> -> memref<1x384x16xf32, #tpu.memory_space<vmem>>
          %scatter3A_366 = tpu.memref_squeeze %scatter3A_365 : memref<1x384x16xf32, #tpu.memory_space<vmem>> -> memref<384x16xf32, #tpu.memory_space<vmem>>
          tpu.vector_store_idx %scatter3A_366[%add3A_278, %broadcast_in_dim3A_361], %get3A_359 : memref<384x16xf32, #tpu.memory_space<vmem>>[vector<16xi32>, vector<16xi32>], vector<16xf32>,
          %get3A_367 = arith.constant 0 : i32
          %get3A_368 = arith.constant 7 : i32
          %get3A_369 = arith.index_cast %get3A_367 : i32 to index
          %get3A_370 = arith.index_cast %get3A_368 : i32 to index
          %get3A_371 = arith.index_cast %mul3A_276 : i32 to index
          %get3A_372 = tpu.vector_load %run_scoped3A_0[%get3A_369, %get3A_370, %get3A_371] {strides = array<i32>} : memref<2x16x384xf32, #tpu.memory_space<vmem>>, vector<16xf32>,
          %broadcast_in_dim3A_373 = arith.constant 7 : i32
          %broadcast_in_dim3A_374 = vector.broadcast %broadcast_in_dim3A_373 : i32 to vector<16xi32>
          %scatter3A_375 = arith.constant 0 : i32
          %scatter3A_376 = arith.constant 0 : i32
          %scatter3A_377 = arith.constant 0 : i32
          %scatter3A_378 = tpu.memref_slice %run_scoped3A_1[%scatter3A_375, %scatter3A_376, %scatter3A_377] : memref<2x384x16xf32, #tpu.memory_space<vmem>> -> memref<1x384x16xf32, #tpu.memory_space<vmem>>
          %scatter3A_379 = tpu.memref_squeeze %scatter3A_378 : memref<1x384x16xf32, #tpu.memory_space<vmem>> -> memref<384x16xf32, #tpu.memory_space<vmem>>
          tpu.vector_store_idx %scatter3A_379[%add3A_278, %broadcast_in_dim3A_374], %get3A_372 : memref<384x16xf32, #tpu.memory_space<vmem>>[vector<16xi32>, vector<16xi32>], vector<16xf32>,
          %get3A_380 = arith.constant 0 : i32
          %get3A_381 = arith.constant 8 : i32
          %get3A_382 = arith.index_cast %get3A_380 : i32 to index
          %get3A_383 = arith.index_cast %get3A_381 : i32 to index
          %get3A_384 = arith.index_cast %mul3A_276 : i32 to index
          %get3A_385 = tpu.vector_load %run_scoped3A_0[%get3A_382, %get3A_383, %get3A_384] {strides = array<i32>} : memref<2x16x384xf32, #tpu.memory_space<vmem>>, vector<16xf32>,
          %broadcast_in_dim3A_386 = arith.constant 8 : i32
          %broadcast_in_dim3A_387 = vector.broadcast %broadcast_in_dim3A_386 : i32 to vector<16xi32>
          %scatter3A_388 = arith.constant 0 : i32
          %scatter3A_389 = arith.constant 0 : i32
          %scatter3A_390 = arith.constant 0 : i32
          %scatter3A_391 = tpu.memref_slice %run_scoped3A_1[%scatter3A_388, %scatter3A_389, %scatter3A_390] : memref<2x384x16xf32, #tpu.memory_space<vmem>> -> memref<1x384x16xf32, #tpu.memory_space<vmem>>
          %scatter3A_392 = tpu.memref_squeeze %scatter3A_391 : memref<1x384x16xf32, #tpu.memory_space<vmem>> -> memref<384x16xf32, #tpu.memory_space<vmem>>
          tpu.vector_store_idx %scatter3A_392[%add3A_278, %broadcast_in_dim3A_387], %get3A_385 : memref<384x16xf32, #tpu.memory_space<vmem>>[vector<16xi32>, vector<16xi32>], vector<16xf32>,
          %get3A_393 = arith.constant 0 : i32
          %get3A_394 = arith.constant 9 : i32
          %get3A_395 = arith.index_cast %get3A_393 : i32 to index
          %get3A_396 = arith.index_cast %get3A_394 : i32 to index
          %get3A_397 = arith.index_cast %mul3A_276 : i32 to index
          %get3A_398 = tpu.vector_load %run_scoped3A_0[%get3A_395, %get3A_396, %get3A_397] {strides = array<i32>} : memref<2x16x384xf32, #tpu.memory_space<vmem>>, vector<16xf32>,
          %broadcast_in_dim3A_399 = arith.constant 9 : i32
          %broadcast_in_dim3A_400 = vector.broadcast %broadcast_in_dim3A_399 : i32 to vector<16xi32>
          %scatter3A_401 = arith.constant 0 : i32
          %scatter3A_402 = arith.constant 0 : i32
          %scatter3A_403 = arith.constant 0 : i32
          %scatter3A_404 = tpu.memref_slice %run_scoped3A_1[%scatter3A_401, %scatter3A_402, %scatter3A_403] : memref<2x384x16xf32, #tpu.memory_space<vmem>> -> memref<1x384x16xf32, #tpu.memory_space<vmem>>
          %scatter3A_405 = tpu.memref_squeeze %scatter3A_404 : memref<1x384x16xf32, #tpu.memory_space<vmem>> -> memref<384x16xf32, #tpu.memory_space<vmem>>
          tpu.vector_store_idx %scatter3A_405[%add3A_278, %broadcast_in_dim3A_400], %get3A_398 : memref<384x16xf32, #tpu.memory_space<vmem>>[vector<16xi32>, vector<16xi32>], vector<16xf32>,
          %get3A_406 = arith.constant 0 : i32
          %get3A_407 = arith.constant 10 : i32
          %get3A_408 = arith.index_cast %get3A_406 : i32 to index
          %get3A_409 = arith.index_cast %get3A_407 : i32 to index
          %get3A_410 = arith.index_cast %mul3A_276 : i32 to index
          %get3A_411 = tpu.vector_load %run_scoped3A_0[%get3A_408, %get3A_409, %get3A_410] {strides = array<i32>} : memref<2x16x384xf32, #tpu.memory_space<vmem>>, vector<16xf32>,
          %broadcast_in_dim3A_412 = arith.constant 10 : i32
          %broadcast_in_dim3A_413 = vector.broadcast %broadcast_in_dim3A_412 : i32 to vector<16xi32>
          %scatter3A_414 = arith.constant 0 : i32
          %scatter3A_415 = arith.constant 0 : i32
          %scatter3A_416 = arith.constant 0 : i32
          %scatter3A_417 = tpu.memref_slice %run_scoped3A_1[%scatter3A_414, %scatter3A_415, %scatter3A_416] : memref<2x384x16xf32, #tpu.memory_space<vmem>> -> memref<1x384x16xf32, #tpu.memory_space<vmem>>
          %scatter3A_418 = tpu.memref_squeeze %scatter3A_417 : memref<1x384x16xf32, #tpu.memory_space<vmem>> -> memref<384x16xf32, #tpu.memory_space<vmem>>
          tpu.vector_store_idx %scatter3A_418[%add3A_278, %broadcast_in_dim3A_413], %get3A_411 : memref<384x16xf32, #tpu.memory_space<vmem>>[vector<16xi32>, vector<16xi32>], vector<16xf32>,
          %get3A_419 = arith.constant 0 : i32
          %get3A_420 = arith.constant 11 : i32
          %get3A_421 = arith.index_cast %get3A_419 : i32 to index
          %get3A_422 = arith.index_cast %get3A_420 : i32 to index
          %get3A_423 = arith.index_cast %mul3A_276 : i32 to index
          %get3A_424 = tpu.vector_load %run_scoped3A_0[%get3A_421, %get3A_422, %get3A_423] {strides = array<i32>} : memref<2x16x384xf32, #tpu.memory_space<vmem>>, vector<16xf32>,
          %broadcast_in_dim3A_425 = arith.constant 11 : i32
          %broadcast_in_dim3A_426 = vector.broadcast %broadcast_in_dim3A_425 : i32 to vector<16xi32>
          %scatter3A_427 = arith.constant 0 : i32
          %scatter3A_428 = arith.constant 0 : i32
          %scatter3A_429 = arith.constant 0 : i32
          %scatter3A_430 = tpu.memref_slice %run_scoped3A_1[%scatter3A_427, %scatter3A_428, %scatter3A_429] : memref<2x384x16xf32, #tpu.memory_space<vmem>> -> memref<1x384x16xf32, #tpu.memory_space<vmem>>
          %scatter3A_431 = tpu.memref_squeeze %scatter3A_430 : memref<1x384x16xf32, #tpu.memory_space<vmem>> -> memref<384x16xf32, #tpu.memory_space<vmem>>
          tpu.vector_store_idx %scatter3A_431[%add3A_278, %broadcast_in_dim3A_426], %get3A_424 : memref<384x16xf32, #tpu.memory_space<vmem>>[vector<16xi32>, vector<16xi32>], vector<16xf32>,
          %get3A_432 = arith.constant 0 : i32
          %get3A_433 = arith.constant 12 : i32
          %get3A_434 = arith.index_cast %get3A_432 : i32 to index
          %get3A_435 = arith.index_cast %get3A_433 : i32 to index
          %get3A_436 = arith.index_cast %mul3A_276 : i32 to index
          %get3A_437 = tpu.vector_load %run_scoped3A_0[%get3A_434, %get3A_435, %get3A_436] {strides = array<i32>} : memref<2x16x384xf32, #tpu.memory_space<vmem>>, vector<16xf32>,
          %broadcast_in_dim3A_438 = arith.constant 12 : i32
          %broadcast_in_dim3A_439 = vector.broadcast %broadcast_in_dim3A_438 : i32 to vector<16xi32>
          %scatter3A_440 = arith.constant 0 : i32
          %scatter3A_441 = arith.constant 0 : i32
          %scatter3A_442 = arith.constant 0 : i32
          %scatter3A_443 = tpu.memref_slice %run_scoped3A_1[%scatter3A_440, %scatter3A_441, %scatter3A_442] : memref<2x384x16xf32, #tpu.memory_space<vmem>> -> memref<1x384x16xf32, #tpu.memory_space<vmem>>
          %scatter3A_444 = tpu.memref_squeeze %scatter3A_443 : memref<1x384x16xf32, #tpu.memory_space<vmem>> -> memref<384x16xf32, #tpu.memory_space<vmem>>
          tpu.vector_store_idx %scatter3A_444[%add3A_278, %broadcast_in_dim3A_439], %get3A_437 : memref<384x16xf32, #tpu.memory_space<vmem>>[vector<16xi32>, vector<16xi32>], vector<16xf32>,
          %get3A_445 = arith.constant 0 : i32
          %get3A_446 = arith.constant 13 : i32
          %get3A_447 = arith.index_cast %get3A_445 : i32 to index
          %get3A_448 = arith.index_cast %get3A_446 : i32 to index
          %get3A_449 = arith.index_cast %mul3A_276 : i32 to index
          %get3A_450 = tpu.vector_load %run_scoped3A_0[%get3A_447, %get3A_448, %get3A_449] {strides = array<i32>} : memref<2x16x384xf32, #tpu.memory_space<vmem>>, vector<16xf32>,
          %broadcast_in_dim3A_451 = arith.constant 13 : i32
          %broadcast_in_dim3A_452 = vector.broadcast %broadcast_in_dim3A_451 : i32 to vector<16xi32>
          %scatter3A_453 = arith.constant 0 : i32
          %scatter3A_454 = arith.constant 0 : i32
          %scatter3A_455 = arith.constant 0 : i32
          %scatter3A_456 = tpu.memref_slice %run_scoped3A_1[%scatter3A_453, %scatter3A_454, %scatter3A_455] : memref<2x384x16xf32, #tpu.memory_space<vmem>> -> memref<1x384x16xf32, #tpu.memory_space<vmem>>
          %scatter3A_457 = tpu.memref_squeeze %scatter3A_456 : memref<1x384x16xf32, #tpu.memory_space<vmem>> -> memref<384x16xf32, #tpu.memory_space<vmem>>
          tpu.vector_store_idx %scatter3A_457[%add3A_278, %broadcast_in_dim3A_452], %get3A_450 : memref<384x16xf32, #tpu.memory_space<vmem>>[vector<16xi32>, vector<16xi32>], vector<16xf32>,
          %get3A_458 = arith.constant 0 : i32
          %get3A_459 = arith.constant 14 : i32
          %get3A_460 = arith.index_cast %get3A_458 : i32 to index
          %get3A_461 = arith.index_cast %get3A_459 : i32 to index
          %get3A_462 = arith.index_cast %mul3A_276 : i32 to index
          %get3A_463 = tpu.vector_load %run_scoped3A_0[%get3A_460, %get3A_461, %get3A_462] {strides = array<i32>} : memref<2x16x384xf32, #tpu.memory_space<vmem>>, vector<16xf32>,
          %broadcast_in_dim3A_464 = arith.constant 14 : i32
          %broadcast_in_dim3A_465 = vector.broadcast %broadcast_in_dim3A_464 : i32 to vector<16xi32>
          %scatter3A_466 = arith.constant 0 : i32
          %scatter3A_467 = arith.constant 0 : i32
          %scatter3A_468 = arith.constant 0 : i32
          %scatter3A_469 = tpu.memref_slice %run_scoped3A_1[%scatter3A_466, %scatter3A_467, %scatter3A_468] : memref<2x384x16xf32, #tpu.memory_space<vmem>> -> memref<1x384x16xf32, #tpu.memory_space<vmem>>
          %scatter3A_470 = tpu.memref_squeeze %scatter3A_469 : memref<1x384x16xf32, #tpu.memory_space<vmem>> -> memref<384x16xf32, #tpu.memory_space<vmem>>
          tpu.vector_store_idx %scatter3A_470[%add3A_278, %broadcast_in_dim3A_465], %get3A_463 : memref<384x16xf32, #tpu.memory_space<vmem>>[vector<16xi32>, vector<16xi32>], vector<16xf32>,
          %get3A_471 = arith.constant 0 : i32
          %get3A_472 = arith.constant 15 : i32
          %get3A_473 = arith.index_cast %get3A_471 : i32 to index
          %get3A_474 = arith.index_cast %get3A_472 : i32 to index
          %get3A_475 = arith.index_cast %mul3A_276 : i32 to index
          %get3A_476 = tpu.vector_load %run_scoped3A_0[%get3A_473, %get3A_474, %get3A_475] {strides = array<i32>} : memref<2x16x384xf32, #tpu.memory_space<vmem>>, vector<16xf32>,
          %broadcast_in_dim3A_477 = arith.constant 15 : i32
          %broadcast_in_dim3A_478 = vector.broadcast %broadcast_in_dim3A_477 : i32 to vector<16xi32>
          %scatter3A_479 = arith.constant 0 : i32
          %scatter3A_480 = arith.constant 0 : i32
          %scatter3A_481 = arith.constant 0 : i32
          %scatter3A_482 = tpu.memref_slice %run_scoped3A_1[%scatter3A_479, %scatter3A_480, %scatter3A_481] : memref<2x384x16xf32, #tpu.memory_space<vmem>> -> memref<1x384x16xf32, #tpu.memory_space<vmem>>
          %scatter3A_483 = tpu.memref_squeeze %scatter3A_482 : memref<1x384x16xf32, #tpu.memory_space<vmem>> -> memref<384x16xf32, #tpu.memory_space<vmem>>
          tpu.vector_store_idx %scatter3A_483[%add3A_278, %broadcast_in_dim3A_478], %get3A_476 : memref<384x16xf32, #tpu.memory_space<vmem>>[vector<16xi32>, vector<16xi32>], vector<16xf32>,
          %scan3A_484 = arith.constant 0 : i32
          scf.yield %scan3A_484 : i32
        }
        %scan3A_140 = arith.constant 24 : i32
        %dma_start3A_141 = arith.constant 0 : i32
        %dma_start3A_142 = arith.constant 0 : i32
        %dma_start3A_143 = arith.constant 0 : i32
        %dma_start3A_144 = arith.constant 0 : i32
        %dma_start3A_145 = arith.constant 0 : i32
        %dma_start3A_146 = tpu.memref_slice %run_scoped3A_1[%dma_start3A_141, %dma_start3A_144, %dma_start3A_145] : memref<2x384x16xf32, #tpu.memory_space<vmem>> -> memref<1x128x16xf32, #tpu.memory_space<vmem>>
        %dma_start3A_147 = tpu.memref_squeeze %dma_start3A_146 : memref<1x128x16xf32, #tpu.memory_space<vmem>> -> memref<128x16xf32, #tpu.memory_space<vmem>>
        %dma_start3A_148 = arith.constant 0 : i32
        %dma_start3A_149 = tpu.memref_slice %run_scoped3A[%dma_start3A_142, %dma_start3A_143, %dma_start3A_148] : memref<2x3x128xi32, #tpu.memory_space<vmem>> -> memref<1x1x128xi32, #tpu.memory_space<vmem>>
        %dma_start3A_150 = tpu.memref_squeeze %dma_start3A_149 : memref<1x1x128xi32, #tpu.memory_space<vmem>> -> memref<128xi32, #tpu.memory_space<vmem>>
        %dma_start3A_151 = arith.constant 0 : i32
        %dma_start3A_152 = arith.constant 0 : i32
        %dma_start3A_153 = tpu.memref_slice %arg5[%dma_start3A_151, %dma_start3A_152] : memref<100008x16xf32, #tpu.memory_space<vmem_shared>> -> memref<100008x16xf32, #tpu.memory_space<vmem_shared>>
        tpu.enqueue_indirect_dma source(%dma_start3A_147 : memref<128x16xf32, #tpu.memory_space<vmem>>) target(%dma_start3A_153 : memref<100008x16xf32, #tpu.memory_space<vmem_shared>>) offsets(%dma_start3A_150 : memref<128xi32, #tpu.memory_space<vmem>>) semaphore(%arg8 : memref<!tpu.dma_semaphore, #tpu.memory_space<semaphore_mem>>) {add = true}
        %dma_start3A_154 = arith.constant 0 : i32
        %dma_start3A_155 = arith.constant 0 : i32
        %dma_start3A_156 = arith.constant 1 : i32
        %dma_start3A_157 = arith.constant 128 : i32
        %dma_start3A_158 = arith.constant 0 : i32
        %dma_start3A_159 = tpu.memref_slice %run_scoped3A_1[%dma_start3A_154, %dma_start3A_157, %dma_start3A_158] : memref<2x384x16xf32, #tpu.memory_space<vmem>> -> memref<1x128x16xf32, #tpu.memory_space<vmem>>
        %dma_start3A_160 = tpu.memref_squeeze %dma_start3A_159 : memref<1x128x16xf32, #tpu.memory_space<vmem>> -> memref<128x16xf32, #tpu.memory_space<vmem>>
        %dma_start3A_161 = arith.constant 0 : i32
        %dma_start3A_162 = tpu.memref_slice %run_scoped3A[%dma_start3A_155, %dma_start3A_156, %dma_start3A_161] : memref<2x3x128xi32, #tpu.memory_space<vmem>> -> memref<1x1x128xi32, #tpu.memory_space<vmem>>
        %dma_start3A_163 = tpu.memref_squeeze %dma_start3A_162 : memref<1x1x128xi32, #tpu.memory_space<vmem>> -> memref<128xi32, #tpu.memory_space<vmem>>
        %dma_start3A_164 = arith.constant 0 : i32
        %dma_start3A_165 = arith.constant 0 : i32
        %dma_start3A_166 = tpu.memref_slice %arg5[%dma_start3A_164, %dma_start3A_165] : memref<100008x16xf32, #tpu.memory_space<vmem_shared>> -> memref<100008x16xf32, #tpu.memory_space<vmem_shared>>
        tpu.enqueue_indirect_dma source(%dma_start3A_160 : memref<128x16xf32, #tpu.memory_space<vmem>>) target(%dma_start3A_166 : memref<100008x16xf32, #tpu.memory_space<vmem_shared>>) offsets(%dma_start3A_163 : memref<128xi32, #tpu.memory_space<vmem>>) semaphore(%arg8 : memref<!tpu.dma_semaphore, #tpu.memory_space<semaphore_mem>>) {add = true}
        %dma_start3A_167 = arith.constant 0 : i32
        %dma_start3A_168 = arith.constant 0 : i32
        %dma_start3A_169 = arith.constant 2 : i32
        %dma_start3A_170 = arith.constant 256 : i32
        %dma_start3A_171 = arith.constant 0 : i32
        %dma_start3A_172 = tpu.memref_slice %run_scoped3A_1[%dma_start3A_167, %dma_start3A_170, %dma_start3A_171] : memref<2x384x16xf32, #tpu.memory_space<vmem>> -> memref<1x128x16xf32, #tpu.memory_space<vmem>>
        %dma_start3A_173 = tpu.memref_squeeze %dma_start3A_172 : memref<1x128x16xf32, #tpu.memory_space<vmem>> -> memref<128x16xf32, #tpu.memory_space<vmem>>
        %dma_start3A_174 = arith.constant 0 : i32
        %dma_start3A_175 = tpu.memref_slice %run_scoped3A[%dma_start3A_168, %dma_start3A_169, %dma_start3A_174] : memref<2x3x128xi32, #tpu.memory_space<vmem>> -> memref<1x1x128xi32, #tpu.memory_space<vmem>>
        %dma_start3A_176 = tpu.memref_squeeze %dma_start3A_175 : memref<1x1x128xi32, #tpu.memory_space<vmem>> -> memref<128xi32, #tpu.memory_space<vmem>>
        %dma_start3A_177 = arith.constant 0 : i32
        %dma_start3A_178 = arith.constant 0 : i32
        %dma_start3A_179 = tpu.memref_slice %arg5[%dma_start3A_177, %dma_start3A_178] : memref<100008x16xf32, #tpu.memory_space<vmem_shared>> -> memref<100008x16xf32, #tpu.memory_space<vmem_shared>>
        tpu.enqueue_indirect_dma source(%dma_start3A_173 : memref<128x16xf32, #tpu.memory_space<vmem>>) target(%dma_start3A_179 : memref<100008x16xf32, #tpu.memory_space<vmem_shared>>) offsets(%dma_start3A_176 : memref<128xi32, #tpu.memory_space<vmem>>) semaphore(%arg8 : memref<!tpu.dma_semaphore, #tpu.memory_space<semaphore_mem>>) {add = true}
        %mul3A_180 = arith.constant 2 : i32
        %mul3A_181 = arith.muli %mul3A_180, %scan3A_90 : i32
        %add3A_182 = arith.constant 1 : i32
        %add3A_183 = arith.addi %mul3A_181, %add3A_182 : i32
        %dma_wait3A_184 = arith.constant 1 : i32
        %dma_wait3A_185 = arith.constant 0 : i32
        %dma_wait3A_186 = arith.constant 0 : i32
        %dma_wait3A_187 = tpu.memref_slice %run_scoped3A[%dma_wait3A_184, %dma_wait3A_185, %dma_wait3A_186] : memref<2x3x128xi32, #tpu.memory_space<vmem>> -> memref<1x3x128xi32, #tpu.memory_space<vmem>>
        %dma_wait3A_188 = tpu.memref_squeeze %dma_wait3A_187 : memref<1x3x128xi32, #tpu.memory_space<vmem>> -> memref<3x128xi32, #tpu.memory_space<vmem>>
        %dma_wait3A_189 = arith.constant 0 : i32
        %dma_wait3A_190 = arith.constant 0 : i32
        %dma_wait3A_191 = tpu.memref_slice %arg2[%dma_wait3A_189, %dma_wait3A_190] : memref<12504x128xi32, #tpu.memory_space<hbm>> -> memref<3x128xi32, #tpu.memory_space<hbm>>
        %dma_wait3A_192 = arith.constant 0 : i32
        %dma_wait3A_193 = arith.constant 0 : i32
        %dma_wait3A_194 = tpu.memref_slice %run_scoped3A[%dma_wait3A_184, %dma_wait3A_192, %dma_wait3A_193] : memref<2x3x128xi32, #tpu.memory_space<vmem>> -> memref<1x3x128xi32, #tpu.memory_space<vmem>>
        %dma_wait3A_195 = tpu.memref_squeeze %dma_wait3A_194 : memref<1x3x128xi32, #tpu.memory_space<vmem>> -> memref<3x128xi32, #tpu.memory_space<vmem>>
        %dma_wait3A_196 = arith.constant 0 : i32
        %dma_wait3A_197 = arith.constant 0 : i32
        %dma_wait3A_198 = tpu.memref_slice %arg2[%dma_wait3A_196, %dma_wait3A_197] : memref<12504x128xi32, #tpu.memory_space<hbm>> -> memref<3x128xi32, #tpu.memory_space<hbm>>
        tpu.wait_dma2 semaphore(%arg7 : memref<!tpu.dma_semaphore, #tpu.memory_space<semaphore_mem>>) src(%dma_wait3A_198 : memref<3x128xi32, #tpu.memory_space<hbm>>) dst(%dma_wait3A_195 : memref<3x128xi32, #tpu.memory_space<vmem>>)
        %dma_wait3A_199 = arith.constant 1 : i32
        %dma_wait3A_200 = arith.constant 0 : i32
        %dma_wait3A_201 = arith.constant 0 : i32
        %dma_wait3A_202 = tpu.memref_slice %run_scoped3A_0[%dma_wait3A_199, %dma_wait3A_200, %dma_wait3A_201] : memref<2x16x384xf32, #tpu.memory_space<vmem>> -> memref<1x16x384xf32, #tpu.memory_space<vmem>>
        %dma_wait3A_203 = tpu.memref_squeeze %dma_wait3A_202 : memref<1x16x384xf32, #tpu.memory_space<vmem>> -> memref<16x384xf32, #tpu.memory_space<vmem>>
        %dma_wait3A_204 = arith.constant 0 : i32
        %dma_wait3A_205 = arith.constant 0 : i32
        %dma_wait3A_206 = tpu.memref_slice %arg3[%dma_wait3A_204, %dma_wait3A_205] : memref<32x1600000xf32, #tpu.memory_space<hbm>> -> memref<16x384xf32, #tpu.memory_space<hbm>>
        %dma_wait3A_207 = arith.constant 0 : i32
        %dma_wait3A_208 = arith.constant 0 : i32
        %dma_wait3A_209 = tpu.memref_slice %run_scoped3A_0[%dma_wait3A_199, %dma_wait3A_207, %dma_wait3A_208] : memref<2x16x384xf32, #tpu.memory_space<vmem>> -> memref<1x16x384xf32, #tpu.memory_space<vmem>>
        %dma_wait3A_210 = tpu.memref_squeeze %dma_wait3A_209 : memref<1x16x384xf32, #tpu.memory_space<vmem>> -> memref<16x384xf32, #tpu.memory_space<vmem>>
        %dma_wait3A_211 = arith.constant 0 : i32
        %dma_wait3A_212 = arith.constant 0 : i32
        %dma_wait3A_213 = tpu.memref_slice %arg3[%dma_wait3A_211, %dma_wait3A_212] : memref<32x1600000xf32, #tpu.memory_space<hbm>> -> memref<16x384xf32, #tpu.memory_space<hbm>>
        tpu.wait_dma2 semaphore(%arg7 : memref<!tpu.dma_semaphore, #tpu.memory_space<semaphore_mem>>) src(%dma_wait3A_213 : memref<16x384xf32, #tpu.memory_space<hbm>>) dst(%dma_wait3A_210 : memref<16x384xf32, #tpu.memory_space<vmem>>)
        %ge3A_214 = arith.constant 1 : i32
        %ge3A_215 = arith.cmpi sge, %add3A_183, %ge3A_214 : i32
        %convert_element_type3A_216 = arith.extui %ge3A_215 : i1 to i32
        %cond3A_217 = arith.constant 0 : i32
        %cond3A_218 = arith.cmpi ne, %convert_element_type3A_216, %cond3A_217 : i32
        scf.if %cond3A_218 {
          %dma_wait3A_273 = arith.constant 0 : i32
          %dma_wait3A_274 = arith.constant 0 : i32
          %dma_wait3A_275 = arith.constant 0 : i32
          %dma_wait3A_276 = tpu.memref_slice %run_scoped3A_1[%dma_wait3A_273, %dma_wait3A_274, %dma_wait3A_275] : memref<2x384x16xf32, #tpu.memory_space<vmem>> -> memref<1x384x16xf32, #tpu.memory_space<vmem>>
          %dma_wait3A_277 = tpu.memref_squeeze %dma_wait3A_276 : memref<1x384x16xf32, #tpu.memory_space<vmem>> -> memref<384x16xf32, #tpu.memory_space<vmem>>
          %dma_wait3A_278 = arith.constant 0 : i32
          %dma_wait3A_279 = arith.constant 0 : i32
          %dma_wait3A_280 = tpu.memref_slice %arg5[%dma_wait3A_278, %dma_wait3A_279] : memref<100008x16xf32, #tpu.memory_space<vmem_shared>> -> memref<384x16xf32, #tpu.memory_space<vmem_shared>>
          %dma_wait3A_281 = arith.constant 0 : i32
          %dma_wait3A_282 = arith.constant 0 : i32
          %dma_wait3A_283 = tpu.memref_slice %arg5[%dma_wait3A_281, %dma_wait3A_282] : memref<100008x16xf32, #tpu.memory_space<vmem_shared>> -> memref<384x16xf32, #tpu.memory_space<vmem_shared>>
          %dma_wait3A_284 = arith.constant 0 : i32
          %dma_wait3A_285 = arith.constant 0 : i32
          %dma_wait3A_286 = tpu.memref_slice %run_scoped3A_1[%dma_wait3A_273, %dma_wait3A_284, %dma_wait3A_285] : memref<2x384x16xf32, #tpu.memory_space<vmem>> -> memref<1x384x16xf32, #tpu.memory_space<vmem>>
          %dma_wait3A_287 = tpu.memref_squeeze %dma_wait3A_286 : memref<1x384x16xf32, #tpu.memory_space<vmem>> -> memref<384x16xf32, #tpu.memory_space<vmem>>
          tpu.wait_dma2 semaphore(%arg8 : memref<!tpu.dma_semaphore, #tpu.memory_space<semaphore_mem>>) src(%dma_wait3A_287 : memref<384x16xf32, #tpu.memory_space<vmem>>) dst(%dma_wait3A_283 : memref<384x16xf32, #tpu.memory_space<vmem_shared>>)
        } else {
        }
        %add3A_219 = arith.constant 1 : i32
        %add3A_220 = arith.addi %add3A_183, %add3A_219 : i32
        %lt3A_221 = arith.constant 260 : i32
        %lt3A_222 = arith.cmpi slt, %add3A_220, %lt3A_221 : i32
        %convert_element_type3A_223 = arith.extui %lt3A_222 : i1 to i32
        %cond3A_224 = arith.constant 0 : i32
        %cond3A_225 = arith.cmpi ne, %convert_element_type3A_223, %cond3A_224 : i32
        scf.if %cond3A_225 {
          %add3A_273 = arith.constant 1 : i32
          %add3A_274 = arith.addi %add3A_183, %add3A_273 : i32
          %mul3A_275 = arith.constant 3 : i32
          %mul3A_276 = arith.muli %add3A_274, %mul3A_275 : i32
          %add3A_277 = arith.addi %add3A, %mul3A_276 : i32
          %dma_start3A_278 = arith.constant 0 : i32
          %dma_start3A_279 = arith.constant 0 : i32
          %dma_start3A_280 = arith.constant 0 : i32
          %dma_start3A_281 = tpu.memref_slice %run_scoped3A[%dma_start3A_278, %dma_start3A_279, %dma_start3A_280] : memref<2x3x128xi32, #tpu.memory_space<vmem>> -> memref<1x3x128xi32, #tpu.memory_space<vmem>>
          %dma_start3A_282 = tpu.memref_squeeze %dma_start3A_281 : memref<1x3x128xi32, #tpu.memory_space<vmem>> -> memref<3x128xi32, #tpu.memory_space<vmem>>
          %dma_start3A_283 = arith.constant 0 : i32
          %dma_start3A_284 = tpu.memref_slice %arg2[%add3A_277, %dma_start3A_283] : memref<12504x128xi32, #tpu.memory_space<hbm>> -> memref<3x128xi32, #tpu.memory_space<hbm>>
          %dma_start3A_285 = arith.constant 0 : i32
          %dma_start3A_286 = arith.constant 0 : i32
          %dma_start3A_287 = tpu.memref_slice %run_scoped3A[%dma_start3A_278, %dma_start3A_285, %dma_start3A_286] : memref<2x3x128xi32, #tpu.memory_space<vmem>> -> memref<1x3x128xi32, #tpu.memory_space<vmem>>
          %dma_start3A_288 = tpu.memref_squeeze %dma_start3A_287 : memref<1x3x128xi32, #tpu.memory_space<vmem>> -> memref<3x128xi32, #tpu.memory_space<vmem>>
          %dma_start3A_289 = arith.constant 0 : i32
          %dma_start3A_290 = tpu.memref_slice %arg2[%add3A_277, %dma_start3A_289] : memref<12504x128xi32, #tpu.memory_space<hbm>> -> memref<3x128xi32, #tpu.memory_space<hbm>>
          tpu.enqueue_dma source(%dma_start3A_290 : memref<3x128xi32, #tpu.memory_space<hbm>>) target(%dma_start3A_288 : memref<3x128xi32, #tpu.memory_space<vmem>>) target_semaphore(%arg6 : memref<!tpu.dma_semaphore, #tpu.memory_space<semaphore_mem>>)
          %mul3A_291 = arith.constant 16 : i32
          %mul3A_292 = arith.muli %arg0, %mul3A_291 : i32
          %mul3A_293 = arith.constant 128 : i32
          %mul3A_294 = arith.muli %add3A_277, %mul3A_293 : i32
          %dma_start3A_295 = arith.constant 0 : i32
          %dma_start3A_296 = arith.constant 0 : i32
          %dma_start3A_297 = arith.constant 0 : i32
          %dma_start3A_298 = tpu.memref_slice %run_scoped3A_0[%dma_start3A_295, %dma_start3A_296, %dma_start3A_297] : memref<2x16x384xf32, #tpu.memory_space<vmem>> -> memref<1x16x384xf32, #tpu.memory_space<vmem>>
          %dma_start3A_299 = tpu.memref_squeeze %dma_start3A_298 : memref<1x16x384xf32, #tpu.memory_space<vmem>> -> memref<16x384xf32, #tpu.memory_space<vmem>>
          %dma_start3A_300 = tpu.memref_slice %arg3[%mul3A_292, %mul3A_294] : memref<32x1600000xf32, #tpu.memory_space<hbm>> -> memref<16x384xf32, #tpu.memory_space<hbm>>
          %dma_start3A_301 = arith.constant 0 : i32
          %dma_start3A_302 = arith.constant 0 : i32
          %dma_start3A_303 = tpu.memref_slice %run_scoped3A_0[%dma_start3A_295, %dma_start3A_301, %dma_start3A_302] : memref<2x16x384xf32, #tpu.memory_space<vmem>> -> memref<1x16x384xf32, #tpu.memory_space<vmem>>
          %dma_start3A_304 = tpu.memref_squeeze %dma_start3A_303 : memref<1x16x384xf32, #tpu.memory_space<vmem>> -> memref<16x384xf32, #tpu.memory_space<vmem>>
          %dma_start3A_305 = tpu.memref_slice %arg3[%mul3A_292, %mul3A_294] : memref<32x1600000xf32, #tpu.memory_space<hbm>> -> memref<16x384xf32, #tpu.memory_space<hbm>>
          tpu.enqueue_dma source(%dma_start3A_305 : memref<16x384xf32, #tpu.memory_space<hbm>>) target(%dma_start3A_304 : memref<16x384xf32, #tpu.memory_space<vmem>>) target_semaphore(%arg6 : memref<!tpu.dma_semaphore, #tpu.memory_space<semaphore_mem>>)
        } else {
        }
        %scan3A_226 = arith.constant 0 : i32
        %scan3A_227 = arith.constant 0 : i32
        %scan3A_228 = arith.constant 24 : i32
        %scan3A_229 = arith.addi %scan3A_227, %scan3A_228 : i32
        %scan3A_230 = arith.constant 1 : i32
        %scan3A_231 = scf.for %scan3A_273 = %scan3A_227 to %scan3A_229 step %scan3A_230 iter_args(%scan3A_274 = %scan3A_226) -> (i32)  : i32 {
          %mul3A_275 = arith.constant 16 : i32
          %mul3A_276 = arith.muli %scan3A_273, %mul3A_275 : i32
          %iota3A = tpu.iota {dimensions = array<i32: 0>} : vector<16xi32>
          %add3A_277 = vector.broadcast %mul3A_276 : i32 to vector<16xi32>
          %add3A_278 = arith.addi %iota3A, %add3A_277 : vector<16xi32>
          %get3A = arith.constant 1 : i32
          %get3A_279 = arith.constant 0 : i32
          %get3A_280 = arith.index_cast %get3A : i32 to index
          %get3A_281 = arith.index_cast %get3A_279 : i32 to index
          %get3A_282 = arith.index_cast %mul3A_276 : i32 to index
          %get3A_283 = tpu.vector_load %run_scoped3A_0[%get3A_280, %get3A_281, %get3A_282] {strides = array<i32>} : memref<2x16x384xf32, #tpu.memory_space<vmem>>, vector<16xf32>,
          %broadcast_in_dim3A = arith.constant 0 : i32
          %broadcast_in_dim3A_284 = vector.broadcast %broadcast_in_dim3A : i32 to vector<16xi32>
          %scatter3A = arith.constant 1 : i32
          %scatter3A_285 = arith.constant 0 : i32
          %scatter3A_286 = arith.constant 0 : i32
          %scatter3A_287 = tpu.memref_slice %run_scoped3A_1[%scatter3A, %scatter3A_285, %scatter3A_286] : memref<2x384x16xf32, #tpu.memory_space<vmem>> -> memref<1x384x16xf32, #tpu.memory_space<vmem>>
          %scatter3A_288 = tpu.memref_squeeze %scatter3A_287 : memref<1x384x16xf32, #tpu.memory_space<vmem>> -> memref<384x16xf32, #tpu.memory_space<vmem>>
          tpu.vector_store_idx %scatter3A_288[%add3A_278, %broadcast_in_dim3A_284], %get3A_283 : memref<384x16xf32, #tpu.memory_space<vmem>>[vector<16xi32>, vector<16xi32>], vector<16xf32>,
          %get3A_289 = arith.constant 1 : i32
          %get3A_290 = arith.constant 1 : i32
          %get3A_291 = arith.index_cast %get3A_289 : i32 to index
          %get3A_292 = arith.index_cast %get3A_290 : i32 to index
          %get3A_293 = arith.index_cast %mul3A_276 : i32 to index
          %get3A_294 = tpu.vector_load %run_scoped3A_0[%get3A_291, %get3A_292, %get3A_293] {strides = array<i32>} : memref<2x16x384xf32, #tpu.memory_space<vmem>>, vector<16xf32>,
          %broadcast_in_dim3A_295 = arith.constant 1 : i32
          %broadcast_in_dim3A_296 = vector.broadcast %broadcast_in_dim3A_295 : i32 to vector<16xi32>
          %scatter3A_297 = arith.constant 1 : i32
          %scatter3A_298 = arith.constant 0 : i32
          %scatter3A_299 = arith.constant 0 : i32
          %scatter3A_300 = tpu.memref_slice %run_scoped3A_1[%scatter3A_297, %scatter3A_298, %scatter3A_299] : memref<2x384x16xf32, #tpu.memory_space<vmem>> -> memref<1x384x16xf32, #tpu.memory_space<vmem>>
          %scatter3A_301 = tpu.memref_squeeze %scatter3A_300 : memref<1x384x16xf32, #tpu.memory_space<vmem>> -> memref<384x16xf32, #tpu.memory_space<vmem>>
          tpu.vector_store_idx %scatter3A_301[%add3A_278, %broadcast_in_dim3A_296], %get3A_294 : memref<384x16xf32, #tpu.memory_space<vmem>>[vector<16xi32>, vector<16xi32>], vector<16xf32>,
          %get3A_302 = arith.constant 1 : i32
          %get3A_303 = arith.constant 2 : i32
          %get3A_304 = arith.index_cast %get3A_302 : i32 to index
          %get3A_305 = arith.index_cast %get3A_303 : i32 to index
          %get3A_306 = arith.index_cast %mul3A_276 : i32 to index
          %get3A_307 = tpu.vector_load %run_scoped3A_0[%get3A_304, %get3A_305, %get3A_306] {strides = array<i32>} : memref<2x16x384xf32, #tpu.memory_space<vmem>>, vector<16xf32>,
          %broadcast_in_dim3A_308 = arith.constant 2 : i32
          %broadcast_in_dim3A_309 = vector.broadcast %broadcast_in_dim3A_308 : i32 to vector<16xi32>
          %scatter3A_310 = arith.constant 1 : i32
          %scatter3A_311 = arith.constant 0 : i32
          %scatter3A_312 = arith.constant 0 : i32
          %scatter3A_313 = tpu.memref_slice %run_scoped3A_1[%scatter3A_310, %scatter3A_311, %scatter3A_312] : memref<2x384x16xf32, #tpu.memory_space<vmem>> -> memref<1x384x16xf32, #tpu.memory_space<vmem>>
          %scatter3A_314 = tpu.memref_squeeze %scatter3A_313 : memref<1x384x16xf32, #tpu.memory_space<vmem>> -> memref<384x16xf32, #tpu.memory_space<vmem>>
          tpu.vector_store_idx %scatter3A_314[%add3A_278, %broadcast_in_dim3A_309], %get3A_307 : memref<384x16xf32, #tpu.memory_space<vmem>>[vector<16xi32>, vector<16xi32>], vector<16xf32>,
          %get3A_315 = arith.constant 1 : i32
          %get3A_316 = arith.constant 3 : i32
          %get3A_317 = arith.index_cast %get3A_315 : i32 to index
          %get3A_318 = arith.index_cast %get3A_316 : i32 to index
          %get3A_319 = arith.index_cast %mul3A_276 : i32 to index
          %get3A_320 = tpu.vector_load %run_scoped3A_0[%get3A_317, %get3A_318, %get3A_319] {strides = array<i32>} : memref<2x16x384xf32, #tpu.memory_space<vmem>>, vector<16xf32>,
          %broadcast_in_dim3A_321 = arith.constant 3 : i32
          %broadcast_in_dim3A_322 = vector.broadcast %broadcast_in_dim3A_321 : i32 to vector<16xi32>
          %scatter3A_323 = arith.constant 1 : i32
          %scatter3A_324 = arith.constant 0 : i32
          %scatter3A_325 = arith.constant 0 : i32
          %scatter3A_326 = tpu.memref_slice %run_scoped3A_1[%scatter3A_323, %scatter3A_324, %scatter3A_325] : memref<2x384x16xf32, #tpu.memory_space<vmem>> -> memref<1x384x16xf32, #tpu.memory_space<vmem>>
          %scatter3A_327 = tpu.memref_squeeze %scatter3A_326 : memref<1x384x16xf32, #tpu.memory_space<vmem>> -> memref<384x16xf32, #tpu.memory_space<vmem>>
          tpu.vector_store_idx %scatter3A_327[%add3A_278, %broadcast_in_dim3A_322], %get3A_320 : memref<384x16xf32, #tpu.memory_space<vmem>>[vector<16xi32>, vector<16xi32>], vector<16xf32>,
          %get3A_328 = arith.constant 1 : i32
          %get3A_329 = arith.constant 4 : i32
          %get3A_330 = arith.index_cast %get3A_328 : i32 to index
          %get3A_331 = arith.index_cast %get3A_329 : i32 to index
          %get3A_332 = arith.index_cast %mul3A_276 : i32 to index
          %get3A_333 = tpu.vector_load %run_scoped3A_0[%get3A_330, %get3A_331, %get3A_332] {strides = array<i32>} : memref<2x16x384xf32, #tpu.memory_space<vmem>>, vector<16xf32>,
          %broadcast_in_dim3A_334 = arith.constant 4 : i32
          %broadcast_in_dim3A_335 = vector.broadcast %broadcast_in_dim3A_334 : i32 to vector<16xi32>
          %scatter3A_336 = arith.constant 1 : i32
          %scatter3A_337 = arith.constant 0 : i32
          %scatter3A_338 = arith.constant 0 : i32
          %scatter3A_339 = tpu.memref_slice %run_scoped3A_1[%scatter3A_336, %scatter3A_337, %scatter3A_338] : memref<2x384x16xf32, #tpu.memory_space<vmem>> -> memref<1x384x16xf32, #tpu.memory_space<vmem>>
          %scatter3A_340 = tpu.memref_squeeze %scatter3A_339 : memref<1x384x16xf32, #tpu.memory_space<vmem>> -> memref<384x16xf32, #tpu.memory_space<vmem>>
          tpu.vector_store_idx %scatter3A_340[%add3A_278, %broadcast_in_dim3A_335], %get3A_333 : memref<384x16xf32, #tpu.memory_space<vmem>>[vector<16xi32>, vector<16xi32>], vector<16xf32>,
          %get3A_341 = arith.constant 1 : i32
          %get3A_342 = arith.constant 5 : i32
          %get3A_343 = arith.index_cast %get3A_341 : i32 to index
          %get3A_344 = arith.index_cast %get3A_342 : i32 to index
          %get3A_345 = arith.index_cast %mul3A_276 : i32 to index
          %get3A_346 = tpu.vector_load %run_scoped3A_0[%get3A_343, %get3A_344, %get3A_345] {strides = array<i32>} : memref<2x16x384xf32, #tpu.memory_space<vmem>>, vector<16xf32>,
          %broadcast_in_dim3A_347 = arith.constant 5 : i32
          %broadcast_in_dim3A_348 = vector.broadcast %broadcast_in_dim3A_347 : i32 to vector<16xi32>
          %scatter3A_349 = arith.constant 1 : i32
          %scatter3A_350 = arith.constant 0 : i32
          %scatter3A_351 = arith.constant 0 : i32
          %scatter3A_352 = tpu.memref_slice %run_scoped3A_1[%scatter3A_349, %scatter3A_350, %scatter3A_351] : memref<2x384x16xf32, #tpu.memory_space<vmem>> -> memref<1x384x16xf32, #tpu.memory_space<vmem>>
          %scatter3A_353 = tpu.memref_squeeze %scatter3A_352 : memref<1x384x16xf32, #tpu.memory_space<vmem>> -> memref<384x16xf32, #tpu.memory_space<vmem>>
          tpu.vector_store_idx %scatter3A_353[%add3A_278, %broadcast_in_dim3A_348], %get3A_346 : memref<384x16xf32, #tpu.memory_space<vmem>>[vector<16xi32>, vector<16xi32>], vector<16xf32>,
          %get3A_354 = arith.constant 1 : i32
          %get3A_355 = arith.constant 6 : i32
          %get3A_356 = arith.index_cast %get3A_354 : i32 to index
          %get3A_357 = arith.index_cast %get3A_355 : i32 to index
          %get3A_358 = arith.index_cast %mul3A_276 : i32 to index
          %get3A_359 = tpu.vector_load %run_scoped3A_0[%get3A_356, %get3A_357, %get3A_358] {strides = array<i32>} : memref<2x16x384xf32, #tpu.memory_space<vmem>>, vector<16xf32>,
          %broadcast_in_dim3A_360 = arith.constant 6 : i32
          %broadcast_in_dim3A_361 = vector.broadcast %broadcast_in_dim3A_360 : i32 to vector<16xi32>
          %scatter3A_362 = arith.constant 1 : i32
          %scatter3A_363 = arith.constant 0 : i32
          %scatter3A_364 = arith.constant 0 : i32
          %scatter3A_365 = tpu.memref_slice %run_scoped3A_1[%scatter3A_362, %scatter3A_363, %scatter3A_364] : memref<2x384x16xf32, #tpu.memory_space<vmem>> -> memref<1x384x16xf32, #tpu.memory_space<vmem>>
          %scatter3A_366 = tpu.memref_squeeze %scatter3A_365 : memref<1x384x16xf32, #tpu.memory_space<vmem>> -> memref<384x16xf32, #tpu.memory_space<vmem>>
          tpu.vector_store_idx %scatter3A_366[%add3A_278, %broadcast_in_dim3A_361], %get3A_359 : memref<384x16xf32, #tpu.memory_space<vmem>>[vector<16xi32>, vector<16xi32>], vector<16xf32>,
          %get3A_367 = arith.constant 1 : i32
          %get3A_368 = arith.constant 7 : i32
          %get3A_369 = arith.index_cast %get3A_367 : i32 to index
          %get3A_370 = arith.index_cast %get3A_368 : i32 to index
          %get3A_371 = arith.index_cast %mul3A_276 : i32 to index
          %get3A_372 = tpu.vector_load %run_scoped3A_0[%get3A_369, %get3A_370, %get3A_371] {strides = array<i32>} : memref<2x16x384xf32, #tpu.memory_space<vmem>>, vector<16xf32>,
          %broadcast_in_dim3A_373 = arith.constant 7 : i32
          %broadcast_in_dim3A_374 = vector.broadcast %broadcast_in_dim3A_373 : i32 to vector<16xi32>
          %scatter3A_375 = arith.constant 1 : i32
          %scatter3A_376 = arith.constant 0 : i32
          %scatter3A_377 = arith.constant 0 : i32
          %scatter3A_378 = tpu.memref_slice %run_scoped3A_1[%scatter3A_375, %scatter3A_376, %scatter3A_377] : memref<2x384x16xf32, #tpu.memory_space<vmem>> -> memref<1x384x16xf32, #tpu.memory_space<vmem>>
          %scatter3A_379 = tpu.memref_squeeze %scatter3A_378 : memref<1x384x16xf32, #tpu.memory_space<vmem>> -> memref<384x16xf32, #tpu.memory_space<vmem>>
          tpu.vector_store_idx %scatter3A_379[%add3A_278, %broadcast_in_dim3A_374], %get3A_372 : memref<384x16xf32, #tpu.memory_space<vmem>>[vector<16xi32>, vector<16xi32>], vector<16xf32>,
          %get3A_380 = arith.constant 1 : i32
          %get3A_381 = arith.constant 8 : i32
          %get3A_382 = arith.index_cast %get3A_380 : i32 to index
          %get3A_383 = arith.index_cast %get3A_381 : i32 to index
          %get3A_384 = arith.index_cast %mul3A_276 : i32 to index
          %get3A_385 = tpu.vector_load %run_scoped3A_0[%get3A_382, %get3A_383, %get3A_384] {strides = array<i32>} : memref<2x16x384xf32, #tpu.memory_space<vmem>>, vector<16xf32>,
          %broadcast_in_dim3A_386 = arith.constant 8 : i32
          %broadcast_in_dim3A_387 = vector.broadcast %broadcast_in_dim3A_386 : i32 to vector<16xi32>
          %scatter3A_388 = arith.constant 1 : i32
          %scatter3A_389 = arith.constant 0 : i32
          %scatter3A_390 = arith.constant 0 : i32
          %scatter3A_391 = tpu.memref_slice %run_scoped3A_1[%scatter3A_388, %scatter3A_389, %scatter3A_390] : memref<2x384x16xf32, #tpu.memory_space<vmem>> -> memref<1x384x16xf32, #tpu.memory_space<vmem>>
          %scatter3A_392 = tpu.memref_squeeze %scatter3A_391 : memref<1x384x16xf32, #tpu.memory_space<vmem>> -> memref<384x16xf32, #tpu.memory_space<vmem>>
          tpu.vector_store_idx %scatter3A_392[%add3A_278, %broadcast_in_dim3A_387], %get3A_385 : memref<384x16xf32, #tpu.memory_space<vmem>>[vector<16xi32>, vector<16xi32>], vector<16xf32>,
          %get3A_393 = arith.constant 1 : i32
          %get3A_394 = arith.constant 9 : i32
          %get3A_395 = arith.index_cast %get3A_393 : i32 to index
          %get3A_396 = arith.index_cast %get3A_394 : i32 to index
          %get3A_397 = arith.index_cast %mul3A_276 : i32 to index
          %get3A_398 = tpu.vector_load %run_scoped3A_0[%get3A_395, %get3A_396, %get3A_397] {strides = array<i32>} : memref<2x16x384xf32, #tpu.memory_space<vmem>>, vector<16xf32>,
          %broadcast_in_dim3A_399 = arith.constant 9 : i32
          %broadcast_in_dim3A_400 = vector.broadcast %broadcast_in_dim3A_399 : i32 to vector<16xi32>
          %scatter3A_401 = arith.constant 1 : i32
          %scatter3A_402 = arith.constant 0 : i32
          %scatter3A_403 = arith.constant 0 : i32
          %scatter3A_404 = tpu.memref_slice %run_scoped3A_1[%scatter3A_401, %scatter3A_402, %scatter3A_403] : memref<2x384x16xf32, #tpu.memory_space<vmem>> -> memref<1x384x16xf32, #tpu.memory_space<vmem>>
          %scatter3A_405 = tpu.memref_squeeze %scatter3A_404 : memref<1x384x16xf32, #tpu.memory_space<vmem>> -> memref<384x16xf32, #tpu.memory_space<vmem>>
          tpu.vector_store_idx %scatter3A_405[%add3A_278, %broadcast_in_dim3A_400], %get3A_398 : memref<384x16xf32, #tpu.memory_space<vmem>>[vector<16xi32>, vector<16xi32>], vector<16xf32>,
          %get3A_406 = arith.constant 1 : i32
          %get3A_407 = arith.constant 10 : i32
          %get3A_408 = arith.index_cast %get3A_406 : i32 to index
          %get3A_409 = arith.index_cast %get3A_407 : i32 to index
          %get3A_410 = arith.index_cast %mul3A_276 : i32 to index
          %get3A_411 = tpu.vector_load %run_scoped3A_0[%get3A_408, %get3A_409, %get3A_410] {strides = array<i32>} : memref<2x16x384xf32, #tpu.memory_space<vmem>>, vector<16xf32>,
          %broadcast_in_dim3A_412 = arith.constant 10 : i32
          %broadcast_in_dim3A_413 = vector.broadcast %broadcast_in_dim3A_412 : i32 to vector<16xi32>
          %scatter3A_414 = arith.constant 1 : i32
          %scatter3A_415 = arith.constant 0 : i32
          %scatter3A_416 = arith.constant 0 : i32
          %scatter3A_417 = tpu.memref_slice %run_scoped3A_1[%scatter3A_414, %scatter3A_415, %scatter3A_416] : memref<2x384x16xf32, #tpu.memory_space<vmem>> -> memref<1x384x16xf32, #tpu.memory_space<vmem>>
          %scatter3A_418 = tpu.memref_squeeze %scatter3A_417 : memref<1x384x16xf32, #tpu.memory_space<vmem>> -> memref<384x16xf32, #tpu.memory_space<vmem>>
          tpu.vector_store_idx %scatter3A_418[%add3A_278, %broadcast_in_dim3A_413], %get3A_411 : memref<384x16xf32, #tpu.memory_space<vmem>>[vector<16xi32>, vector<16xi32>], vector<16xf32>,
          %get3A_419 = arith.constant 1 : i32
          %get3A_420 = arith.constant 11 : i32
          %get3A_421 = arith.index_cast %get3A_419 : i32 to index
          %get3A_422 = arith.index_cast %get3A_420 : i32 to index
          %get3A_423 = arith.index_cast %mul3A_276 : i32 to index
          %get3A_424 = tpu.vector_load %run_scoped3A_0[%get3A_421, %get3A_422, %get3A_423] {strides = array<i32>} : memref<2x16x384xf32, #tpu.memory_space<vmem>>, vector<16xf32>,
          %broadcast_in_dim3A_425 = arith.constant 11 : i32
          %broadcast_in_dim3A_426 = vector.broadcast %broadcast_in_dim3A_425 : i32 to vector<16xi32>
          %scatter3A_427 = arith.constant 1 : i32
          %scatter3A_428 = arith.constant 0 : i32
          %scatter3A_429 = arith.constant 0 : i32
          %scatter3A_430 = tpu.memref_slice %run_scoped3A_1[%scatter3A_427, %scatter3A_428, %scatter3A_429] : memref<2x384x16xf32, #tpu.memory_space<vmem>> -> memref<1x384x16xf32, #tpu.memory_space<vmem>>
          %scatter3A_431 = tpu.memref_squeeze %scatter3A_430 : memref<1x384x16xf32, #tpu.memory_space<vmem>> -> memref<384x16xf32, #tpu.memory_space<vmem>>
          tpu.vector_store_idx %scatter3A_431[%add3A_278, %broadcast_in_dim3A_426], %get3A_424 : memref<384x16xf32, #tpu.memory_space<vmem>>[vector<16xi32>, vector<16xi32>], vector<16xf32>,
          %get3A_432 = arith.constant 1 : i32
          %get3A_433 = arith.constant 12 : i32
          %get3A_434 = arith.index_cast %get3A_432 : i32 to index
          %get3A_435 = arith.index_cast %get3A_433 : i32 to index
          %get3A_436 = arith.index_cast %mul3A_276 : i32 to index
          %get3A_437 = tpu.vector_load %run_scoped3A_0[%get3A_434, %get3A_435, %get3A_436] {strides = array<i32>} : memref<2x16x384xf32, #tpu.memory_space<vmem>>, vector<16xf32>,
          %broadcast_in_dim3A_438 = arith.constant 12 : i32
          %broadcast_in_dim3A_439 = vector.broadcast %broadcast_in_dim3A_438 : i32 to vector<16xi32>
          %scatter3A_440 = arith.constant 1 : i32
          %scatter3A_441 = arith.constant 0 : i32
          %scatter3A_442 = arith.constant 0 : i32
          %scatter3A_443 = tpu.memref_slice %run_scoped3A_1[%scatter3A_440, %scatter3A_441, %scatter3A_442] : memref<2x384x16xf32, #tpu.memory_space<vmem>> -> memref<1x384x16xf32, #tpu.memory_space<vmem>>
          %scatter3A_444 = tpu.memref_squeeze %scatter3A_443 : memref<1x384x16xf32, #tpu.memory_space<vmem>> -> memref<384x16xf32, #tpu.memory_space<vmem>>
          tpu.vector_store_idx %scatter3A_444[%add3A_278, %broadcast_in_dim3A_439], %get3A_437 : memref<384x16xf32, #tpu.memory_space<vmem>>[vector<16xi32>, vector<16xi32>], vector<16xf32>,
          %get3A_445 = arith.constant 1 : i32
          %get3A_446 = arith.constant 13 : i32
          %get3A_447 = arith.index_cast %get3A_445 : i32 to index
          %get3A_448 = arith.index_cast %get3A_446 : i32 to index
          %get3A_449 = arith.index_cast %mul3A_276 : i32 to index
          %get3A_450 = tpu.vector_load %run_scoped3A_0[%get3A_447, %get3A_448, %get3A_449] {strides = array<i32>} : memref<2x16x384xf32, #tpu.memory_space<vmem>>, vector<16xf32>,
          %broadcast_in_dim3A_451 = arith.constant 13 : i32
          %broadcast_in_dim3A_452 = vector.broadcast %broadcast_in_dim3A_451 : i32 to vector<16xi32>
          %scatter3A_453 = arith.constant 1 : i32
          %scatter3A_454 = arith.constant 0 : i32
          %scatter3A_455 = arith.constant 0 : i32
          %scatter3A_456 = tpu.memref_slice %run_scoped3A_1[%scatter3A_453, %scatter3A_454, %scatter3A_455] : memref<2x384x16xf32, #tpu.memory_space<vmem>> -> memref<1x384x16xf32, #tpu.memory_space<vmem>>
          %scatter3A_457 = tpu.memref_squeeze %scatter3A_456 : memref<1x384x16xf32, #tpu.memory_space<vmem>> -> memref<384x16xf32, #tpu.memory_space<vmem>>
          tpu.vector_store_idx %scatter3A_457[%add3A_278, %broadcast_in_dim3A_452], %get3A_450 : memref<384x16xf32, #tpu.memory_space<vmem>>[vector<16xi32>, vector<16xi32>], vector<16xf32>,
          %get3A_458 = arith.constant 1 : i32
          %get3A_459 = arith.constant 14 : i32
          %get3A_460 = arith.index_cast %get3A_458 : i32 to index
          %get3A_461 = arith.index_cast %get3A_459 : i32 to index
          %get3A_462 = arith.index_cast %mul3A_276 : i32 to index
          %get3A_463 = tpu.vector_load %run_scoped3A_0[%get3A_460, %get3A_461, %get3A_462] {strides = array<i32>} : memref<2x16x384xf32, #tpu.memory_space<vmem>>, vector<16xf32>,
          %broadcast_in_dim3A_464 = arith.constant 14 : i32
          %broadcast_in_dim3A_465 = vector.broadcast %broadcast_in_dim3A_464 : i32 to vector<16xi32>
          %scatter3A_466 = arith.constant 1 : i32
          %scatter3A_467 = arith.constant 0 : i32
          %scatter3A_468 = arith.constant 0 : i32
          %scatter3A_469 = tpu.memref_slice %run_scoped3A_1[%scatter3A_466, %scatter3A_467, %scatter3A_468] : memref<2x384x16xf32, #tpu.memory_space<vmem>> -> memref<1x384x16xf32, #tpu.memory_space<vmem>>
          %scatter3A_470 = tpu.memref_squeeze %scatter3A_469 : memref<1x384x16xf32, #tpu.memory_space<vmem>> -> memref<384x16xf32, #tpu.memory_space<vmem>>
          tpu.vector_store_idx %scatter3A_470[%add3A_278, %broadcast_in_dim3A_465], %get3A_463 : memref<384x16xf32, #tpu.memory_space<vmem>>[vector<16xi32>, vector<16xi32>], vector<16xf32>,
          %get3A_471 = arith.constant 1 : i32
          %get3A_472 = arith.constant 15 : i32
          %get3A_473 = arith.index_cast %get3A_471 : i32 to index
          %get3A_474 = arith.index_cast %get3A_472 : i32 to index
          %get3A_475 = arith.index_cast %mul3A_276 : i32 to index
          %get3A_476 = tpu.vector_load %run_scoped3A_0[%get3A_473, %get3A_474, %get3A_475] {strides = array<i32>} : memref<2x16x384xf32, #tpu.memory_space<vmem>>, vector<16xf32>,
          %broadcast_in_dim3A_477 = arith.constant 15 : i32
          %broadcast_in_dim3A_478 = vector.broadcast %broadcast_in_dim3A_477 : i32 to vector<16xi32>
          %scatter3A_479 = arith.constant 1 : i32
          %scatter3A_480 = arith.constant 0 : i32
          %scatter3A_481 = arith.constant 0 : i32
          %scatter3A_482 = tpu.memref_slice %run_scoped3A_1[%scatter3A_479, %scatter3A_480, %scatter3A_481] : memref<2x384x16xf32, #tpu.memory_space<vmem>> -> memref<1x384x16xf32, #tpu.memory_space<vmem>>
          %scatter3A_483 = tpu.memref_squeeze %scatter3A_482 : memref<1x384x16xf32, #tpu.memory_space<vmem>> -> memref<384x16xf32, #tpu.memory_space<vmem>>
          tpu.vector_store_idx %scatter3A_483[%add3A_278, %broadcast_in_dim3A_478], %get3A_476 : memref<384x16xf32, #tpu.memory_space<vmem>>[vector<16xi32>, vector<16xi32>], vector<16xf32>,
          %scan3A_484 = arith.constant 0 : i32
          scf.yield %scan3A_484 : i32
        }
        %scan3A_232 = arith.constant 24 : i32
        %dma_start3A_233 = arith.constant 1 : i32
        %dma_start3A_234 = arith.constant 1 : i32
        %dma_start3A_235 = arith.constant 0 : i32
        %dma_start3A_236 = arith.constant 0 : i32
        %dma_start3A_237 = arith.constant 0 : i32
        %dma_start3A_238 = tpu.memref_slice %run_scoped3A_1[%dma_start3A_233, %dma_start3A_236, %dma_start3A_237] : memref<2x384x16xf32, #tpu.memory_space<vmem>> -> memref<1x128x16xf32, #tpu.memory_space<vmem>>
        %dma_start3A_239 = tpu.memref_squeeze %dma_start3A_238 : memref<1x128x16xf32, #tpu.memory_space<vmem>> -> memref<128x16xf32, #tpu.memory_space<vmem>>
        %dma_start3A_240 = arith.constant 0 : i32
        %dma_start3A_241 = tpu.memref_slice %run_scoped3A[%dma_start3A_234, %dma_start3A_235, %dma_start3A_240] : memref<2x3x128xi32, #tpu.memory_space<vmem>> -> memref<1x1x128xi32, #tpu.memory_space<vmem>>
        %dma_start3A_242 = tpu.memref_squeeze %dma_start3A_241 : memref<1x1x128xi32, #tpu.memory_space<vmem>> -> memref<128xi32, #tpu.memory_space<vmem>>
        %dma_start3A_243 = arith.constant 0 : i32
        %dma_start3A_244 = arith.constant 0 : i32
        %dma_start3A_245 = tpu.memref_slice %arg5[%dma_start3A_243, %dma_start3A_244] : memref<100008x16xf32, #tpu.memory_space<vmem_shared>> -> memref<100008x16xf32, #tpu.memory_space<vmem_shared>>
        tpu.enqueue_indirect_dma source(%dma_start3A_239 : memref<128x16xf32, #tpu.memory_space<vmem>>) target(%dma_start3A_245 : memref<100008x16xf32, #tpu.memory_space<vmem_shared>>) offsets(%dma_start3A_242 : memref<128xi32, #tpu.memory_space<vmem>>) semaphore(%arg9 : memref<!tpu.dma_semaphore, #tpu.memory_space<semaphore_mem>>) {add = true}
        %dma_start3A_246 = arith.constant 1 : i32
        %dma_start3A_247 = arith.constant 1 : i32
        %dma_start3A_248 = arith.constant 1 : i32
        %dma_start3A_249 = arith.constant 128 : i32
        %dma_start3A_250 = arith.constant 0 : i32
        %dma_start3A_251 = tpu.memref_slice %run_scoped3A_1[%dma_start3A_246, %dma_start3A_249, %dma_start3A_250] : memref<2x384x16xf32, #tpu.memory_space<vmem>> -> memref<1x128x16xf32, #tpu.memory_space<vmem>>
        %dma_start3A_252 = tpu.memref_squeeze %dma_start3A_251 : memref<1x128x16xf32, #tpu.memory_space<vmem>> -> memref<128x16xf32, #tpu.memory_space<vmem>>
        %dma_start3A_253 = arith.constant 0 : i32
        %dma_start3A_254 = tpu.memref_slice %run_scoped3A[%dma_start3A_247, %dma_start3A_248, %dma_start3A_253] : memref<2x3x128xi32, #tpu.memory_space<vmem>> -> memref<1x1x128xi32, #tpu.memory_space<vmem>>
        %dma_start3A_255 = tpu.memref_squeeze %dma_start3A_254 : memref<1x1x128xi32, #tpu.memory_space<vmem>> -> memref<128xi32, #tpu.memory_space<vmem>>
        %dma_start3A_256 = arith.constant 0 : i32
        %dma_start3A_257 = arith.constant 0 : i32
        %dma_start3A_258 = tpu.memref_slice %arg5[%dma_start3A_256, %dma_start3A_257] : memref<100008x16xf32, #tpu.memory_space<vmem_shared>> -> memref<100008x16xf32, #tpu.memory_space<vmem_shared>>
        tpu.enqueue_indirect_dma source(%dma_start3A_252 : memref<128x16xf32, #tpu.memory_space<vmem>>) target(%dma_start3A_258 : memref<100008x16xf32, #tpu.memory_space<vmem_shared>>) offsets(%dma_start3A_255 : memref<128xi32, #tpu.memory_space<vmem>>) semaphore(%arg9 : memref<!tpu.dma_semaphore, #tpu.memory_space<semaphore_mem>>) {add = true}
        %dma_start3A_259 = arith.constant 1 : i32
        %dma_start3A_260 = arith.constant 1 : i32
        %dma_start3A_261 = arith.constant 2 : i32
        %dma_start3A_262 = arith.constant 256 : i32
        %dma_start3A_263 = arith.constant 0 : i32
        %dma_start3A_264 = tpu.memref_slice %run_scoped3A_1[%dma_start3A_259, %dma_start3A_262, %dma_start3A_263] : memref<2x384x16xf32, #tpu.memory_space<vmem>> -> memref<1x128x16xf32, #tpu.memory_space<vmem>>
        %dma_start3A_265 = tpu.memref_squeeze %dma_start3A_264 : memref<1x128x16xf32, #tpu.memory_space<vmem>> -> memref<128x16xf32, #tpu.memory_space<vmem>>
        %dma_start3A_266 = arith.constant 0 : i32
        %dma_start3A_267 = tpu.memref_slice %run_scoped3A[%dma_start3A_260, %dma_start3A_261, %dma_start3A_266] : memref<2x3x128xi32, #tpu.memory_space<vmem>> -> memref<1x1x128xi32, #tpu.memory_space<vmem>>
        %dma_start3A_268 = tpu.memref_squeeze %dma_start3A_267 : memref<1x1x128xi32, #tpu.memory_space<vmem>> -> memref<128xi32, #tpu.memory_space<vmem>>
        %dma_start3A_269 = arith.constant 0 : i32
        %dma_start3A_270 = arith.constant 0 : i32
        %dma_start3A_271 = tpu.memref_slice %arg5[%dma_start3A_269, %dma_start3A_270] : memref<100008x16xf32, #tpu.memory_space<vmem_shared>> -> memref<100008x16xf32, #tpu.memory_space<vmem_shared>>
        tpu.enqueue_indirect_dma source(%dma_start3A_265 : memref<128x16xf32, #tpu.memory_space<vmem>>) target(%dma_start3A_271 : memref<100008x16xf32, #tpu.memory_space<vmem_shared>>) offsets(%dma_start3A_268 : memref<128xi32, #tpu.memory_space<vmem>>) semaphore(%arg9 : memref<!tpu.dma_semaphore, #tpu.memory_space<semaphore_mem>>) {add = true}
        %scan3A_272 = arith.constant 0 : i32
        scf.yield %scan3A_272 : i32
      }
      %scan3A_56 = arith.constant 130 : i32
      %dma_wait3A = arith.constant 1 : i32
      %dma_wait3A_57 = arith.constant 0 : i32
      %dma_wait3A_58 = arith.constant 0 : i32
      %dma_wait3A_59 = tpu.memref_slice %run_scoped3A_1[%dma_wait3A, %dma_wait3A_57, %dma_wait3A_58] : memref<2x384x16xf32, #tpu.memory_space<vmem>> -> memref<1x384x16xf32, #tpu.memory_space<vmem>>
      %dma_wait3A_60 = tpu.memref_squeeze %dma_wait3A_59 : memref<1x384x16xf32, #tpu.memory_space<vmem>> -> memref<384x16xf32, #tpu.memory_space<vmem>>
      %dma_wait3A_61 = arith.constant 0 : i32
      %dma_wait3A_62 = arith.constant 0 : i32
      %dma_wait3A_63 = tpu.memref_slice %arg5[%dma_wait3A_61, %dma_wait3A_62] : memref<100008x16xf32, #tpu.memory_space<vmem_shared>> -> memref<384x16xf32, #tpu.memory_space<vmem_shared>>
      %dma_wait3A_64 = arith.constant 0 : i32
      %dma_wait3A_65 = arith.constant 0 : i32
      %dma_wait3A_66 = tpu.memref_slice %arg5[%dma_wait3A_64, %dma_wait3A_65] : memref<100008x16xf32, #tpu.memory_space<vmem_shared>> -> memref<384x16xf32, #tpu.memory_space<vmem_shared>>
      %dma_wait3A_67 = arith.constant 0 : i32
      %dma_wait3A_68 = arith.constant 0 : i32
      %dma_wait3A_69 = tpu.memref_slice %run_scoped3A_1[%dma_wait3A, %dma_wait3A_67, %dma_wait3A_68] : memref<2x384x16xf32, #tpu.memory_space<vmem>> -> memref<1x384x16xf32, #tpu.memory_space<vmem>>
      %dma_wait3A_70 = tpu.memref_squeeze %dma_wait3A_69 : memref<1x384x16xf32, #tpu.memory_space<vmem>> -> memref<384x16xf32, #tpu.memory_space<vmem>>
      tpu.wait_dma2 semaphore(%arg9 : memref<!tpu.dma_semaphore, #tpu.memory_space<semaphore_mem>>) src(%dma_wait3A_70 : memref<384x16xf32, #tpu.memory_space<vmem>>) dst(%dma_wait3A_66 : memref<384x16xf32, #tpu.memory_space<vmem_shared>>)
      %while3A = arith.constant 780 : i32
      %while3A_71 = arith.constant 0 : i32
      %while3A_72 = arith.subi %add3A_7, %while3A : i32
      %while3A_73 = arith.addi %while3A, %while3A_72 : i32
      %while3A_74 = arith.constant 1 : i32
      %while3A_75 = arith.divsi %while3A_72, %while3A_74 : i32
      %while3A_76 = arith.muli %while3A_75, %while3A_74 : i32
      %while3A_77 = arith.addi %while3A, %while3A_76 : i32
      %while3A_78 = arith.constant 1 : i32
      %while3A_79 = scf.for %while3A_90 = %while3A to %while3A_77 step %while3A_78 iter_args(%while3A_91 = %while3A_71) -> (i32)  : i32 {
        %add3A_92 = arith.addi %add3A, %while3A_90 : i32
        %run_scoped3A_93 = arith.constant 0 : i32
        "tpu.region"() ({
          %run_scoped3A_111 = tpu.sem_alloc : memref<!tpu.dma_semaphore, #tpu.memory_space<semaphore_mem>>
          %dma_start3A_112 = arith.constant 0 : i32
          %dma_start3A_113 = arith.constant 0 : i32
          %dma_start3A_114 = tpu.memref_slice %run_scoped3A[%run_scoped3A_93, %dma_start3A_112, %dma_start3A_113] : memref<2x3x128xi32, #tpu.memory_space<vmem>> -> memref<1x1x128xi32, #tpu.memory_space<vmem>>
          %dma_start3A_115 = tpu.memref_squeeze %dma_start3A_114 : memref<1x1x128xi32, #tpu.memory_space<vmem>> -> memref<1x128xi32, #tpu.memory_space<vmem>>
          %dma_start3A_116 = arith.constant 0 : i32
          %dma_start3A_117 = tpu.memref_slice %arg2[%add3A_92, %dma_start3A_116] : memref<12504x128xi32, #tpu.memory_space<hbm>> -> memref<1x128xi32, #tpu.memory_space<hbm>>
          %dma_start3A_118 = arith.constant 0 : i32
          %dma_start3A_119 = arith.constant 0 : i32
          %dma_start3A_120 = tpu.memref_slice %run_scoped3A[%run_scoped3A_93, %dma_start3A_118, %dma_start3A_119] : memref<2x3x128xi32, #tpu.memory_space<vmem>> -> memref<1x1x128xi32, #tpu.memory_space<vmem>>
          %dma_start3A_121 = tpu.memref_squeeze %dma_start3A_120 : memref<1x1x128xi32, #tpu.memory_space<vmem>> -> memref<1x128xi32, #tpu.memory_space<vmem>>
          %dma_start3A_122 = arith.constant 0 : i32
          %dma_start3A_123 = tpu.memref_slice %arg2[%add3A_92, %dma_start3A_122] : memref<12504x128xi32, #tpu.memory_space<hbm>> -> memref<1x128xi32, #tpu.memory_space<hbm>>
          tpu.enqueue_dma source(%dma_start3A_123 : memref<1x128xi32, #tpu.memory_space<hbm>>) target(%dma_start3A_121 : memref<1x128xi32, #tpu.memory_space<vmem>>) target_semaphore(%run_scoped3A_111 : memref<!tpu.dma_semaphore, #tpu.memory_space<semaphore_mem>>)
          %dma_wait3A_124 = arith.constant 0 : i32
          %dma_wait3A_125 = arith.constant 0 : i32
          %dma_wait3A_126 = tpu.memref_slice %run_scoped3A[%run_scoped3A_93, %dma_wait3A_124, %dma_wait3A_125] : memref<2x3x128xi32, #tpu.memory_space<vmem>> -> memref<1x1x128xi32, #tpu.memory_space<vmem>>
          %dma_wait3A_127 = tpu.memref_squeeze %dma_wait3A_126 : memref<1x1x128xi32, #tpu.memory_space<vmem>> -> memref<1x128xi32, #tpu.memory_space<vmem>>
          %dma_wait3A_128 = arith.constant 0 : i32
          %dma_wait3A_129 = tpu.memref_slice %arg2[%add3A_92, %dma_wait3A_128] : memref<12504x128xi32, #tpu.memory_space<hbm>> -> memref<1x128xi32, #tpu.memory_space<hbm>>
          %dma_wait3A_130 = arith.constant 0 : i32
          %dma_wait3A_131 = arith.constant 0 : i32
          %dma_wait3A_132 = tpu.memref_slice %run_scoped3A[%run_scoped3A_93, %dma_wait3A_130, %dma_wait3A_131] : memref<2x3x128xi32, #tpu.memory_space<vmem>> -> memref<1x1x128xi32, #tpu.memory_space<vmem>>
          %dma_wait3A_133 = tpu.memref_squeeze %dma_wait3A_132 : memref<1x1x128xi32, #tpu.memory_space<vmem>> -> memref<1x128xi32, #tpu.memory_space<vmem>>
          %dma_wait3A_134 = arith.constant 0 : i32
          %dma_wait3A_135 = tpu.memref_slice %arg2[%add3A_92, %dma_wait3A_134] : memref<12504x128xi32, #tpu.memory_space<hbm>> -> memref<1x128xi32, #tpu.memory_space<hbm>>
          tpu.wait_dma2 semaphore(%run_scoped3A_111 : memref<!tpu.dma_semaphore, #tpu.memory_space<semaphore_mem>>) src(%dma_wait3A_135 : memref<1x128xi32, #tpu.memory_space<hbm>>) dst(%dma_wait3A_133 : memref<1x128xi32, #tpu.memory_space<vmem>>)
          tpu.yield
        }) : () -> ()
        %mul3A_94 = arith.constant 16 : i32
        %mul3A_95 = arith.muli %arg0, %mul3A_94 : i32
        %add3A_96 = arith.addi %add3A, %while3A_90 : i32
        %mul3A_97 = arith.constant 128 : i32
        %mul3A_98 = arith.muli %add3A_96, %mul3A_97 : i32
        %run_scoped3A_99 = arith.constant 0 : i32
        "tpu.region"() ({
          %run_scoped3A_111 = tpu.sem_alloc : memref<!tpu.dma_semaphore, #tpu.memory_space<semaphore_mem>>
          %dma_start3A_112 = arith.constant 0 : i32
          %dma_start3A_113 = arith.constant 0 : i32
          %dma_start3A_114 = tpu.memref_slice %run_scoped3A_0[%run_scoped3A_99, %dma_start3A_112, %dma_start3A_113] : memref<2x16x384xf32, #tpu.memory_space<vmem>> -> memref<1x16x128xf32, #tpu.memory_space<vmem>>
          %dma_start3A_115 = tpu.memref_squeeze %dma_start3A_114 : memref<1x16x128xf32, #tpu.memory_space<vmem>> -> memref<16x128xf32, #tpu.memory_space<vmem>>
          %dma_start3A_116 = tpu.memref_slice %arg3[%mul3A_95, %mul3A_98] : memref<32x1600000xf32, #tpu.memory_space<hbm>> -> memref<16x128xf32, #tpu.memory_space<hbm>>
          %dma_start3A_117 = arith.constant 0 : i32
          %dma_start3A_118 = arith.constant 0 : i32
          %dma_start3A_119 = tpu.memref_slice %run_scoped3A_0[%run_scoped3A_99, %dma_start3A_117, %dma_start3A_118] : memref<2x16x384xf32, #tpu.memory_space<vmem>> -> memref<1x16x128xf32, #tpu.memory_space<vmem>>
          %dma_start3A_120 = tpu.memref_squeeze %dma_start3A_119 : memref<1x16x128xf32, #tpu.memory_space<vmem>> -> memref<16x128xf32, #tpu.memory_space<vmem>>
          %dma_start3A_121 = tpu.memref_slice %arg3[%mul3A_95, %mul3A_98] : memref<32x1600000xf32, #tpu.memory_space<hbm>> -> memref<16x128xf32, #tpu.memory_space<hbm>>
          tpu.enqueue_dma source(%dma_start3A_121 : memref<16x128xf32, #tpu.memory_space<hbm>>) target(%dma_start3A_120 : memref<16x128xf32, #tpu.memory_space<vmem>>) target_semaphore(%run_scoped3A_111 : memref<!tpu.dma_semaphore, #tpu.memory_space<semaphore_mem>>)
          %dma_wait3A_122 = arith.constant 0 : i32
          %dma_wait3A_123 = arith.constant 0 : i32
          %dma_wait3A_124 = tpu.memref_slice %run_scoped3A_0[%run_scoped3A_99, %dma_wait3A_122, %dma_wait3A_123] : memref<2x16x384xf32, #tpu.memory_space<vmem>> -> memref<1x16x128xf32, #tpu.memory_space<vmem>>
          %dma_wait3A_125 = tpu.memref_squeeze %dma_wait3A_124 : memref<1x16x128xf32, #tpu.memory_space<vmem>> -> memref<16x128xf32, #tpu.memory_space<vmem>>
          %dma_wait3A_126 = tpu.memref_slice %arg3[%mul3A_95, %mul3A_98] : memref<32x1600000xf32, #tpu.memory_space<hbm>> -> memref<16x128xf32, #tpu.memory_space<hbm>>
          %dma_wait3A_127 = arith.constant 0 : i32
          %dma_wait3A_128 = arith.constant 0 : i32
          %dma_wait3A_129 = tpu.memref_slice %run_scoped3A_0[%run_scoped3A_99, %dma_wait3A_127, %dma_wait3A_128] : memref<2x16x384xf32, #tpu.memory_space<vmem>> -> memref<1x16x128xf32, #tpu.memory_space<vmem>>
          %dma_wait3A_130 = tpu.memref_squeeze %dma_wait3A_129 : memref<1x16x128xf32, #tpu.memory_space<vmem>> -> memref<16x128xf32, #tpu.memory_space<vmem>>
          %dma_wait3A_131 = tpu.memref_slice %arg3[%mul3A_95, %mul3A_98] : memref<32x1600000xf32, #tpu.memory_space<hbm>> -> memref<16x128xf32, #tpu.memory_space<hbm>>
          tpu.wait_dma2 semaphore(%run_scoped3A_111 : memref<!tpu.dma_semaphore, #tpu.memory_space<semaphore_mem>>) src(%dma_wait3A_131 : memref<16x128xf32, #tpu.memory_space<hbm>>) dst(%dma_wait3A_130 : memref<16x128xf32, #tpu.memory_space<vmem>>)
          tpu.yield
        }) : () -> ()
        %scan3A_100 = arith.constant 0 : i32
        %scan3A_101 = arith.constant 0 : i32
        %scan3A_102 = arith.constant 8 : i32
        %scan3A_103 = arith.addi %scan3A_101, %scan3A_102 : i32
        %scan3A_104 = arith.constant 1 : i32
        %scan3A_105 = scf.for %scan3A_111 = %scan3A_101 to %scan3A_103 step %scan3A_104 iter_args(%scan3A_112 = %scan3A_100) -> (i32)  : i32 {
          %mul3A_113 = arith.constant 16 : i32
          %mul3A_114 = arith.muli %scan3A_111, %mul3A_113 : i32
          %iota3A = tpu.iota {dimensions = array<i32: 0>} : vector<16xi32>
          %add3A_115 = vector.broadcast %mul3A_114 : i32 to vector<16xi32>
          %add3A_116 = arith.addi %iota3A, %add3A_115 : vector<16xi32>
          %get3A = arith.constant 0 : i32
          %get3A_117 = arith.constant 0 : i32
          %get3A_118 = arith.index_cast %get3A : i32 to index
          %get3A_119 = arith.index_cast %get3A_117 : i32 to index
          %get3A_120 = arith.index_cast %mul3A_114 : i32 to index
          %get3A_121 = tpu.vector_load %run_scoped3A_0[%get3A_118, %get3A_119, %get3A_120] {strides = array<i32>} : memref<2x16x384xf32, #tpu.memory_space<vmem>>, vector<16xf32>,
          %broadcast_in_dim3A = arith.constant 0 : i32
          %broadcast_in_dim3A_122 = vector.broadcast %broadcast_in_dim3A : i32 to vector<16xi32>
          %scatter3A = arith.constant 0 : i32
          %scatter3A_123 = arith.constant 0 : i32
          %scatter3A_124 = arith.constant 0 : i32
          %scatter3A_125 = tpu.memref_slice %run_scoped3A_1[%scatter3A, %scatter3A_123, %scatter3A_124] : memref<2x384x16xf32, #tpu.memory_space<vmem>> -> memref<1x384x16xf32, #tpu.memory_space<vmem>>
          %scatter3A_126 = tpu.memref_squeeze %scatter3A_125 : memref<1x384x16xf32, #tpu.memory_space<vmem>> -> memref<384x16xf32, #tpu.memory_space<vmem>>
          tpu.vector_store_idx %scatter3A_126[%add3A_116, %broadcast_in_dim3A_122], %get3A_121 : memref<384x16xf32, #tpu.memory_space<vmem>>[vector<16xi32>, vector<16xi32>], vector<16xf32>,
          %get3A_127 = arith.constant 0 : i32
          %get3A_128 = arith.constant 1 : i32
          %get3A_129 = arith.index_cast %get3A_127 : i32 to index
          %get3A_130 = arith.index_cast %get3A_128 : i32 to index
          %get3A_131 = arith.index_cast %mul3A_114 : i32 to index
          %get3A_132 = tpu.vector_load %run_scoped3A_0[%get3A_129, %get3A_130, %get3A_131] {strides = array<i32>} : memref<2x16x384xf32, #tpu.memory_space<vmem>>, vector<16xf32>,
          %broadcast_in_dim3A_133 = arith.constant 1 : i32
          %broadcast_in_dim3A_134 = vector.broadcast %broadcast_in_dim3A_133 : i32 to vector<16xi32>
          %scatter3A_135 = arith.constant 0 : i32
          %scatter3A_136 = arith.constant 0 : i32
          %scatter3A_137 = arith.constant 0 : i32
          %scatter3A_138 = tpu.memref_slice %run_scoped3A_1[%scatter3A_135, %scatter3A_136, %scatter3A_137] : memref<2x384x16xf32, #tpu.memory_space<vmem>> -> memref<1x384x16xf32, #tpu.memory_space<vmem>>
          %scatter3A_139 = tpu.memref_squeeze %scatter3A_138 : memref<1x384x16xf32, #tpu.memory_space<vmem>> -> memref<384x16xf32, #tpu.memory_space<vmem>>
          tpu.vector_store_idx %scatter3A_139[%add3A_116, %broadcast_in_dim3A_134], %get3A_132 : memref<384x16xf32, #tpu.memory_space<vmem>>[vector<16xi32>, vector<16xi32>], vector<16xf32>,
          %get3A_140 = arith.constant 0 : i32
          %get3A_141 = arith.constant 2 : i32
          %get3A_142 = arith.index_cast %get3A_140 : i32 to index
          %get3A_143 = arith.index_cast %get3A_141 : i32 to index
          %get3A_144 = arith.index_cast %mul3A_114 : i32 to index
          %get3A_145 = tpu.vector_load %run_scoped3A_0[%get3A_142, %get3A_143, %get3A_144] {strides = array<i32>} : memref<2x16x384xf32, #tpu.memory_space<vmem>>, vector<16xf32>,
          %broadcast_in_dim3A_146 = arith.constant 2 : i32
          %broadcast_in_dim3A_147 = vector.broadcast %broadcast_in_dim3A_146 : i32 to vector<16xi32>
          %scatter3A_148 = arith.constant 0 : i32
          %scatter3A_149 = arith.constant 0 : i32
          %scatter3A_150 = arith.constant 0 : i32
          %scatter3A_151 = tpu.memref_slice %run_scoped3A_1[%scatter3A_148, %scatter3A_149, %scatter3A_150] : memref<2x384x16xf32, #tpu.memory_space<vmem>> -> memref<1x384x16xf32, #tpu.memory_space<vmem>>
          %scatter3A_152 = tpu.memref_squeeze %scatter3A_151 : memref<1x384x16xf32, #tpu.memory_space<vmem>> -> memref<384x16xf32, #tpu.memory_space<vmem>>
          tpu.vector_store_idx %scatter3A_152[%add3A_116, %broadcast_in_dim3A_147], %get3A_145 : memref<384x16xf32, #tpu.memory_space<vmem>>[vector<16xi32>, vector<16xi32>], vector<16xf32>,
          %get3A_153 = arith.constant 0 : i32
          %get3A_154 = arith.constant 3 : i32
          %get3A_155 = arith.index_cast %get3A_153 : i32 to index
          %get3A_156 = arith.index_cast %get3A_154 : i32 to index
          %get3A_157 = arith.index_cast %mul3A_114 : i32 to index
          %get3A_158 = tpu.vector_load %run_scoped3A_0[%get3A_155, %get3A_156, %get3A_157] {strides = array<i32>} : memref<2x16x384xf32, #tpu.memory_space<vmem>>, vector<16xf32>,
          %broadcast_in_dim3A_159 = arith.constant 3 : i32
          %broadcast_in_dim3A_160 = vector.broadcast %broadcast_in_dim3A_159 : i32 to vector<16xi32>
          %scatter3A_161 = arith.constant 0 : i32
          %scatter3A_162 = arith.constant 0 : i32
          %scatter3A_163 = arith.constant 0 : i32
          %scatter3A_164 = tpu.memref_slice %run_scoped3A_1[%scatter3A_161, %scatter3A_162, %scatter3A_163] : memref<2x384x16xf32, #tpu.memory_space<vmem>> -> memref<1x384x16xf32, #tpu.memory_space<vmem>>
          %scatter3A_165 = tpu.memref_squeeze %scatter3A_164 : memref<1x384x16xf32, #tpu.memory_space<vmem>> -> memref<384x16xf32, #tpu.memory_space<vmem>>
          tpu.vector_store_idx %scatter3A_165[%add3A_116, %broadcast_in_dim3A_160], %get3A_158 : memref<384x16xf32, #tpu.memory_space<vmem>>[vector<16xi32>, vector<16xi32>], vector<16xf32>,
          %get3A_166 = arith.constant 0 : i32
          %get3A_167 = arith.constant 4 : i32
          %get3A_168 = arith.index_cast %get3A_166 : i32 to index
          %get3A_169 = arith.index_cast %get3A_167 : i32 to index
          %get3A_170 = arith.index_cast %mul3A_114 : i32 to index
          %get3A_171 = tpu.vector_load %run_scoped3A_0[%get3A_168, %get3A_169, %get3A_170] {strides = array<i32>} : memref<2x16x384xf32, #tpu.memory_space<vmem>>, vector<16xf32>,
          %broadcast_in_dim3A_172 = arith.constant 4 : i32
          %broadcast_in_dim3A_173 = vector.broadcast %broadcast_in_dim3A_172 : i32 to vector<16xi32>
          %scatter3A_174 = arith.constant 0 : i32
          %scatter3A_175 = arith.constant 0 : i32
          %scatter3A_176 = arith.constant 0 : i32
          %scatter3A_177 = tpu.memref_slice %run_scoped3A_1[%scatter3A_174, %scatter3A_175, %scatter3A_176] : memref<2x384x16xf32, #tpu.memory_space<vmem>> -> memref<1x384x16xf32, #tpu.memory_space<vmem>>
          %scatter3A_178 = tpu.memref_squeeze %scatter3A_177 : memref<1x384x16xf32, #tpu.memory_space<vmem>> -> memref<384x16xf32, #tpu.memory_space<vmem>>
          tpu.vector_store_idx %scatter3A_178[%add3A_116, %broadcast_in_dim3A_173], %get3A_171 : memref<384x16xf32, #tpu.memory_space<vmem>>[vector<16xi32>, vector<16xi32>], vector<16xf32>,
          %get3A_179 = arith.constant 0 : i32
          %get3A_180 = arith.constant 5 : i32
          %get3A_181 = arith.index_cast %get3A_179 : i32 to index
          %get3A_182 = arith.index_cast %get3A_180 : i32 to index
          %get3A_183 = arith.index_cast %mul3A_114 : i32 to index
          %get3A_184 = tpu.vector_load %run_scoped3A_0[%get3A_181, %get3A_182, %get3A_183] {strides = array<i32>} : memref<2x16x384xf32, #tpu.memory_space<vmem>>, vector<16xf32>,
          %broadcast_in_dim3A_185 = arith.constant 5 : i32
          %broadcast_in_dim3A_186 = vector.broadcast %broadcast_in_dim3A_185 : i32 to vector<16xi32>
          %scatter3A_187 = arith.constant 0 : i32
          %scatter3A_188 = arith.constant 0 : i32
          %scatter3A_189 = arith.constant 0 : i32
          %scatter3A_190 = tpu.memref_slice %run_scoped3A_1[%scatter3A_187, %scatter3A_188, %scatter3A_189] : memref<2x384x16xf32, #tpu.memory_space<vmem>> -> memref<1x384x16xf32, #tpu.memory_space<vmem>>
          %scatter3A_191 = tpu.memref_squeeze %scatter3A_190 : memref<1x384x16xf32, #tpu.memory_space<vmem>> -> memref<384x16xf32, #tpu.memory_space<vmem>>
          tpu.vector_store_idx %scatter3A_191[%add3A_116, %broadcast_in_dim3A_186], %get3A_184 : memref<384x16xf32, #tpu.memory_space<vmem>>[vector<16xi32>, vector<16xi32>], vector<16xf32>,
          %get3A_192 = arith.constant 0 : i32
          %get3A_193 = arith.constant 6 : i32
          %get3A_194 = arith.index_cast %get3A_192 : i32 to index
          %get3A_195 = arith.index_cast %get3A_193 : i32 to index
          %get3A_196 = arith.index_cast %mul3A_114 : i32 to index
          %get3A_197 = tpu.vector_load %run_scoped3A_0[%get3A_194, %get3A_195, %get3A_196] {strides = array<i32>} : memref<2x16x384xf32, #tpu.memory_space<vmem>>, vector<16xf32>,
          %broadcast_in_dim3A_198 = arith.constant 6 : i32
          %broadcast_in_dim3A_199 = vector.broadcast %broadcast_in_dim3A_198 : i32 to vector<16xi32>
          %scatter3A_200 = arith.constant 0 : i32
          %scatter3A_201 = arith.constant 0 : i32
          %scatter3A_202 = arith.constant 0 : i32
          %scatter3A_203 = tpu.memref_slice %run_scoped3A_1[%scatter3A_200, %scatter3A_201, %scatter3A_202] : memref<2x384x16xf32, #tpu.memory_space<vmem>> -> memref<1x384x16xf32, #tpu.memory_space<vmem>>
          %scatter3A_204 = tpu.memref_squeeze %scatter3A_203 : memref<1x384x16xf32, #tpu.memory_space<vmem>> -> memref<384x16xf32, #tpu.memory_space<vmem>>
          tpu.vector_store_idx %scatter3A_204[%add3A_116, %broadcast_in_dim3A_199], %get3A_197 : memref<384x16xf32, #tpu.memory_space<vmem>>[vector<16xi32>, vector<16xi32>], vector<16xf32>,
          %get3A_205 = arith.constant 0 : i32
          %get3A_206 = arith.constant 7 : i32
          %get3A_207 = arith.index_cast %get3A_205 : i32 to index
          %get3A_208 = arith.index_cast %get3A_206 : i32 to index
          %get3A_209 = arith.index_cast %mul3A_114 : i32 to index
          %get3A_210 = tpu.vector_load %run_scoped3A_0[%get3A_207, %get3A_208, %get3A_209] {strides = array<i32>} : memref<2x16x384xf32, #tpu.memory_space<vmem>>, vector<16xf32>,
          %broadcast_in_dim3A_211 = arith.constant 7 : i32
          %broadcast_in_dim3A_212 = vector.broadcast %broadcast_in_dim3A_211 : i32 to vector<16xi32>
          %scatter3A_213 = arith.constant 0 : i32
          %scatter3A_214 = arith.constant 0 : i32
          %scatter3A_215 = arith.constant 0 : i32
          %scatter3A_216 = tpu.memref_slice %run_scoped3A_1[%scatter3A_213, %scatter3A_214, %scatter3A_215] : memref<2x384x16xf32, #tpu.memory_space<vmem>> -> memref<1x384x16xf32, #tpu.memory_space<vmem>>
          %scatter3A_217 = tpu.memref_squeeze %scatter3A_216 : memref<1x384x16xf32, #tpu.memory_space<vmem>> -> memref<384x16xf32, #tpu.memory_space<vmem>>
          tpu.vector_store_idx %scatter3A_217[%add3A_116, %broadcast_in_dim3A_212], %get3A_210 : memref<384x16xf32, #tpu.memory_space<vmem>>[vector<16xi32>, vector<16xi32>], vector<16xf32>,
          %get3A_218 = arith.constant 0 : i32
          %get3A_219 = arith.constant 8 : i32
          %get3A_220 = arith.index_cast %get3A_218 : i32 to index
          %get3A_221 = arith.index_cast %get3A_219 : i32 to index
          %get3A_222 = arith.index_cast %mul3A_114 : i32 to index
          %get3A_223 = tpu.vector_load %run_scoped3A_0[%get3A_220, %get3A_221, %get3A_222] {strides = array<i32>} : memref<2x16x384xf32, #tpu.memory_space<vmem>>, vector<16xf32>,
          %broadcast_in_dim3A_224 = arith.constant 8 : i32
          %broadcast_in_dim3A_225 = vector.broadcast %broadcast_in_dim3A_224 : i32 to vector<16xi32>
          %scatter3A_226 = arith.constant 0 : i32
          %scatter3A_227 = arith.constant 0 : i32
          %scatter3A_228 = arith.constant 0 : i32
          %scatter3A_229 = tpu.memref_slice %run_scoped3A_1[%scatter3A_226, %scatter3A_227, %scatter3A_228] : memref<2x384x16xf32, #tpu.memory_space<vmem>> -> memref<1x384x16xf32, #tpu.memory_space<vmem>>
          %scatter3A_230 = tpu.memref_squeeze %scatter3A_229 : memref<1x384x16xf32, #tpu.memory_space<vmem>> -> memref<384x16xf32, #tpu.memory_space<vmem>>
          tpu.vector_store_idx %scatter3A_230[%add3A_116, %broadcast_in_dim3A_225], %get3A_223 : memref<384x16xf32, #tpu.memory_space<vmem>>[vector<16xi32>, vector<16xi32>], vector<16xf32>,
          %get3A_231 = arith.constant 0 : i32
          %get3A_232 = arith.constant 9 : i32
          %get3A_233 = arith.index_cast %get3A_231 : i32 to index
          %get3A_234 = arith.index_cast %get3A_232 : i32 to index
          %get3A_235 = arith.index_cast %mul3A_114 : i32 to index
          %get3A_236 = tpu.vector_load %run_scoped3A_0[%get3A_233, %get3A_234, %get3A_235] {strides = array<i32>} : memref<2x16x384xf32, #tpu.memory_space<vmem>>, vector<16xf32>,
          %broadcast_in_dim3A_237 = arith.constant 9 : i32
          %broadcast_in_dim3A_238 = vector.broadcast %broadcast_in_dim3A_237 : i32 to vector<16xi32>
          %scatter3A_239 = arith.constant 0 : i32
          %scatter3A_240 = arith.constant 0 : i32
          %scatter3A_241 = arith.constant 0 : i32
          %scatter3A_242 = tpu.memref_slice %run_scoped3A_1[%scatter3A_239, %scatter3A_240, %scatter3A_241] : memref<2x384x16xf32, #tpu.memory_space<vmem>> -> memref<1x384x16xf32, #tpu.memory_space<vmem>>
          %scatter3A_243 = tpu.memref_squeeze %scatter3A_242 : memref<1x384x16xf32, #tpu.memory_space<vmem>> -> memref<384x16xf32, #tpu.memory_space<vmem>>
          tpu.vector_store_idx %scatter3A_243[%add3A_116, %broadcast_in_dim3A_238], %get3A_236 : memref<384x16xf32, #tpu.memory_space<vmem>>[vector<16xi32>, vector<16xi32>], vector<16xf32>,
          %get3A_244 = arith.constant 0 : i32
          %get3A_245 = arith.constant 10 : i32
          %get3A_246 = arith.index_cast %get3A_244 : i32 to index
          %get3A_247 = arith.index_cast %get3A_245 : i32 to index
          %get3A_248 = arith.index_cast %mul3A_114 : i32 to index
          %get3A_249 = tpu.vector_load %run_scoped3A_0[%get3A_246, %get3A_247, %get3A_248] {strides = array<i32>} : memref<2x16x384xf32, #tpu.memory_space<vmem>>, vector<16xf32>,
          %broadcast_in_dim3A_250 = arith.constant 10 : i32
          %broadcast_in_dim3A_251 = vector.broadcast %broadcast_in_dim3A_250 : i32 to vector<16xi32>
          %scatter3A_252 = arith.constant 0 : i32
          %scatter3A_253 = arith.constant 0 : i32
          %scatter3A_254 = arith.constant 0 : i32
          %scatter3A_255 = tpu.memref_slice %run_scoped3A_1[%scatter3A_252, %scatter3A_253, %scatter3A_254] : memref<2x384x16xf32, #tpu.memory_space<vmem>> -> memref<1x384x16xf32, #tpu.memory_space<vmem>>
          %scatter3A_256 = tpu.memref_squeeze %scatter3A_255 : memref<1x384x16xf32, #tpu.memory_space<vmem>> -> memref<384x16xf32, #tpu.memory_space<vmem>>
          tpu.vector_store_idx %scatter3A_256[%add3A_116, %broadcast_in_dim3A_251], %get3A_249 : memref<384x16xf32, #tpu.memory_space<vmem>>[vector<16xi32>, vector<16xi32>], vector<16xf32>,
          %get3A_257 = arith.constant 0 : i32
          %get3A_258 = arith.constant 11 : i32
          %get3A_259 = arith.index_cast %get3A_257 : i32 to index
          %get3A_260 = arith.index_cast %get3A_258 : i32 to index
          %get3A_261 = arith.index_cast %mul3A_114 : i32 to index
          %get3A_262 = tpu.vector_load %run_scoped3A_0[%get3A_259, %get3A_260, %get3A_261] {strides = array<i32>} : memref<2x16x384xf32, #tpu.memory_space<vmem>>, vector<16xf32>,
          %broadcast_in_dim3A_263 = arith.constant 11 : i32
          %broadcast_in_dim3A_264 = vector.broadcast %broadcast_in_dim3A_263 : i32 to vector<16xi32>
          %scatter3A_265 = arith.constant 0 : i32
          %scatter3A_266 = arith.constant 0 : i32
          %scatter3A_267 = arith.constant 0 : i32
          %scatter3A_268 = tpu.memref_slice %run_scoped3A_1[%scatter3A_265, %scatter3A_266, %scatter3A_267] : memref<2x384x16xf32, #tpu.memory_space<vmem>> -> memref<1x384x16xf32, #tpu.memory_space<vmem>>
          %scatter3A_269 = tpu.memref_squeeze %scatter3A_268 : memref<1x384x16xf32, #tpu.memory_space<vmem>> -> memref<384x16xf32, #tpu.memory_space<vmem>>
          tpu.vector_store_idx %scatter3A_269[%add3A_116, %broadcast_in_dim3A_264], %get3A_262 : memref<384x16xf32, #tpu.memory_space<vmem>>[vector<16xi32>, vector<16xi32>], vector<16xf32>,
          %get3A_270 = arith.constant 0 : i32
          %get3A_271 = arith.constant 12 : i32
          %get3A_272 = arith.index_cast %get3A_270 : i32 to index
          %get3A_273 = arith.index_cast %get3A_271 : i32 to index
          %get3A_274 = arith.index_cast %mul3A_114 : i32 to index
          %get3A_275 = tpu.vector_load %run_scoped3A_0[%get3A_272, %get3A_273, %get3A_274] {strides = array<i32>} : memref<2x16x384xf32, #tpu.memory_space<vmem>>, vector<16xf32>,
          %broadcast_in_dim3A_276 = arith.constant 12 : i32
          %broadcast_in_dim3A_277 = vector.broadcast %broadcast_in_dim3A_276 : i32 to vector<16xi32>
          %scatter3A_278 = arith.constant 0 : i32
          %scatter3A_279 = arith.constant 0 : i32
          %scatter3A_280 = arith.constant 0 : i32
          %scatter3A_281 = tpu.memref_slice %run_scoped3A_1[%scatter3A_278, %scatter3A_279, %scatter3A_280] : memref<2x384x16xf32, #tpu.memory_space<vmem>> -> memref<1x384x16xf32, #tpu.memory_space<vmem>>
          %scatter3A_282 = tpu.memref_squeeze %scatter3A_281 : memref<1x384x16xf32, #tpu.memory_space<vmem>> -> memref<384x16xf32, #tpu.memory_space<vmem>>
          tpu.vector_store_idx %scatter3A_282[%add3A_116, %broadcast_in_dim3A_277], %get3A_275 : memref<384x16xf32, #tpu.memory_space<vmem>>[vector<16xi32>, vector<16xi32>], vector<16xf32>,
          %get3A_283 = arith.constant 0 : i32
          %get3A_284 = arith.constant 13 : i32
          %get3A_285 = arith.index_cast %get3A_283 : i32 to index
          %get3A_286 = arith.index_cast %get3A_284 : i32 to index
          %get3A_287 = arith.index_cast %mul3A_114 : i32 to index
          %get3A_288 = tpu.vector_load %run_scoped3A_0[%get3A_285, %get3A_286, %get3A_287] {strides = array<i32>} : memref<2x16x384xf32, #tpu.memory_space<vmem>>, vector<16xf32>,
          %broadcast_in_dim3A_289 = arith.constant 13 : i32
          %broadcast_in_dim3A_290 = vector.broadcast %broadcast_in_dim3A_289 : i32 to vector<16xi32>
          %scatter3A_291 = arith.constant 0 : i32
          %scatter3A_292 = arith.constant 0 : i32
          %scatter3A_293 = arith.constant 0 : i32
          %scatter3A_294 = tpu.memref_slice %run_scoped3A_1[%scatter3A_291, %scatter3A_292, %scatter3A_293] : memref<2x384x16xf32, #tpu.memory_space<vmem>> -> memref<1x384x16xf32, #tpu.memory_space<vmem>>
          %scatter3A_295 = tpu.memref_squeeze %scatter3A_294 : memref<1x384x16xf32, #tpu.memory_space<vmem>> -> memref<384x16xf32, #tpu.memory_space<vmem>>
          tpu.vector_store_idx %scatter3A_295[%add3A_116, %broadcast_in_dim3A_290], %get3A_288 : memref<384x16xf32, #tpu.memory_space<vmem>>[vector<16xi32>, vector<16xi32>], vector<16xf32>,
          %get3A_296 = arith.constant 0 : i32
          %get3A_297 = arith.constant 14 : i32
          %get3A_298 = arith.index_cast %get3A_296 : i32 to index
          %get3A_299 = arith.index_cast %get3A_297 : i32 to index
          %get3A_300 = arith.index_cast %mul3A_114 : i32 to index
          %get3A_301 = tpu.vector_load %run_scoped3A_0[%get3A_298, %get3A_299, %get3A_300] {strides = array<i32>} : memref<2x16x384xf32, #tpu.memory_space<vmem>>, vector<16xf32>,
          %broadcast_in_dim3A_302 = arith.constant 14 : i32
          %broadcast_in_dim3A_303 = vector.broadcast %broadcast_in_dim3A_302 : i32 to vector<16xi32>
          %scatter3A_304 = arith.constant 0 : i32
          %scatter3A_305 = arith.constant 0 : i32
          %scatter3A_306 = arith.constant 0 : i32
          %scatter3A_307 = tpu.memref_slice %run_scoped3A_1[%scatter3A_304, %scatter3A_305, %scatter3A_306] : memref<2x384x16xf32, #tpu.memory_space<vmem>> -> memref<1x384x16xf32, #tpu.memory_space<vmem>>
          %scatter3A_308 = tpu.memref_squeeze %scatter3A_307 : memref<1x384x16xf32, #tpu.memory_space<vmem>> -> memref<384x16xf32, #tpu.memory_space<vmem>>
          tpu.vector_store_idx %scatter3A_308[%add3A_116, %broadcast_in_dim3A_303], %get3A_301 : memref<384x16xf32, #tpu.memory_space<vmem>>[vector<16xi32>, vector<16xi32>], vector<16xf32>,
          %get3A_309 = arith.constant 0 : i32
          %get3A_310 = arith.constant 15 : i32
          %get3A_311 = arith.index_cast %get3A_309 : i32 to index
          %get3A_312 = arith.index_cast %get3A_310 : i32 to index
          %get3A_313 = arith.index_cast %mul3A_114 : i32 to index
          %get3A_314 = tpu.vector_load %run_scoped3A_0[%get3A_311, %get3A_312, %get3A_313] {strides = array<i32>} : memref<2x16x384xf32, #tpu.memory_space<vmem>>, vector<16xf32>,
          %broadcast_in_dim3A_315 = arith.constant 15 : i32
          %broadcast_in_dim3A_316 = vector.broadcast %broadcast_in_dim3A_315 : i32 to vector<16xi32>
          %scatter3A_317 = arith.constant 0 : i32
          %scatter3A_318 = arith.constant 0 : i32
          %scatter3A_319 = arith.constant 0 : i32
          %scatter3A_320 = tpu.memref_slice %run_scoped3A_1[%scatter3A_317, %scatter3A_318, %scatter3A_319] : memref<2x384x16xf32, #tpu.memory_space<vmem>> -> memref<1x384x16xf32, #tpu.memory_space<vmem>>
          %scatter3A_321 = tpu.memref_squeeze %scatter3A_320 : memref<1x384x16xf32, #tpu.memory_space<vmem>> -> memref<384x16xf32, #tpu.memory_space<vmem>>
          tpu.vector_store_idx %scatter3A_321[%add3A_116, %broadcast_in_dim3A_316], %get3A_314 : memref<384x16xf32, #tpu.memory_space<vmem>>[vector<16xi32>, vector<16xi32>], vector<16xf32>,
          %scan3A_322 = arith.constant 0 : i32
          scf.yield %scan3A_322 : i32
        }
        %scan3A_106 = arith.constant 8 : i32
        %run_scoped3A_107 = arith.constant 0 : i32
        %run_scoped3A_108 = arith.constant 0 : i32
        %run_scoped3A_109 = arith.constant 0 : i32
        "tpu.region"() ({
          %run_scoped3A_111 = tpu.sem_alloc : memref<!tpu.dma_semaphore, #tpu.memory_space<semaphore_mem>>
          %dma_start3A_112 = arith.constant 0 : i32
          %dma_start3A_113 = arith.constant 0 : i32
          %dma_start3A_114 = tpu.memref_slice %run_scoped3A_1[%run_scoped3A_107, %dma_start3A_112, %dma_start3A_113] : memref<2x384x16xf32, #tpu.memory_space<vmem>> -> memref<1x128x16xf32, #tpu.memory_space<vmem>>
          %dma_start3A_115 = tpu.memref_squeeze %dma_start3A_114 : memref<1x128x16xf32, #tpu.memory_space<vmem>> -> memref<128x16xf32, #tpu.memory_space<vmem>>
          %dma_start3A_116 = arith.constant 0 : i32
          %dma_start3A_117 = tpu.memref_slice %run_scoped3A[%run_scoped3A_108, %run_scoped3A_109, %dma_start3A_116] : memref<2x3x128xi32, #tpu.memory_space<vmem>> -> memref<1x1x128xi32, #tpu.memory_space<vmem>>
          %dma_start3A_118 = tpu.memref_squeeze %dma_start3A_117 : memref<1x1x128xi32, #tpu.memory_space<vmem>> -> memref<128xi32, #tpu.memory_space<vmem>>
          %dma_start3A_119 = arith.constant 0 : i32
          %dma_start3A_120 = arith.constant 0 : i32
          %dma_start3A_121 = tpu.memref_slice %arg5[%dma_start3A_119, %dma_start3A_120] : memref<100008x16xf32, #tpu.memory_space<vmem_shared>> -> memref<100008x16xf32, #tpu.memory_space<vmem_shared>>
          tpu.enqueue_indirect_dma source(%dma_start3A_115 : memref<128x16xf32, #tpu.memory_space<vmem>>) target(%dma_start3A_121 : memref<100008x16xf32, #tpu.memory_space<vmem_shared>>) offsets(%dma_start3A_118 : memref<128xi32, #tpu.memory_space<vmem>>) semaphore(%run_scoped3A_111 : memref<!tpu.dma_semaphore, #tpu.memory_space<semaphore_mem>>) {add = true}
          %dma_wait3A_122 = arith.constant 0 : i32
          %dma_wait3A_123 = arith.constant 0 : i32
          %dma_wait3A_124 = tpu.memref_slice %run_scoped3A_1[%run_scoped3A_107, %dma_wait3A_122, %dma_wait3A_123] : memref<2x384x16xf32, #tpu.memory_space<vmem>> -> memref<1x128x16xf32, #tpu.memory_space<vmem>>
          %dma_wait3A_125 = tpu.memref_squeeze %dma_wait3A_124 : memref<1x128x16xf32, #tpu.memory_space<vmem>> -> memref<128x16xf32, #tpu.memory_space<vmem>>
          %dma_wait3A_126 = arith.constant 0 : i32
          %dma_wait3A_127 = tpu.memref_slice %run_scoped3A[%run_scoped3A_108, %run_scoped3A_109, %dma_wait3A_126] : memref<2x3x128xi32, #tpu.memory_space<vmem>> -> memref<1x1x128xi32, #tpu.memory_space<vmem>>
          %dma_wait3A_128 = tpu.memref_squeeze %dma_wait3A_127 : memref<1x1x128xi32, #tpu.memory_space<vmem>> -> memref<128xi32, #tpu.memory_space<vmem>>
          %dma_wait3A_129 = arith.constant 0 : i32
          %dma_wait3A_130 = arith.constant 0 : i32
          %dma_wait3A_131 = tpu.memref_slice %arg5[%dma_wait3A_129, %dma_wait3A_130] : memref<100008x16xf32, #tpu.memory_space<vmem_shared>> -> memref<100008x16xf32, #tpu.memory_space<vmem_shared>>
          tpu.wait_indirect_dma semaphore(%run_scoped3A_111 : memref<!tpu.dma_semaphore, #tpu.memory_space<semaphore_mem>>) src(%dma_wait3A_125 : memref<128x16xf32, #tpu.memory_space<vmem>>) dst(%dma_wait3A_131 : memref<100008x16xf32, #tpu.memory_space<vmem_shared>>)
          tpu.yield
        }) : () -> ()
        %while3A_110 = arith.constant 0 : i32
        scf.yield %while3A_110 : i32
      }
      %while3A_80 = arith.constant 1 : i32
      %while3A_81 = scf.for %while3A_90 = %while3A_77 to %while3A_73 step %while3A_80 iter_args(%while3A_91 = %while3A_79) -> (i32)  : i32 {
        %add3A_92 = arith.addi %add3A, %while3A_90 : i32
        %run_scoped3A_93 = arith.constant 0 : i32
        "tpu.region"() ({
          %run_scoped3A_111 = tpu.sem_alloc : memref<!tpu.dma_semaphore, #tpu.memory_space<semaphore_mem>>
          %dma_start3A_112 = arith.constant 0 : i32
          %dma_start3A_113 = arith.constant 0 : i32
          %dma_start3A_114 = tpu.memref_slice %run_scoped3A[%run_scoped3A_93, %dma_start3A_112, %dma_start3A_113] : memref<2x3x128xi32, #tpu.memory_space<vmem>> -> memref<1x1x128xi32, #tpu.memory_space<vmem>>
          %dma_start3A_115 = tpu.memref_squeeze %dma_start3A_114 : memref<1x1x128xi32, #tpu.memory_space<vmem>> -> memref<1x128xi32, #tpu.memory_space<vmem>>
          %dma_start3A_116 = arith.constant 0 : i32
          %dma_start3A_117 = tpu.memref_slice %arg2[%add3A_92, %dma_start3A_116] : memref<12504x128xi32, #tpu.memory_space<hbm>> -> memref<1x128xi32, #tpu.memory_space<hbm>>
          %dma_start3A_118 = arith.constant 0 : i32
          %dma_start3A_119 = arith.constant 0 : i32
          %dma_start3A_120 = tpu.memref_slice %run_scoped3A[%run_scoped3A_93, %dma_start3A_118, %dma_start3A_119] : memref<2x3x128xi32, #tpu.memory_space<vmem>> -> memref<1x1x128xi32, #tpu.memory_space<vmem>>
          %dma_start3A_121 = tpu.memref_squeeze %dma_start3A_120 : memref<1x1x128xi32, #tpu.memory_space<vmem>> -> memref<1x128xi32, #tpu.memory_space<vmem>>
          %dma_start3A_122 = arith.constant 0 : i32
          %dma_start3A_123 = tpu.memref_slice %arg2[%add3A_92, %dma_start3A_122] : memref<12504x128xi32, #tpu.memory_space<hbm>> -> memref<1x128xi32, #tpu.memory_space<hbm>>
          tpu.enqueue_dma source(%dma_start3A_123 : memref<1x128xi32, #tpu.memory_space<hbm>>) target(%dma_start3A_121 : memref<1x128xi32, #tpu.memory_space<vmem>>) target_semaphore(%run_scoped3A_111 : memref<!tpu.dma_semaphore, #tpu.memory_space<semaphore_mem>>)
          %dma_wait3A_124 = arith.constant 0 : i32
          %dma_wait3A_125 = arith.constant 0 : i32
          %dma_wait3A_126 = tpu.memref_slice %run_scoped3A[%run_scoped3A_93, %dma_wait3A_124, %dma_wait3A_125] : memref<2x3x128xi32, #tpu.memory_space<vmem>> -> memref<1x1x128xi32, #tpu.memory_space<vmem>>
          %dma_wait3A_127 = tpu.memref_squeeze %dma_wait3A_126 : memref<1x1x128xi32, #tpu.memory_space<vmem>> -> memref<1x128xi32, #tpu.memory_space<vmem>>
          %dma_wait3A_128 = arith.constant 0 : i32
          %dma_wait3A_129 = tpu.memref_slice %arg2[%add3A_92, %dma_wait3A_128] : memref<12504x128xi32, #tpu.memory_space<hbm>> -> memref<1x128xi32, #tpu.memory_space<hbm>>
          %dma_wait3A_130 = arith.constant 0 : i32
          %dma_wait3A_131 = arith.constant 0 : i32
          %dma_wait3A_132 = tpu.memref_slice %run_scoped3A[%run_scoped3A_93, %dma_wait3A_130, %dma_wait3A_131] : memref<2x3x128xi32, #tpu.memory_space<vmem>> -> memref<1x1x128xi32, #tpu.memory_space<vmem>>
          %dma_wait3A_133 = tpu.memref_squeeze %dma_wait3A_132 : memref<1x1x128xi32, #tpu.memory_space<vmem>> -> memref<1x128xi32, #tpu.memory_space<vmem>>
          %dma_wait3A_134 = arith.constant 0 : i32
          %dma_wait3A_135 = tpu.memref_slice %arg2[%add3A_92, %dma_wait3A_134] : memref<12504x128xi32, #tpu.memory_space<hbm>> -> memref<1x128xi32, #tpu.memory_space<hbm>>
          tpu.wait_dma2 semaphore(%run_scoped3A_111 : memref<!tpu.dma_semaphore, #tpu.memory_space<semaphore_mem>>) src(%dma_wait3A_135 : memref<1x128xi32, #tpu.memory_space<hbm>>) dst(%dma_wait3A_133 : memref<1x128xi32, #tpu.memory_space<vmem>>)
          tpu.yield
        }) : () -> ()
        %mul3A_94 = arith.constant 16 : i32
        %mul3A_95 = arith.muli %arg0, %mul3A_94 : i32
        %add3A_96 = arith.addi %add3A, %while3A_90 : i32
        %mul3A_97 = arith.constant 128 : i32
        %mul3A_98 = arith.muli %add3A_96, %mul3A_97 : i32
        %run_scoped3A_99 = arith.constant 0 : i32
        "tpu.region"() ({
          %run_scoped3A_111 = tpu.sem_alloc : memref<!tpu.dma_semaphore, #tpu.memory_space<semaphore_mem>>
          %dma_start3A_112 = arith.constant 0 : i32
          %dma_start3A_113 = arith.constant 0 : i32
          %dma_start3A_114 = tpu.memref_slice %run_scoped3A_0[%run_scoped3A_99, %dma_start3A_112, %dma_start3A_113] : memref<2x16x384xf32, #tpu.memory_space<vmem>> -> memref<1x16x128xf32, #tpu.memory_space<vmem>>
          %dma_start3A_115 = tpu.memref_squeeze %dma_start3A_114 : memref<1x16x128xf32, #tpu.memory_space<vmem>> -> memref<16x128xf32, #tpu.memory_space<vmem>>
          %dma_start3A_116 = tpu.memref_slice %arg3[%mul3A_95, %mul3A_98] : memref<32x1600000xf32, #tpu.memory_space<hbm>> -> memref<16x128xf32, #tpu.memory_space<hbm>>
          %dma_start3A_117 = arith.constant 0 : i32
          %dma_start3A_118 = arith.constant 0 : i32
          %dma_start3A_119 = tpu.memref_slice %run_scoped3A_0[%run_scoped3A_99, %dma_start3A_117, %dma_start3A_118] : memref<2x16x384xf32, #tpu.memory_space<vmem>> -> memref<1x16x128xf32, #tpu.memory_space<vmem>>
          %dma_start3A_120 = tpu.memref_squeeze %dma_start3A_119 : memref<1x16x128xf32, #tpu.memory_space<vmem>> -> memref<16x128xf32, #tpu.memory_space<vmem>>
          %dma_start3A_121 = tpu.memref_slice %arg3[%mul3A_95, %mul3A_98] : memref<32x1600000xf32, #tpu.memory_space<hbm>> -> memref<16x128xf32, #tpu.memory_space<hbm>>
          tpu.enqueue_dma source(%dma_start3A_121 : memref<16x128xf32, #tpu.memory_space<hbm>>) target(%dma_start3A_120 : memref<16x128xf32, #tpu.memory_space<vmem>>) target_semaphore(%run_scoped3A_111 : memref<!tpu.dma_semaphore, #tpu.memory_space<semaphore_mem>>)
          %dma_wait3A_122 = arith.constant 0 : i32
          %dma_wait3A_123 = arith.constant 0 : i32
          %dma_wait3A_124 = tpu.memref_slice %run_scoped3A_0[%run_scoped3A_99, %dma_wait3A_122, %dma_wait3A_123] : memref<2x16x384xf32, #tpu.memory_space<vmem>> -> memref<1x16x128xf32, #tpu.memory_space<vmem>>
          %dma_wait3A_125 = tpu.memref_squeeze %dma_wait3A_124 : memref<1x16x128xf32, #tpu.memory_space<vmem>> -> memref<16x128xf32, #tpu.memory_space<vmem>>
          %dma_wait3A_126 = tpu.memref_slice %arg3[%mul3A_95, %mul3A_98] : memref<32x1600000xf32, #tpu.memory_space<hbm>> -> memref<16x128xf32, #tpu.memory_space<hbm>>
          %dma_wait3A_127 = arith.constant 0 : i32
          %dma_wait3A_128 = arith.constant 0 : i32
          %dma_wait3A_129 = tpu.memref_slice %run_scoped3A_0[%run_scoped3A_99, %dma_wait3A_127, %dma_wait3A_128] : memref<2x16x384xf32, #tpu.memory_space<vmem>> -> memref<1x16x128xf32, #tpu.memory_space<vmem>>
          %dma_wait3A_130 = tpu.memref_squeeze %dma_wait3A_129 : memref<1x16x128xf32, #tpu.memory_space<vmem>> -> memref<16x128xf32, #tpu.memory_space<vmem>>
          %dma_wait3A_131 = tpu.memref_slice %arg3[%mul3A_95, %mul3A_98] : memref<32x1600000xf32, #tpu.memory_space<hbm>> -> memref<16x128xf32, #tpu.memory_space<hbm>>
          tpu.wait_dma2 semaphore(%run_scoped3A_111 : memref<!tpu.dma_semaphore, #tpu.memory_space<semaphore_mem>>) src(%dma_wait3A_131 : memref<16x128xf32, #tpu.memory_space<hbm>>) dst(%dma_wait3A_130 : memref<16x128xf32, #tpu.memory_space<vmem>>)
          tpu.yield
        }) : () -> ()
        %scan3A_100 = arith.constant 0 : i32
        %scan3A_101 = arith.constant 0 : i32
        %scan3A_102 = arith.constant 8 : i32
        %scan3A_103 = arith.addi %scan3A_101, %scan3A_102 : i32
        %scan3A_104 = arith.constant 1 : i32
        %scan3A_105 = scf.for %scan3A_111 = %scan3A_101 to %scan3A_103 step %scan3A_104 iter_args(%scan3A_112 = %scan3A_100) -> (i32)  : i32 {
          %mul3A_113 = arith.constant 16 : i32
          %mul3A_114 = arith.muli %scan3A_111, %mul3A_113 : i32
          %iota3A = tpu.iota {dimensions = array<i32: 0>} : vector<16xi32>
          %add3A_115 = vector.broadcast %mul3A_114 : i32 to vector<16xi32>
          %add3A_116 = arith.addi %iota3A, %add3A_115 : vector<16xi32>
          %get3A = arith.constant 0 : i32
          %get3A_117 = arith.constant 0 : i32
          %get3A_118 = arith.index_cast %get3A : i32 to index
          %get3A_119 = arith.index_cast %get3A_117 : i32 to index
          %get3A_120 = arith.index_cast %mul3A_114 : i32 to index
          %get3A_121 = tpu.vector_load %run_scoped3A_0[%get3A_118, %get3A_119, %get3A_120] {strides = array<i32>} : memref<2x16x384xf32, #tpu.memory_space<vmem>>, vector<16xf32>,
          %broadcast_in_dim3A = arith.constant 0 : i32
          %broadcast_in_dim3A_122 = vector.broadcast %broadcast_in_dim3A : i32 to vector<16xi32>
          %scatter3A = arith.constant 0 : i32
          %scatter3A_123 = arith.constant 0 : i32
          %scatter3A_124 = arith.constant 0 : i32
          %scatter3A_125 = tpu.memref_slice %run_scoped3A_1[%scatter3A, %scatter3A_123, %scatter3A_124] : memref<2x384x16xf32, #tpu.memory_space<vmem>> -> memref<1x384x16xf32, #tpu.memory_space<vmem>>
          %scatter3A_126 = tpu.memref_squeeze %scatter3A_125 : memref<1x384x16xf32, #tpu.memory_space<vmem>> -> memref<384x16xf32, #tpu.memory_space<vmem>>
          tpu.vector_store_idx %scatter3A_126[%add3A_116, %broadcast_in_dim3A_122], %get3A_121 : memref<384x16xf32, #tpu.memory_space<vmem>>[vector<16xi32>, vector<16xi32>], vector<16xf32>,
          %get3A_127 = arith.constant 0 : i32
          %get3A_128 = arith.constant 1 : i32
          %get3A_129 = arith.index_cast %get3A_127 : i32 to index
          %get3A_130 = arith.index_cast %get3A_128 : i32 to index
          %get3A_131 = arith.index_cast %mul3A_114 : i32 to index
          %get3A_132 = tpu.vector_load %run_scoped3A_0[%get3A_129, %get3A_130, %get3A_131] {strides = array<i32>} : memref<2x16x384xf32, #tpu.memory_space<vmem>>, vector<16xf32>,
          %broadcast_in_dim3A_133 = arith.constant 1 : i32
          %broadcast_in_dim3A_134 = vector.broadcast %broadcast_in_dim3A_133 : i32 to vector<16xi32>
          %scatter3A_135 = arith.constant 0 : i32
          %scatter3A_136 = arith.constant 0 : i32
          %scatter3A_137 = arith.constant 0 : i32
          %scatter3A_138 = tpu.memref_slice %run_scoped3A_1[%scatter3A_135, %scatter3A_136, %scatter3A_137] : memref<2x384x16xf32, #tpu.memory_space<vmem>> -> memref<1x384x16xf32, #tpu.memory_space<vmem>>
          %scatter3A_139 = tpu.memref_squeeze %scatter3A_138 : memref<1x384x16xf32, #tpu.memory_space<vmem>> -> memref<384x16xf32, #tpu.memory_space<vmem>>
          tpu.vector_store_idx %scatter3A_139[%add3A_116, %broadcast_in_dim3A_134], %get3A_132 : memref<384x16xf32, #tpu.memory_space<vmem>>[vector<16xi32>, vector<16xi32>], vector<16xf32>,
          %get3A_140 = arith.constant 0 : i32
          %get3A_141 = arith.constant 2 : i32
          %get3A_142 = arith.index_cast %get3A_140 : i32 to index
          %get3A_143 = arith.index_cast %get3A_141 : i32 to index
          %get3A_144 = arith.index_cast %mul3A_114 : i32 to index
          %get3A_145 = tpu.vector_load %run_scoped3A_0[%get3A_142, %get3A_143, %get3A_144] {strides = array<i32>} : memref<2x16x384xf32, #tpu.memory_space<vmem>>, vector<16xf32>,
          %broadcast_in_dim3A_146 = arith.constant 2 : i32
          %broadcast_in_dim3A_147 = vector.broadcast %broadcast_in_dim3A_146 : i32 to vector<16xi32>
          %scatter3A_148 = arith.constant 0 : i32
          %scatter3A_149 = arith.constant 0 : i32
          %scatter3A_150 = arith.constant 0 : i32
          %scatter3A_151 = tpu.memref_slice %run_scoped3A_1[%scatter3A_148, %scatter3A_149, %scatter3A_150] : memref<2x384x16xf32, #tpu.memory_space<vmem>> -> memref<1x384x16xf32, #tpu.memory_space<vmem>>
          %scatter3A_152 = tpu.memref_squeeze %scatter3A_151 : memref<1x384x16xf32, #tpu.memory_space<vmem>> -> memref<384x16xf32, #tpu.memory_space<vmem>>
          tpu.vector_store_idx %scatter3A_152[%add3A_116, %broadcast_in_dim3A_147], %get3A_145 : memref<384x16xf32, #tpu.memory_space<vmem>>[vector<16xi32>, vector<16xi32>], vector<16xf32>,
          %get3A_153 = arith.constant 0 : i32
          %get3A_154 = arith.constant 3 : i32
          %get3A_155 = arith.index_cast %get3A_153 : i32 to index
          %get3A_156 = arith.index_cast %get3A_154 : i32 to index
          %get3A_157 = arith.index_cast %mul3A_114 : i32 to index
          %get3A_158 = tpu.vector_load %run_scoped3A_0[%get3A_155, %get3A_156, %get3A_157] {strides = array<i32>} : memref<2x16x384xf32, #tpu.memory_space<vmem>>, vector<16xf32>,
          %broadcast_in_dim3A_159 = arith.constant 3 : i32
          %broadcast_in_dim3A_160 = vector.broadcast %broadcast_in_dim3A_159 : i32 to vector<16xi32>
          %scatter3A_161 = arith.constant 0 : i32
          %scatter3A_162 = arith.constant 0 : i32
          %scatter3A_163 = arith.constant 0 : i32
          %scatter3A_164 = tpu.memref_slice %run_scoped3A_1[%scatter3A_161, %scatter3A_162, %scatter3A_163] : memref<2x384x16xf32, #tpu.memory_space<vmem>> -> memref<1x384x16xf32, #tpu.memory_space<vmem>>
          %scatter3A_165 = tpu.memref_squeeze %scatter3A_164 : memref<1x384x16xf32, #tpu.memory_space<vmem>> -> memref<384x16xf32, #tpu.memory_space<vmem>>
          tpu.vector_store_idx %scatter3A_165[%add3A_116, %broadcast_in_dim3A_160], %get3A_158 : memref<384x16xf32, #tpu.memory_space<vmem>>[vector<16xi32>, vector<16xi32>], vector<16xf32>,
          %get3A_166 = arith.constant 0 : i32
          %get3A_167 = arith.constant 4 : i32
          %get3A_168 = arith.index_cast %get3A_166 : i32 to index
          %get3A_169 = arith.index_cast %get3A_167 : i32 to index
          %get3A_170 = arith.index_cast %mul3A_114 : i32 to index
          %get3A_171 = tpu.vector_load %run_scoped3A_0[%get3A_168, %get3A_169, %get3A_170] {strides = array<i32>} : memref<2x16x384xf32, #tpu.memory_space<vmem>>, vector<16xf32>,
          %broadcast_in_dim3A_172 = arith.constant 4 : i32
          %broadcast_in_dim3A_173 = vector.broadcast %broadcast_in_dim3A_172 : i32 to vector<16xi32>
          %scatter3A_174 = arith.constant 0 : i32
          %scatter3A_175 = arith.constant 0 : i32
          %scatter3A_176 = arith.constant 0 : i32
          %scatter3A_177 = tpu.memref_slice %run_scoped3A_1[%scatter3A_174, %scatter3A_175, %scatter3A_176] : memref<2x384x16xf32, #tpu.memory_space<vmem>> -> memref<1x384x16xf32, #tpu.memory_space<vmem>>
          %scatter3A_178 = tpu.memref_squeeze %scatter3A_177 : memref<1x384x16xf32, #tpu.memory_space<vmem>> -> memref<384x16xf32, #tpu.memory_space<vmem>>
          tpu.vector_store_idx %scatter3A_178[%add3A_116, %broadcast_in_dim3A_173], %get3A_171 : memref<384x16xf32, #tpu.memory_space<vmem>>[vector<16xi32>, vector<16xi32>], vector<16xf32>,
          %get3A_179 = arith.constant 0 : i32
          %get3A_180 = arith.constant 5 : i32
          %get3A_181 = arith.index_cast %get3A_179 : i32 to index
          %get3A_182 = arith.index_cast %get3A_180 : i32 to index
          %get3A_183 = arith.index_cast %mul3A_114 : i32 to index
          %get3A_184 = tpu.vector_load %run_scoped3A_0[%get3A_181, %get3A_182, %get3A_183] {strides = array<i32>} : memref<2x16x384xf32, #tpu.memory_space<vmem>>, vector<16xf32>,
          %broadcast_in_dim3A_185 = arith.constant 5 : i32
          %broadcast_in_dim3A_186 = vector.broadcast %broadcast_in_dim3A_185 : i32 to vector<16xi32>
          %scatter3A_187 = arith.constant 0 : i32
          %scatter3A_188 = arith.constant 0 : i32
          %scatter3A_189 = arith.constant 0 : i32
          %scatter3A_190 = tpu.memref_slice %run_scoped3A_1[%scatter3A_187, %scatter3A_188, %scatter3A_189] : memref<2x384x16xf32, #tpu.memory_space<vmem>> -> memref<1x384x16xf32, #tpu.memory_space<vmem>>
          %scatter3A_191 = tpu.memref_squeeze %scatter3A_190 : memref<1x384x16xf32, #tpu.memory_space<vmem>> -> memref<384x16xf32, #tpu.memory_space<vmem>>
          tpu.vector_store_idx %scatter3A_191[%add3A_116, %broadcast_in_dim3A_186], %get3A_184 : memref<384x16xf32, #tpu.memory_space<vmem>>[vector<16xi32>, vector<16xi32>], vector<16xf32>,
          %get3A_192 = arith.constant 0 : i32
          %get3A_193 = arith.constant 6 : i32
          %get3A_194 = arith.index_cast %get3A_192 : i32 to index
          %get3A_195 = arith.index_cast %get3A_193 : i32 to index
          %get3A_196 = arith.index_cast %mul3A_114 : i32 to index
          %get3A_197 = tpu.vector_load %run_scoped3A_0[%get3A_194, %get3A_195, %get3A_196] {strides = array<i32>} : memref<2x16x384xf32, #tpu.memory_space<vmem>>, vector<16xf32>,
          %broadcast_in_dim3A_198 = arith.constant 6 : i32
          %broadcast_in_dim3A_199 = vector.broadcast %broadcast_in_dim3A_198 : i32 to vector<16xi32>
          %scatter3A_200 = arith.constant 0 : i32
          %scatter3A_201 = arith.constant 0 : i32
          %scatter3A_202 = arith.constant 0 : i32
          %scatter3A_203 = tpu.memref_slice %run_scoped3A_1[%scatter3A_200, %scatter3A_201, %scatter3A_202] : memref<2x384x16xf32, #tpu.memory_space<vmem>> -> memref<1x384x16xf32, #tpu.memory_space<vmem>>
          %scatter3A_204 = tpu.memref_squeeze %scatter3A_203 : memref<1x384x16xf32, #tpu.memory_space<vmem>> -> memref<384x16xf32, #tpu.memory_space<vmem>>
          tpu.vector_store_idx %scatter3A_204[%add3A_116, %broadcast_in_dim3A_199], %get3A_197 : memref<384x16xf32, #tpu.memory_space<vmem>>[vector<16xi32>, vector<16xi32>], vector<16xf32>,
          %get3A_205 = arith.constant 0 : i32
          %get3A_206 = arith.constant 7 : i32
          %get3A_207 = arith.index_cast %get3A_205 : i32 to index
          %get3A_208 = arith.index_cast %get3A_206 : i32 to index
          %get3A_209 = arith.index_cast %mul3A_114 : i32 to index
          %get3A_210 = tpu.vector_load %run_scoped3A_0[%get3A_207, %get3A_208, %get3A_209] {strides = array<i32>} : memref<2x16x384xf32, #tpu.memory_space<vmem>>, vector<16xf32>,
          %broadcast_in_dim3A_211 = arith.constant 7 : i32
          %broadcast_in_dim3A_212 = vector.broadcast %broadcast_in_dim3A_211 : i32 to vector<16xi32>
          %scatter3A_213 = arith.constant 0 : i32
          %scatter3A_214 = arith.constant 0 : i32
          %scatter3A_215 = arith.constant 0 : i32
          %scatter3A_216 = tpu.memref_slice %run_scoped3A_1[%scatter3A_213, %scatter3A_214, %scatter3A_215] : memref<2x384x16xf32, #tpu.memory_space<vmem>> -> memref<1x384x16xf32, #tpu.memory_space<vmem>>
          %scatter3A_217 = tpu.memref_squeeze %scatter3A_216 : memref<1x384x16xf32, #tpu.memory_space<vmem>> -> memref<384x16xf32, #tpu.memory_space<vmem>>
          tpu.vector_store_idx %scatter3A_217[%add3A_116, %broadcast_in_dim3A_212], %get3A_210 : memref<384x16xf32, #tpu.memory_space<vmem>>[vector<16xi32>, vector<16xi32>], vector<16xf32>,
          %get3A_218 = arith.constant 0 : i32
          %get3A_219 = arith.constant 8 : i32
          %get3A_220 = arith.index_cast %get3A_218 : i32 to index
          %get3A_221 = arith.index_cast %get3A_219 : i32 to index
          %get3A_222 = arith.index_cast %mul3A_114 : i32 to index
          %get3A_223 = tpu.vector_load %run_scoped3A_0[%get3A_220, %get3A_221, %get3A_222] {strides = array<i32>} : memref<2x16x384xf32, #tpu.memory_space<vmem>>, vector<16xf32>,
          %broadcast_in_dim3A_224 = arith.constant 8 : i32
          %broadcast_in_dim3A_225 = vector.broadcast %broadcast_in_dim3A_224 : i32 to vector<16xi32>
          %scatter3A_226 = arith.constant 0 : i32
          %scatter3A_227 = arith.constant 0 : i32
          %scatter3A_228 = arith.constant 0 : i32
          %scatter3A_229 = tpu.memref_slice %run_scoped3A_1[%scatter3A_226, %scatter3A_227, %scatter3A_228] : memref<2x384x16xf32, #tpu.memory_space<vmem>> -> memref<1x384x16xf32, #tpu.memory_space<vmem>>
          %scatter3A_230 = tpu.memref_squeeze %scatter3A_229 : memref<1x384x16xf32, #tpu.memory_space<vmem>> -> memref<384x16xf32, #tpu.memory_space<vmem>>
          tpu.vector_store_idx %scatter3A_230[%add3A_116, %broadcast_in_dim3A_225], %get3A_223 : memref<384x16xf32, #tpu.memory_space<vmem>>[vector<16xi32>, vector<16xi32>], vector<16xf32>,
          %get3A_231 = arith.constant 0 : i32
          %get3A_232 = arith.constant 9 : i32
          %get3A_233 = arith.index_cast %get3A_231 : i32 to index
          %get3A_234 = arith.index_cast %get3A_232 : i32 to index
          %get3A_235 = arith.index_cast %mul3A_114 : i32 to index
          %get3A_236 = tpu.vector_load %run_scoped3A_0[%get3A_233, %get3A_234, %get3A_235] {strides = array<i32>} : memref<2x16x384xf32, #tpu.memory_space<vmem>>, vector<16xf32>,
          %broadcast_in_dim3A_237 = arith.constant 9 : i32
          %broadcast_in_dim3A_238 = vector.broadcast %broadcast_in_dim3A_237 : i32 to vector<16xi32>
          %scatter3A_239 = arith.constant 0 : i32
          %scatter3A_240 = arith.constant 0 : i32
          %scatter3A_241 = arith.constant 0 : i32
          %scatter3A_242 = tpu.memref_slice %run_scoped3A_1[%scatter3A_239, %scatter3A_240, %scatter3A_241] : memref<2x384x16xf32, #tpu.memory_space<vmem>> -> memref<1x384x16xf32, #tpu.memory_space<vmem>>
          %scatter3A_243 = tpu.memref_squeeze %scatter3A_242 : memref<1x384x16xf32, #tpu.memory_space<vmem>> -> memref<384x16xf32, #tpu.memory_space<vmem>>
          tpu.vector_store_idx %scatter3A_243[%add3A_116, %broadcast_in_dim3A_238], %get3A_236 : memref<384x16xf32, #tpu.memory_space<vmem>>[vector<16xi32>, vector<16xi32>], vector<16xf32>,
          %get3A_244 = arith.constant 0 : i32
          %get3A_245 = arith.constant 10 : i32
          %get3A_246 = arith.index_cast %get3A_244 : i32 to index
          %get3A_247 = arith.index_cast %get3A_245 : i32 to index
          %get3A_248 = arith.index_cast %mul3A_114 : i32 to index
          %get3A_249 = tpu.vector_load %run_scoped3A_0[%get3A_246, %get3A_247, %get3A_248] {strides = array<i32>} : memref<2x16x384xf32, #tpu.memory_space<vmem>>, vector<16xf32>,
          %broadcast_in_dim3A_250 = arith.constant 10 : i32
          %broadcast_in_dim3A_251 = vector.broadcast %broadcast_in_dim3A_250 : i32 to vector<16xi32>
          %scatter3A_252 = arith.constant 0 : i32
          %scatter3A_253 = arith.constant 0 : i32
          %scatter3A_254 = arith.constant 0 : i32
          %scatter3A_255 = tpu.memref_slice %run_scoped3A_1[%scatter3A_252, %scatter3A_253, %scatter3A_254] : memref<2x384x16xf32, #tpu.memory_space<vmem>> -> memref<1x384x16xf32, #tpu.memory_space<vmem>>
          %scatter3A_256 = tpu.memref_squeeze %scatter3A_255 : memref<1x384x16xf32, #tpu.memory_space<vmem>> -> memref<384x16xf32, #tpu.memory_space<vmem>>
          tpu.vector_store_idx %scatter3A_256[%add3A_116, %broadcast_in_dim3A_251], %get3A_249 : memref<384x16xf32, #tpu.memory_space<vmem>>[vector<16xi32>, vector<16xi32>], vector<16xf32>,
          %get3A_257 = arith.constant 0 : i32
          %get3A_258 = arith.constant 11 : i32
          %get3A_259 = arith.index_cast %get3A_257 : i32 to index
          %get3A_260 = arith.index_cast %get3A_258 : i32 to index
          %get3A_261 = arith.index_cast %mul3A_114 : i32 to index
          %get3A_262 = tpu.vector_load %run_scoped3A_0[%get3A_259, %get3A_260, %get3A_261] {strides = array<i32>} : memref<2x16x384xf32, #tpu.memory_space<vmem>>, vector<16xf32>,
          %broadcast_in_dim3A_263 = arith.constant 11 : i32
          %broadcast_in_dim3A_264 = vector.broadcast %broadcast_in_dim3A_263 : i32 to vector<16xi32>
          %scatter3A_265 = arith.constant 0 : i32
          %scatter3A_266 = arith.constant 0 : i32
          %scatter3A_267 = arith.constant 0 : i32
          %scatter3A_268 = tpu.memref_slice %run_scoped3A_1[%scatter3A_265, %scatter3A_266, %scatter3A_267] : memref<2x384x16xf32, #tpu.memory_space<vmem>> -> memref<1x384x16xf32, #tpu.memory_space<vmem>>
          %scatter3A_269 = tpu.memref_squeeze %scatter3A_268 : memref<1x384x16xf32, #tpu.memory_space<vmem>> -> memref<384x16xf32, #tpu.memory_space<vmem>>
          tpu.vector_store_idx %scatter3A_269[%add3A_116, %broadcast_in_dim3A_264], %get3A_262 : memref<384x16xf32, #tpu.memory_space<vmem>>[vector<16xi32>, vector<16xi32>], vector<16xf32>,
          %get3A_270 = arith.constant 0 : i32
          %get3A_271 = arith.constant 12 : i32
          %get3A_272 = arith.index_cast %get3A_270 : i32 to index
          %get3A_273 = arith.index_cast %get3A_271 : i32 to index
          %get3A_274 = arith.index_cast %mul3A_114 : i32 to index
          %get3A_275 = tpu.vector_load %run_scoped3A_0[%get3A_272, %get3A_273, %get3A_274] {strides = array<i32>} : memref<2x16x384xf32, #tpu.memory_space<vmem>>, vector<16xf32>,
          %broadcast_in_dim3A_276 = arith.constant 12 : i32
          %broadcast_in_dim3A_277 = vector.broadcast %broadcast_in_dim3A_276 : i32 to vector<16xi32>
          %scatter3A_278 = arith.constant 0 : i32
          %scatter3A_279 = arith.constant 0 : i32
          %scatter3A_280 = arith.constant 0 : i32
          %scatter3A_281 = tpu.memref_slice %run_scoped3A_1[%scatter3A_278, %scatter3A_279, %scatter3A_280] : memref<2x384x16xf32, #tpu.memory_space<vmem>> -> memref<1x384x16xf32, #tpu.memory_space<vmem>>
          %scatter3A_282 = tpu.memref_squeeze %scatter3A_281 : memref<1x384x16xf32, #tpu.memory_space<vmem>> -> memref<384x16xf32, #tpu.memory_space<vmem>>
          tpu.vector_store_idx %scatter3A_282[%add3A_116, %broadcast_in_dim3A_277], %get3A_275 : memref<384x16xf32, #tpu.memory_space<vmem>>[vector<16xi32>, vector<16xi32>], vector<16xf32>,
          %get3A_283 = arith.constant 0 : i32
          %get3A_284 = arith.constant 13 : i32
          %get3A_285 = arith.index_cast %get3A_283 : i32 to index
          %get3A_286 = arith.index_cast %get3A_284 : i32 to index
          %get3A_287 = arith.index_cast %mul3A_114 : i32 to index
          %get3A_288 = tpu.vector_load %run_scoped3A_0[%get3A_285, %get3A_286, %get3A_287] {strides = array<i32>} : memref<2x16x384xf32, #tpu.memory_space<vmem>>, vector<16xf32>,
          %broadcast_in_dim3A_289 = arith.constant 13 : i32
          %broadcast_in_dim3A_290 = vector.broadcast %broadcast_in_dim3A_289 : i32 to vector<16xi32>
          %scatter3A_291 = arith.constant 0 : i32
          %scatter3A_292 = arith.constant 0 : i32
          %scatter3A_293 = arith.constant 0 : i32
          %scatter3A_294 = tpu.memref_slice %run_scoped3A_1[%scatter3A_291, %scatter3A_292, %scatter3A_293] : memref<2x384x16xf32, #tpu.memory_space<vmem>> -> memref<1x384x16xf32, #tpu.memory_space<vmem>>
          %scatter3A_295 = tpu.memref_squeeze %scatter3A_294 : memref<1x384x16xf32, #tpu.memory_space<vmem>> -> memref<384x16xf32, #tpu.memory_space<vmem>>
          tpu.vector_store_idx %scatter3A_295[%add3A_116, %broadcast_in_dim3A_290], %get3A_288 : memref<384x16xf32, #tpu.memory_space<vmem>>[vector<16xi32>, vector<16xi32>], vector<16xf32>,
          %get3A_296 = arith.constant 0 : i32
          %get3A_297 = arith.constant 14 : i32
          %get3A_298 = arith.index_cast %get3A_296 : i32 to index
          %get3A_299 = arith.index_cast %get3A_297 : i32 to index
          %get3A_300 = arith.index_cast %mul3A_114 : i32 to index
          %get3A_301 = tpu.vector_load %run_scoped3A_0[%get3A_298, %get3A_299, %get3A_300] {strides = array<i32>} : memref<2x16x384xf32, #tpu.memory_space<vmem>>, vector<16xf32>,
          %broadcast_in_dim3A_302 = arith.constant 14 : i32
          %broadcast_in_dim3A_303 = vector.broadcast %broadcast_in_dim3A_302 : i32 to vector<16xi32>
          %scatter3A_304 = arith.constant 0 : i32
          %scatter3A_305 = arith.constant 0 : i32
          %scatter3A_306 = arith.constant 0 : i32
          %scatter3A_307 = tpu.memref_slice %run_scoped3A_1[%scatter3A_304, %scatter3A_305, %scatter3A_306] : memref<2x384x16xf32, #tpu.memory_space<vmem>> -> memref<1x384x16xf32, #tpu.memory_space<vmem>>
          %scatter3A_308 = tpu.memref_squeeze %scatter3A_307 : memref<1x384x16xf32, #tpu.memory_space<vmem>> -> memref<384x16xf32, #tpu.memory_space<vmem>>
          tpu.vector_store_idx %scatter3A_308[%add3A_116, %broadcast_in_dim3A_303], %get3A_301 : memref<384x16xf32, #tpu.memory_space<vmem>>[vector<16xi32>, vector<16xi32>], vector<16xf32>,
          %get3A_309 = arith.constant 0 : i32
          %get3A_310 = arith.constant 15 : i32
          %get3A_311 = arith.index_cast %get3A_309 : i32 to index
          %get3A_312 = arith.index_cast %get3A_310 : i32 to index
          %get3A_313 = arith.index_cast %mul3A_114 : i32 to index
          %get3A_314 = tpu.vector_load %run_scoped3A_0[%get3A_311, %get3A_312, %get3A_313] {strides = array<i32>} : memref<2x16x384xf32, #tpu.memory_space<vmem>>, vector<16xf32>,
          %broadcast_in_dim3A_315 = arith.constant 15 : i32
          %broadcast_in_dim3A_316 = vector.broadcast %broadcast_in_dim3A_315 : i32 to vector<16xi32>
          %scatter3A_317 = arith.constant 0 : i32
          %scatter3A_318 = arith.constant 0 : i32
          %scatter3A_319 = arith.constant 0 : i32
          %scatter3A_320 = tpu.memref_slice %run_scoped3A_1[%scatter3A_317, %scatter3A_318, %scatter3A_319] : memref<2x384x16xf32, #tpu.memory_space<vmem>> -> memref<1x384x16xf32, #tpu.memory_space<vmem>>
          %scatter3A_321 = tpu.memref_squeeze %scatter3A_320 : memref<1x384x16xf32, #tpu.memory_space<vmem>> -> memref<384x16xf32, #tpu.memory_space<vmem>>
          tpu.vector_store_idx %scatter3A_321[%add3A_116, %broadcast_in_dim3A_316], %get3A_314 : memref<384x16xf32, #tpu.memory_space<vmem>>[vector<16xi32>, vector<16xi32>], vector<16xf32>,
          %scan3A_322 = arith.constant 0 : i32
          scf.yield %scan3A_322 : i32
        }
        %scan3A_106 = arith.constant 8 : i32
        %run_scoped3A_107 = arith.constant 0 : i32
        %run_scoped3A_108 = arith.constant 0 : i32
        %run_scoped3A_109 = arith.constant 0 : i32
        "tpu.region"() ({
          %run_scoped3A_111 = tpu.sem_alloc : memref<!tpu.dma_semaphore, #tpu.memory_space<semaphore_mem>>
          %dma_start3A_112 = arith.constant 0 : i32
          %dma_start3A_113 = arith.constant 0 : i32
          %dma_start3A_114 = tpu.memref_slice %run_scoped3A_1[%run_scoped3A_107, %dma_start3A_112, %dma_start3A_113] : memref<2x384x16xf32, #tpu.memory_space<vmem>> -> memref<1x128x16xf32, #tpu.memory_space<vmem>>
          %dma_start3A_115 = tpu.memref_squeeze %dma_start3A_114 : memref<1x128x16xf32, #tpu.memory_space<vmem>> -> memref<128x16xf32, #tpu.memory_space<vmem>>
          %dma_start3A_116 = arith.constant 0 : i32
          %dma_start3A_117 = tpu.memref_slice %run_scoped3A[%run_scoped3A_108, %run_scoped3A_109, %dma_start3A_116] : memref<2x3x128xi32, #tpu.memory_space<vmem>> -> memref<1x1x128xi32, #tpu.memory_space<vmem>>
          %dma_start3A_118 = tpu.memref_squeeze %dma_start3A_117 : memref<1x1x128xi32, #tpu.memory_space<vmem>> -> memref<128xi32, #tpu.memory_space<vmem>>
          %dma_start3A_119 = arith.constant 0 : i32
          %dma_start3A_120 = arith.constant 0 : i32
          %dma_start3A_121 = tpu.memref_slice %arg5[%dma_start3A_119, %dma_start3A_120] : memref<100008x16xf32, #tpu.memory_space<vmem_shared>> -> memref<100008x16xf32, #tpu.memory_space<vmem_shared>>
          tpu.enqueue_indirect_dma source(%dma_start3A_115 : memref<128x16xf32, #tpu.memory_space<vmem>>) target(%dma_start3A_121 : memref<100008x16xf32, #tpu.memory_space<vmem_shared>>) offsets(%dma_start3A_118 : memref<128xi32, #tpu.memory_space<vmem>>) semaphore(%run_scoped3A_111 : memref<!tpu.dma_semaphore, #tpu.memory_space<semaphore_mem>>) {add = true}
          %dma_wait3A_122 = arith.constant 0 : i32
          %dma_wait3A_123 = arith.constant 0 : i32
          %dma_wait3A_124 = tpu.memref_slice %run_scoped3A_1[%run_scoped3A_107, %dma_wait3A_122, %dma_wait3A_123] : memref<2x384x16xf32, #tpu.memory_space<vmem>> -> memref<1x128x16xf32, #tpu.memory_space<vmem>>
          %dma_wait3A_125 = tpu.memref_squeeze %dma_wait3A_124 : memref<1x128x16xf32, #tpu.memory_space<vmem>> -> memref<128x16xf32, #tpu.memory_space<vmem>>
          %dma_wait3A_126 = arith.constant 0 : i32
          %dma_wait3A_127 = tpu.memref_slice %run_scoped3A[%run_scoped3A_108, %run_scoped3A_109, %dma_wait3A_126] : memref<2x3x128xi32, #tpu.memory_space<vmem>> -> memref<1x1x128xi32, #tpu.memory_space<vmem>>
          %dma_wait3A_128 = tpu.memref_squeeze %dma_wait3A_127 : memref<1x1x128xi32, #tpu.memory_space<vmem>> -> memref<128xi32, #tpu.memory_space<vmem>>
          %dma_wait3A_129 = arith.constant 0 : i32
          %dma_wait3A_130 = arith.constant 0 : i32
          %dma_wait3A_131 = tpu.memref_slice %arg5[%dma_wait3A_129, %dma_wait3A_130] : memref<100008x16xf32, #tpu.memory_space<vmem_shared>> -> memref<100008x16xf32, #tpu.memory_space<vmem_shared>>
          tpu.wait_indirect_dma semaphore(%run_scoped3A_111 : memref<!tpu.dma_semaphore, #tpu.memory_space<semaphore_mem>>) src(%dma_wait3A_125 : memref<128x16xf32, #tpu.memory_space<vmem>>) dst(%dma_wait3A_131 : memref<100008x16xf32, #tpu.memory_space<vmem_shared>>)
          tpu.yield
        }) : () -> ()
        %while3A_110 = arith.constant 0 : i32
        scf.yield %while3A_110 : i32
      }
      %barrier3A_82 = arith.constant 0 : index
      tpu.barrier barrier_id(%barrier3A_82)
      %scan3A_83 = arith.constant 0 : i32
      %scan3A_84 = arith.constant 0 : i32
      %scan3A_85 = arith.constant 50 : i32
      %scan3A_86 = arith.addi %scan3A_84, %scan3A_85 : i32
      %scan3A_87 = arith.constant 1 : i32
      %scan3A_88 = scf.for %scan3A_90 = %scan3A_84 to %scan3A_86 step %scan3A_87 iter_args(%scan3A_91 = %scan3A_83) -> (i32)  : i32 {
        %mul3A_92 = arith.constant 6250 : i32
        %mul3A_93 = arith.muli %arg1, %mul3A_92 : i32
        %mul3A_94 = arith.constant 125 : i32
        %mul3A_95 = arith.muli %scan3A_90, %mul3A_94 : i32
        %add3A_96 = arith.addi %mul3A_93, %mul3A_95 : i32
        %mul3A_97 = arith.constant 16 : i32
        %mul3A_98 = arith.muli %arg0, %mul3A_97 : i32
        "tpu.region"() ({
          %run_scoped3A_100 = tpu.sem_alloc : memref<!tpu.dma_semaphore, #tpu.memory_space<semaphore_mem>>
          %dma_start3A_101 = tpu.memref_slice %arg4[%add3A_96, %mul3A_98] : memref<100000x128xf32, #tpu.memory_space<hbm>> -> memref<125x16xf32, #tpu.memory_space<hbm>>
          %dma_start3A_102 = arith.constant 0 : i32
          %dma_start3A_103 = tpu.memref_slice %arg5[%add3A_96, %dma_start3A_102] : memref<100008x16xf32, #tpu.memory_space<vmem_shared>> -> memref<125x16xf32, #tpu.memory_space<vmem_shared>>
          tpu.enqueue_dma source(%dma_start3A_103 : memref<125x16xf32, #tpu.memory_space<vmem_shared>>) target(%dma_start3A_101 : memref<125x16xf32, #tpu.memory_space<hbm>>) target_semaphore(%run_scoped3A_100 : memref<!tpu.dma_semaphore, #tpu.memory_space<semaphore_mem>>)
          %dma_wait3A_104 = tpu.memref_slice %arg4[%add3A_96, %mul3A_98] : memref<100000x128xf32, #tpu.memory_space<hbm>> -> memref<125x16xf32, #tpu.memory_space<hbm>>
          %dma_wait3A_105 = arith.constant 0 : i32
          %dma_wait3A_106 = tpu.memref_slice %arg5[%add3A_96, %dma_wait3A_105] : memref<100008x16xf32, #tpu.memory_space<vmem_shared>> -> memref<125x16xf32, #tpu.memory_space<vmem_shared>>
          tpu.wait_dma2 semaphore(%run_scoped3A_100 : memref<!tpu.dma_semaphore, #tpu.memory_space<semaphore_mem>>) src(%dma_wait3A_106 : memref<125x16xf32, #tpu.memory_space<vmem_shared>>) dst(%dma_wait3A_104 : memref<125x16xf32, #tpu.memory_space<hbm>>)
          tpu.yield
        }) : () -> ()
        %scan3A_99 = arith.constant 0 : i32
        scf.yield %scan3A_99 : i32
      }
      %scan3A_89 = arith.constant 50 : i32
      tpu.yield
    }) : () -> ()
    return
  }
}

module attributes {stable_mosaic.version = 14 : i64} {
  func.func @_mlp_body(%arg0: i32, %arg1: memref<4000x128xf32, #tpu.memory_space<vmem>>, %arg2: memref<4000x128xf32, #tpu.memory_space<vmem>>, %arg3: memref<128x32xf32, #tpu.memory_space<vmem>>, %arg4: memref<32x32xf32, #tpu.memory_space<vmem>>, %arg5: memref<1x32xf32, #tpu.memory_space<vmem>>, %arg6: memref<32x32xf32, #tpu.memory_space<vmem>>, %arg7: memref<1x32xf32, #tpu.memory_space<vmem>>, %arg8: memref<4000x32xf32, #tpu.memory_space<vmem>>) attributes {dimension_semantics = [#tpu.dimension_semantics<arbitrary>], iteration_bounds = array<i64: 25>, scalar_prefetch = 0 : i64, scratch_operands = 0 : i64, tpu.core_type = #tpu.core_type<tc>, window_params = [{transform_indices = @transform_0, window_bounds = array<i64: 4000, 128>}, {transform_indices = @transform_1, window_bounds = array<i64: 4000, 128>}, {pipeline_mode = #tpu.pipeline_mode<synchronous>, transform_indices = @transform_2, window_bounds = array<i64: 128, 32>}, {pipeline_mode = #tpu.pipeline_mode<synchronous>, transform_indices = @transform_3, window_bounds = array<i64: 32, 32>}, {pipeline_mode = #tpu.pipeline_mode<synchronous>, transform_indices = @transform_4, window_bounds = array<i64: 1, 32>}, {pipeline_mode = #tpu.pipeline_mode<synchronous>, transform_indices = @transform_5, window_bounds = array<i64: 32, 32>}, {pipeline_mode = #tpu.pipeline_mode<synchronous>, transform_indices = @transform_6, window_bounds = array<i64: 1, 32>}, {transform_indices = @transform_7, window_bounds = array<i64: 4000, 32>}]} {
    %get3A = arith.constant 0 : index
    %get3A_0 = arith.constant 0 : index
    %get3A_1 = vector.load %arg1[%get3A, %get3A_0] : memref<4000x128xf32, #tpu.memory_space<vmem>>, vector<4000x128xf32>
    %get3A_2 = arith.constant 0 : index
    %get3A_3 = arith.constant 0 : index
    %get3A_4 = vector.load %arg3[%get3A_2, %get3A_3] : memref<128x32xf32, #tpu.memory_space<vmem>>, vector<128x32xf32>
    %dot_general3A = arith.constant dense<0.000000e+00> : vector<4000x32xf32>
    %dot_general3A_5 = tpu.matmul %get3A_1, %get3A_4, %dot_general3A {dimension_numbers = #tpu.dot_dimension_numbers<[1], [0], [0], [1], [0, 0, 1, 1], [], []>, transpose_lhs_hint = false} : vector<4000x128xf32>, vector<128x32xf32>, vector<4000x32xf32> -> vector<4000x32xf32>
    %get3A_6 = arith.constant 0 : index
    %get3A_7 = arith.constant 0 : index
    %get3A_8 = vector.load %arg2[%get3A_6, %get3A_7] : memref<4000x128xf32, #tpu.memory_space<vmem>>, vector<4000x32xf32>
    %get3A_9 = arith.constant 0 : index
    %get3A_10 = arith.constant 0 : index
    %get3A_11 = vector.load %arg4[%get3A_9, %get3A_10] : memref<32x32xf32, #tpu.memory_space<vmem>>, vector<32x32xf32>
    %dot_general3A_12 = arith.constant dense<0.000000e+00> : vector<4000x32xf32>
    %dot_general3A_13 = tpu.matmul %get3A_8, %get3A_11, %dot_general3A_12 {dimension_numbers = #tpu.dot_dimension_numbers<[1], [0], [0], [1], [0, 0, 1, 1], [], []>, transpose_lhs_hint = false} : vector<4000x32xf32>, vector<32x32xf32>, vector<4000x32xf32> -> vector<4000x32xf32>
    %add3A = arith.addf %dot_general3A_5, %dot_general3A_13 : vector<4000x32xf32>
    %get3A_14 = arith.constant 0 : index
    %get3A_15 = arith.constant 0 : index
    %get3A_16 = vector.load %arg5[%get3A_14, %get3A_15] : memref<1x32xf32, #tpu.memory_space<vmem>>, vector<1x32xf32>
    %add3A_17 = vector.broadcast %get3A_16 : vector<1x32xf32> to vector<4000x32xf32>
    %add3A_18 = arith.addf %add3A, %add3A_17 : vector<4000x32xf32>
    %max3A = arith.constant 0.000000e+00 : f32
    %max3A_19 = vector.broadcast %max3A : f32 to vector<4000x32xf32>
    %max3A_20 = arith.maximumf %add3A_18, %max3A_19 : vector<4000x32xf32>
    %get3A_21 = arith.constant 0 : index
    %get3A_22 = arith.constant 0 : index
    %get3A_23 = vector.load %arg6[%get3A_21, %get3A_22] : memref<32x32xf32, #tpu.memory_space<vmem>>, vector<32x32xf32>
    %dot_general3A_24 = arith.constant dense<0.000000e+00> : vector<4000x32xf32>
    %dot_general3A_25 = tpu.matmul %max3A_20, %get3A_23, %dot_general3A_24 {dimension_numbers = #tpu.dot_dimension_numbers<[1], [0], [0], [1], [0, 0, 1, 1], [], []>, transpose_lhs_hint = false} : vector<4000x32xf32>, vector<32x32xf32>, vector<4000x32xf32> -> vector<4000x32xf32>
    %get3A_26 = arith.constant 0 : index
    %get3A_27 = arith.constant 0 : index
    %get3A_28 = vector.load %arg7[%get3A_26, %get3A_27] : memref<1x32xf32, #tpu.memory_space<vmem>>, vector<1x32xf32>
    %add3A_29 = vector.broadcast %get3A_28 : vector<1x32xf32> to vector<4000x32xf32>
    %add3A_30 = arith.addf %dot_general3A_25, %add3A_29 : vector<4000x32xf32>
    %max3A_31 = arith.constant 0.000000e+00 : f32
    %max3A_32 = vector.broadcast %max3A_31 : f32 to vector<4000x32xf32>
    %max3A_33 = arith.maximumf %add3A_30, %max3A_32 : vector<4000x32xf32>
    %swap3A = arith.constant 0 : index
    %swap3A_34 = arith.constant 0 : index
    %swap3A_35 = vector.load %arg8[%swap3A, %swap3A_34] : memref<4000x32xf32, #tpu.memory_space<vmem>>, vector<4000x32xf32>
    tpu.vector_store %arg8[%swap3A, %swap3A_34], %max3A_33 {strides = array<i32>} : memref<4000x32xf32, #tpu.memory_space<vmem>>, vector<4000x32xf32>,
    return
  }
  func.func @transform_0(%arg0: i32) -> (i32, i32) {
    %c0_i32 = arith.constant 0 : i32
    %c0_i32_0 = arith.constant 0 : i32
    return %arg0, %c0_i32 : i32, i32
  }
  func.func @transform_1(%arg0: i32) -> (i32, i32) {
    %c0_i32 = arith.constant 0 : i32
    %c0_i32_0 = arith.constant 0 : i32
    return %arg0, %c0_i32 : i32, i32
  }
  func.func @transform_2(%arg0: i32) -> (i32, i32) {
    %c0_i32 = arith.constant 0 : i32
    %c0_i32_0 = arith.constant 0 : i32
    %c0_i32_1 = arith.constant 0 : i32
    return %c0_i32, %c0_i32_0 : i32, i32
  }
  func.func @transform_3(%arg0: i32) -> (i32, i32) {
    %c0_i32 = arith.constant 0 : i32
    %c0_i32_0 = arith.constant 0 : i32
    %c0_i32_1 = arith.constant 0 : i32
    return %c0_i32, %c0_i32_0 : i32, i32
  }
  func.func @transform_4(%arg0: i32) -> (i32, i32) {
    %c0_i32 = arith.constant 0 : i32
    %c0_i32_0 = arith.constant 0 : i32
    %c0_i32_1 = arith.constant 0 : i32
    return %c0_i32, %c0_i32_0 : i32, i32
  }
  func.func @transform_5(%arg0: i32) -> (i32, i32) {
    %c0_i32 = arith.constant 0 : i32
    %c0_i32_0 = arith.constant 0 : i32
    %c0_i32_1 = arith.constant 0 : i32
    return %c0_i32, %c0_i32_0 : i32, i32
  }
  func.func @transform_6(%arg0: i32) -> (i32, i32) {
    %c0_i32 = arith.constant 0 : i32
    %c0_i32_0 = arith.constant 0 : i32
    %c0_i32_1 = arith.constant 0 : i32
    return %c0_i32, %c0_i32_0 : i32, i32
  }
  func.func @transform_7(%arg0: i32) -> (i32, i32) {
    %c0_i32 = arith.constant 0 : i32
    %c0_i32_0 = arith.constant 0 : i32
    return %arg0, %c0_i32 : i32, i32
  }
}

</mosaic_0001>

<sc_bundles>
// kernel: kernel.4.cloned.1.call-start
scs
__scs_entry_jumppad:
0x0: {  	(pc) =	sbr.rel $0x88, $3  }
0x1: {  	(tag) =	ssettag $0x0;
	lr =	simm.s32 $0x1  }
0x2: {  	[smem:$0x3F9A] =	sst lr;
	_ =	strace $0xD0000000  }
0x3: {  	_ = 	snop  }
0x4: {  	_ = 	snop  }
0x5: {  	_ = 	snop  }
0x6: {  	_ = 	snop  }
0x7: {  	_ = 	snop  }
__scs_overlays_trampoline_lowered:
0x8: {  	[smem:$0x3FA9] =	sst s0  }
0x9: {  	[smem:$0x3FAA] =	sst s1  }
0xa: {  	[smem:$0x3FAB] =	sst s2  }
0xb: {  	[smem:$0x3FAC] =	sst s3  }
0xc: {  	[smem:$0x3FAD] =	sst s4  }
0xd: {  	[smem:$0x3FAE] =	sst s5  }
0xe: {  	[smem:$0x3FAF] =	sst s6  }
0xf: {  	[smem:$0x3FB0] =	sst s7  }
0x10: {  	[smem:$0x3FB1] =	sst s8  }
0x11: {  	[smem:$0x3FB2] =	sst s9;
	s0 =	simm.s32 @!p0 $0x0  }
0x12: {  	s1 =	sld [smem:$0x3F98];
	s0 =	simm.s32 @p0 $0x1  }
0x13: {  	[smem:$0x3FB3] =	sst s0;
	s0 =	simm.s32 @!p1 $0x0  }
0x14: {  	s2 =	sld [smem:$0x3F97];
	s0 =	simm.s32 @p1 $0x1  }
0x15: {  	[smem:$0x3FB4] =	sst s0;
	s0 =	simm.s32 @!p2 $0x0  }
0x16: {  	s3 =	sld [smem:$0x3FDB];
	s0 =	simm.s32 @p2 $0x1  }
0x17: {  	s4 =	simm.s32 $0x1BF5;
	[smem:$0x3FB6] =	sst s0  }
0x18: {  	s0 =	sld [smem:$0x3F99];
	_ =	swait.ge [sflag:s4], $0x0  }
0x19: {  	s7 =	sld [smem:$0x3F9A]  }
0x1a: {  	s8 =	sadd.s32 $0xFFFFE003, lr  }
0x1b: {  	s9 =	sadd.s32 $0xFFFFFEF7, lr;
	s5 =	simm.s32 $0xFFFFFFFF;
	p2 =	slt.u32 s8, $0xFFFFF086  }
0x1c: {  	p1 =	slt.u32 s9, $0xF7A;
	s5 =	simm.s32 @!p2 $0x0  }
0x1d: {  	s5 =	simm.s32 @p1 $0x1;
	p0 =	seq.s32 s7, s2  }
0x1e: {  	s7 =	smul.u32 @!p0 $0xF7A, s2;
	p2 =	seq.s32 @!p0 s5, $0x0  }
0x1f: {  	s9 =	smul.u32 $0xF7A, s1;
	s8 =	simm.s32 @!p0 $0x1BF5;
	p2 =	por !p2, p0  }
0x20: {  	[sflag:s8] =	ssyncset.s32 @!p0 $0xFFFFF086;
	s6 =	sadd.s32 @!p0 s3, s7;
	s7 =	simm.s32 @!p0 $0x108  }
0x21: {  	s3 =	sadd.s32 s3, s9;
	s6 =	sadd.s32 @!p0 $0x88, s6;
	s7 =	simm.s32 @p2 $0x1082  }
0x22: {  	[simem:s7], [sflag:s8] =	dma.local @!p0 [hbm:s6], $0xF7A  }
0x23: {  	s9 =	sor.u32 $0xD0000000, s2;
	s6 =	simm.s32 $0x108;
	_ =	swait.ge @!p0 [sflag:s8], $0x0  }
0x24: {  	s3 =	sadd.s32 $0x88, s3;
	s6 =	simm.s32 @!p1 $0x1082;
	[sflag:s4] =	ssyncset.s32 $0xFFFFF086  }
0x25: {  	[simem:s6], [sflag:s4] =	dma.local [hbm:s3], $0xF7A  }
0x26: {  	[smem:$0x3F9A] =	sst s1;
	(tag) =	ssettag s2;
	_ =	strace s9  }
0x27: {  	s1 =	sld [smem:$0x3FAA]  }
0x28: {  	s2 =	sld [smem:$0x3FAB]  }
0x29: {  	s4 =	sld [smem:$0x3FAD]  }
0x2a: {  	p0 =	seq.s32 s5, $0x0;
	s5 =	sld [smem:$0x3FAE]  }
0x2b: {  	s6 =	sld [smem:$0x3FAF]  }
0x2c: {  	s7 =	sld [smem:$0x3FB0]  }
0x2d: {  	s3 =	simm.s32 $0x108;
	s8 =	sld [smem:$0x3FB1]  }
0x2e: {  	s3 =	simm.s32 @!p0 $0x1082;
	s9 =	sld [smem:$0x3FB2]  }
0x2f: {  	lr =	sadd.s32 s0, s3;
	s0 =	sld [smem:$0x3FA9]  }
0x30: {  	s3 =	sld [smem:$0x3FAC]  }
0x31: {  	[smem:$0x3FB5] =	sst s10  }
0x32: {  	s10 =	sld [smem:$0x3FB3];
	_ =	sdelay $0x3  }
0x33: {  	p0 =	seq.s32 s10, $0x1;
	s10 =	sld [smem:$0x3FB5];
	_ =	sdelay $0x3  }
0x34: {  	[smem:$0x3FB5] =	sst s10  }
0x35: {  	s10 =	sld [smem:$0x3FB4];
	_ =	sdelay $0x3  }
0x36: {  	p1 =	seq.s32 s10, $0x1;
	s10 =	sld [smem:$0x3FB5];
	_ =	sdelay $0x3  }
0x37: {  	[smem:$0x3FB5] =	sst s10  }
0x38: {  	s10 =	sld [smem:$0x3FB6]  }
0x39: {  	_ = 	snop;
	(pc) =	sbr.ind lr, $3  }
0x3a: {  	_ = 	snop  }
0x3b: {  	_ = 	snop  }
0x3c: {  	p2 =	seq.s32 s10, $0x1;
	s10 =	sld [smem:$0x3FB5]  }
0x3d: {  	_ =	shalt  }
0x3e: {  	_ =	shalt  }
0x3f: {  	_ =	shalt  }
0x40: {  	_ =	shalt  }
0x41: {  	_ =	shalt  }
0x42: {  	_ =	shalt  }
0x43: {  	_ =	shalt  }
0x44: {  	_ =	shalt  }
0x45: {  	_ =	shalt  }
0x46: {  	_ =	shalt  }
0x47: {  	_ =	shalt  }
0x48: {  	_ =	shalt  }
0x49: {  	_ =	shalt  }
0x4a: {  	_ =	shalt  }
0x4b: {  	_ =	shalt  }
0x4c: {  	_ =	shalt  }
0x4d: {  	_ =	shalt  }
0x4e: {  	_ =	shalt  }
0x4f: {  	_ =	shalt  }
0x50: {  	_ =	shalt  }
0x51: {  	_ =	shalt  }
0x52: {  	_ =	shalt  }
0x53: {  	_ =	shalt  }
0x54: {  	_ =	shalt  }
0x55: {  	_ =	shalt  }
0x56: {  	_ =	shalt  }
0x57: {  	_ =	shalt  }
0x58: {  	_ =	shalt  }
0x59: {  	_ =	shalt  }
0x5a: {  	_ =	shalt  }
0x5b: {  	_ =	shalt  }
0x5c: {  	_ =	shalt  }
0x5d: {  	_ =	shalt  }
0x5e: {  	_ =	shalt  }
0x5f: {  	_ =	shalt  }
0x60: {  	_ =	shalt  }
0x61: {  	_ =	shalt  }
0x62: {  	_ =	shalt  }
0x63: {  	_ =	shalt  }
0x64: {  	_ =	shalt  }
0x65: {  	_ =	shalt  }
0x66: {  	_ =	shalt  }
0x67: {  	_ =	shalt  }
0x68: {  	_ =	shalt  }
0x69: {  	_ =	shalt  }
0x6a: {  	_ =	shalt  }
0x6b: {  	_ =	shalt  }
0x6c: {  	_ =	shalt  }
0x6d: {  	_ =	shalt  }
0x6e: {  	_ =	shalt  }
0x6f: {  	_ =	shalt  }
0x70: {  	_ =	shalt  }
0x71: {  	_ =	shalt  }
0x72: {  	_ =	shalt  }
0x73: {  	_ =	shalt  }
0x74: {  	_ =	shalt  }
0x75: {  	_ =	shalt  }
0x76: {  	_ =	shalt  }
0x77: {  	_ =	shalt  }
0x78: {  	_ =	shalt  }
0x79: {  	_ =	shalt  }
0x7a: {  	_ =	shalt  }
0x7b: {  	_ =	shalt  }
0x7c: {  	_ =	shalt  }
0x7d: {  	_ =	shalt  }
0x7e: {  	_ =	shalt  }
0x7f: {  	_ =	shalt  }
0x80: {  	_ =	shalt  }
0x81: {  	_ =	shalt  }
0x82: {  	_ =	shalt  }
0x83: {  	_ =	shalt  }
0x84: {  	_ =	shalt  }
0x85: {  	_ =	shalt  }
0x86: {  	_ =	shalt  }
0x87: {  	_ =	shalt  }
.Lfunc_end0:
.L_simem_size_0:
called_computation_lowered:
.L_overlay_start_0:
0x88: {  	s2 =	sld [smem:$0x3FD9]  }
0x89: {  	s3 =	sld [smem:$0x3FFE];
	_ =	sdelay $0x1  }
0x8a: {  	s1 =	srdreg.scid  }
0x8b: {  	s0 =	sand.u32 $0x1, s1  }
0x8c: {  	s17 =	sshll.u32 s0, $0xA;
	s2 =	sadd.s32 s3, s2  }
0x8d: {  	s2 =	sadd.s32 s2, s17  }
0x8e: {  	[smem:$0x3FC1] =	sst s2  }
0x8f: {  	_ = 	snop  }
0x90: {  	s2 =	sld [smem:$0x3FD0];
	(tm) =	ssettm $0x1  }
0x91: {  	s18 =	sld [smem:$0x3FFB];
	_ =	sdelay $0x3  }
0x92: {  	_ =	strace s18  }
0x93: {  	s3 =	sld [smem:$0x3FFC];
	_ =	sdelay $0x3  }
0x94: {  	_ =	strace s3  }
0x95: {  	s3 =	sld [smem:$0x3FFD];
	_ =	sdelay $0x3  }
0x96: {  	_ =	strace s3  }
0x97: {  	_ =	strace $0x8FFFFFFF  }
0x98: {  	s19 =	sld [smem:$0x3FDB];
	_ =	sdelay $0x1  }
0x99: {  	s4 =	simm.s32 $_scs_section_size  }
0x9a: {  	s5 =	simm.s32 $_size__tile_overlayer_lowered;
	s6 =	simm.s32 $_tile_overlayer_lowered  }
0x9b: {  	s22 =	simm.s32 $0x1BFF;
	s21 =	sshll.u32 s6, $0x1;
	s3 =	sadd.s32 s4, s19  }
0x9c: {  	s7 =	simm.s32 $0x0;
	s20 =	sshll.u32 s5, $0x1;
	s5 =	sadd.s32 s21, s3  }
0x9d: {  	[timem:s7], [sflag:s22] =	dma.local [hbm:s5], s20  }
0x9e: {  	_ =	swait.ge [sflag:s22], s20  }
0x9f: {  	s4 =	ssub.s32 $0x0, s20;
	[sflag:s22] =	ssyncset.done $0x0  }
0xa0: {  	[sflag:s22] =	ssyncadd.s32 s4;
	_ =	sdelay $0x1  }
0xa1: {  	s23 =	simm.s32 $0x1B8B  }
0xa2: {  	_ =	swait.ge [sflag:s23], $0x1  }
0xa3: {  	[sflag:s23] =	ssyncset.done $0x0  }
0xa4: {  	s25 =	simm.s32 $0x1B8E;
	s24 =	sld [smem:$0x3FFE];
	[sflag:s23] =	ssyncadd.s32 $0xFFFFFFFF  }
0xa5: {  	s26 =	simm.s32 $execute0_lowered;
	[smem:$0x3FD2] =	sst s25  }
0xa6: {  	s5 =	sshll.u32 s26, $0x1;
	_ =	strace $0x80000046;
	[dreg:$0x1] =	wrdreg $0xFFFFFFFF  }
0xa7: {  	s28 =	simm.s32 $_size_execute0_lowered;
	s3 =	sadd.s32 s3, s5;
	[dreg:$0x0] =	wrdreg $0x0  }
0xa8: {  	s5 =	sshll.u32 s28, $0x1;
	[dreg:$0x2] =	wrdreg s3  }
0xa9: {  	[dreg:$0x3] =	wrdreg s5  }
0xaa: {  	[dreg:$0x4] =	wrdreg $0xC0  }
0xab: {  	_ =	task [dreg:s7], $0x5FFFF  }
0xac: {  	[dreg:$0x1] =	wrdreg $0xFFFFFFFF  }
0xad: {  	[dreg:$0x0] =	wrdreg $0x60  }
0xae: {  	[dreg:$0x2] =	wrdreg s2  }
0xaf: {  	[dreg:$0x3] =	wrdreg s24  }
0xb0: {  	[dreg:$0x4] =	wrdreg $0x0  }
0xb1: {  	[dreg:$0x5] =	wrdreg $0x9  }
0xb2: {  	_ =	task.clear_ibuf [dreg:s7], $0x6FFFF;
	_ =	strace $0x90000046  }
0xb3: {  	s29 =	simm.s32 $0x9;
	_ =	strace $0x80000048  }
0xb4: {  	_ =	swait.ge [sflag:s29], $0x1  }
0xb5: {  	[sflag:s29] =	ssyncadd.s32 $0xFFFFFFFF  }
0xb6: {  	_ =	strace $0x90000048  }
0xb7: {  	_ =	sfence  }
0xb8: {  	s30 =	sld [smem:$0x0];
	_ =	sdelay $0x2  }
0xb9: {  	s31 =	sshll.u32 s1, $0xD;
	s1 =	sshrl.u32 s1, $0x2  }
0xba: {  	s3 =	sand.u32 $0x4000, s31;
	s1 =	sadd.s32 s1, s30  }
0xbb: {  	s0 =	sor.u32 s3, s0;
	s1 =	sshll.u32 s1, $0x11  }
0xbc: {  	s0 =	sor.u32 s1, s0  }
0xbd: {  	s0 =	sadd.s32 $0x8F2B, s0  }
0xbe: {  	[sflag:s0] =	ssyncadd.remote.s32 $0x1  }
0xbf: {  	_ =	sfence.sel $0xFFFF  }
0xc0: {  	[dreg:$0x0] =	wrdreg $0xFFFFFFFF;
	(pc) =	sbr.abs _section_cstart, $3  }
0xc1: {  	[dreg:$0x1] =	wrdreg $0xFFFFFFFF  }
0xc2: {  	_ =	task.clear_ibuf [dreg:s7], $0x2FFFF;
	_ =	strace $0x9FFFFFFF  }
0xc3: {  	(tm) =	ssettm $0x7FFFFFFF  }
tec
execute0_lowered:
.L_overlay_start_1:
0x0: {  	(tag) =	ssettag $0x1  }
0x1: {  	s1 =	rddreg [dreg:$0x0]  }
0x2: {  	s0 =	rddreg [dreg:$0x1]  }
0x3: {  	s3 =	rddreg [dreg:$0x2];
	s19 =	simm.s32 $0x0;
	s11 =	stileid.u32  }
0x4: {  	s4 =	srdreg.scid;
	s8 =	simm.s32 $0x30E;
	s16 =	simm.s32 $0x1E9A8  }
0x5: {  	s17 =	simm.s32 $0x5;
	s18 =	simm.s32 $0x186A8;
	s22 =	simm.s32 $0x1  }
0x6: {  	s23 =	simm.s32 $0x18828;
	s25 =	simm.s32 $0x1B9A8;
	s26 =	simm.s32 $0x80  }
0x7: {  	[smem:$0x7FF] =	sst s19;
	s2 =	smul.u32 $0x186A0, s11;
	s5 =	sadd.s32 $0xC00, s0  }
0x8: {  	s4 =	sand.u32 $0x1, s4;
	s6 =	smul.u32 $0x30D, s11;
	s7 =	smin.u32 s11, $0x4  }
0x9: {  	p0 =	slt.u32 s11, $0x4;
	s13 =	smul.u32 $0x61A80, s11;
	_ =	strace $0x80000047  }
0xa: {  	s28 =	ssub.s32 $0x2, s4;
	s8 =	simm.s32 @!p0 $0x30D;
	s0 =	sadd.s32 s2, s0  }
0xb: {  	s9 =	sshrl.u32 s28, $0x1;
	s6 =	sadd.s32 s7, s6;
	s7 =	smul.u32 $0x186A000, s4  }
0xc: {  	s4 =	sshll.u32 s4, $0x1;
	s31 =	sshrl.u32 s13, $0x2;
	s13 =	simm.s32 $0x1A028  }
0xd: {  	s10 =	sshll.u32 s6, $0x7;
	s2 =	ssub.s32 s28, s9;
	s30 =	sshll.u32 s6, $0x4  }
0xe: {  	s11 =	sadd.s32 $0x3, s6;
	s12 =	sadd.s32 $0x6, s6;
	s14 =	sadd.s32 s31, s3  }
0xf: {  	s0 =	sadd.s32 s4, s0;
	s4 =	simm.s32 $0x10;
	s29 =	sadd.s32 s7, s10  }
0x10: {  	s10 =	sadd.s32 s1, s30;
	s2 =	smax.u32 s2, $0x1;
	s15 =	sadd.s32 $0x61B400, s0  }
0x11: {  	s0 =	simm.s32 $0x2;
	s9 =	sshrl.u32 s29, $0x3;
	[dreg:$0x5] =	wrdreg s10  }
0x12: {  	v1 =	vlaneseq.u32;
	[dreg:$0x7] =	wrdreg s2;
	s2 =	simm.s32 $0x3;
	s9 =	sadd.s32 s5, s9  }
0x13: {  	v0 =	vimm.f32 $0.0e+00;
	v1 =	vmul.u32 $0x10, v1;
	s10 =	simm.s32 $0x19EA8;
	[dreg:$0x6] =	wrdreg s9;
	s9 =	simm.s32 $0x1D1A8  }
.LBB2_1:
0x14: {  	[dreg:$0x4] =	wrdreg s19;
	s19 =	simm.s32 $0x0  }
.LBB2_2:
0x15: {  	p0 =	sne.s32 s19, $0x1F00  }
.Ltmp0:
0x16: {  	_ = 	snop;
	(pc) =	sbr.rel @p0 .LBB2_2-.Ltmp0, $3  }
0x17: {  	_ =	sdelay $0x1  }
0x18: {  	s24 =	sshra.s32 s19, $0x2  }
0x19: {  	s19 =	sadd.s32 $0x40, s19;
	[tilespmem:s24+$0x1E9A8] =	vst v0  }
0x1a: {  	s19 =	sadd.s32 $0x0, s14  }
0x1b: {  	[spmem:s19] =	stream.linear.scatter [tilespmem:s16], [sflag:$0x5], $0x7D0, $0x38;
	[tilespmem:$0x1F178] =	vst v63  }
0x1c: {  	s19 =	simm.s32 $0x1F40;
	_ =	swait.ge [sflag:s17], $0x7D0  }
.LBB2_4:
0x1d: {  	s24 =	sshra.s32 s19, $0x2;
	[sflag:s17] =	ssyncset.done $0x0;
	p0 =	sne.s32 s19, $0x5FB40  }
.Ltmp1:
0x1e: {  	s24 =	sadd.s32 s24, s14;
	[sflag:s17] =	ssyncadd.s32 $0xFFFFF830;
	(pc) =	sbr.rel @p0 .LBB2_4-.Ltmp1, $3  }
0x1f: {  	[spmem:s24] =	stream.linear.scatter [tilespmem:s16], [sflag:$0x5], $0x7D0, $0x38;
	[tilespmem:$0x1F178] =	vst v63  }
0x20: {  	s19 =	sadd.s32 $0x1F40, s19;
	_ =	sdelay $0x1  }
0x21: {  	_ =	swait.ge [sflag:s17], $0x7D0  }
0x22: {  	[sflag:s17] =	ssyncset.done $0x0  }
0x23: {  	[sflag:s17] =	ssyncadd.s32 $0xFFFFF830  }
0x24: {  	[bflag:$0x0] =	sbarrier.arrive $0xFFFF  }
0x25: {  	s24 =	simm.s32 $0x0;
	s20 =	simm.s32 $0x180;
	s19 =	rddreg [dreg:$0x5]  }
0x26: {  	[tilespmem:s18], [sflag:$0x1] =	stream.linear.gather [hbm4b:s19+s24], $0x180, $0x38;
	[tilespmem:$0x1F178] =	vst v63  }
0x27: {  	s28 =	simm.s32 $0x186A00;
	s21 =	simm.s32 $0x189A8;
	s31 =	rddreg [dreg:$0x6]  }
0x28: {  	[tilespmem:s21], [sflag:$0x1] =	stream.strided.gather [hbm4b:s31+s20], $0x1800, s28, s20, $0x38;
	[tilespmem:$0x1F178] =	vst v63  }
0x29: {  	s28 =	simm.s32 $0x0  }
.LBB2_6:
0x2a: {  	_ =	swait.ge [sflag:s22], $0x180  }
0x2b: {  	[sflag:s22] =	ssyncset.done $0x0  }
0x2c: {  	[sflag:s22] =	ssyncadd.s32 $0xFFFFFE80  }
0x2d: {  	s29 =	smul.u32 $0x6, s28;
	_ =	swait.ge [sflag:s22], $0x1800  }
0x2e: {  	p0 =	seq.s32 s28, $0x0;
	[sflag:s22] =	ssyncset.done $0x0  }
0x2f: {  	s19 =	simm.s32 @!p0 $0x4;
	s30 =	sadd.s32 s29, s11;
	[sflag:s22] =	ssyncadd.s32 $0xFFFFE800  }
0x30: {  	s20 =	sshll.u32 s30, $0x4;
	_ =	swait.ge @!p0 [sflag:s19], $0x1800  }
0x31: {  	s31 =	sadd.s32 s1, s20;
	s20 =	sshll.u32 s30, $0x7;
	[sflag:s19] =	ssyncset.done @!p0 $0x0  }
0x32: {  	[sflag:s19] =	ssyncadd.s32 @!p0 $0xFFFFE800;
	s19 =	sadd.s32 s7, s20  }
0x33: {  	[tilespmem:s23], [sflag:$0x2] =	stream.linear.gather [hbm4b:s31+s24], $0x180, $0x38;
	[tilespmem:$0x1F178] =	vst v63  }
0x34: {  	s21 =	simm.s32 $0x180;
	s19 =	sshrl.u32 s19, $0x3  }
0x35: {  	s30 =	simm.s32 $0x186A00;
	s31 =	simm.s32 $0x1A1A8;
	s19 =	sadd.s32 s5, s19  }
0x36: {  	v2 =	vmov s24;
	[tilespmem:s31], [sflag:$0x2] =	stream.strided.gather [hbm4b:s19+s21], $0x1800, s30, s21, $0x38;
	[tilespmem:$0x1F178] =	vst v63  }
0x37: {  	v2 =	vshll.u32 v2, $0x4;
	s19 =	simm.s32 $0x195A8  }
0x38: {  	v2 =	vor.u32 v1, v2;
	v3 =	vld [tilespmem:s19+$0xFFFFF400];
	_ =	sdelay $0x4  }
0x39: {  	[tilespmem:v2+s25+$0x0] =	vst.idx.msk $0xffff, v3  }
0x3a: {  	v4 =	vor.u32 $0x1, v2;
	v3 =	vld [tilespmem:s19+$0xFFFFF580];
	_ =	sdelay $0x4  }
0x3b: {  	[tilespmem:v4+s25+$0x0] =	vst.idx.msk $0xffff, v3  }
0x3c: {  	v4 =	vor.u32 $0x2, v2;
	v3 =	vld [tilespmem:s19+$0xFFFFF700];
	_ =	sdelay $0x4  }
0x3d: {  	[tilespmem:v4+s25+$0x0] =	vst.idx.msk $0xffff, v3  }
0x3e: {  	v4 =	vor.u32 $0x3, v2;
	v3 =	vld [tilespmem:s19+$0xFFFFF880];
	_ =	sdelay $0x4  }
0x3f: {  	[tilespmem:v4+s25+$0x0] =	vst.idx.msk $0xffff, v3  }
0x40: {  	v4 =	vor.u32 $0x4, v2;
	v3 =	vld [tilespmem:s19+$0xFFFFFA00];
	_ =	sdelay $0x4  }
0x41: {  	[tilespmem:v4+s25+$0x0] =	vst.idx.msk $0xffff, v3  }
0x42: {  	v4 =	vor.u32 $0x5, v2;
	v3 =	vld [tilespmem:s19+$0xFFFFFB80];
	_ =	sdelay $0x4  }
0x43: {  	[tilespmem:v4+s25+$0x0] =	vst.idx.msk $0xffff, v3  }
0x44: {  	v4 =	vor.u32 $0x6, v2;
	v3 =	vld [tilespmem:s19+$0xFFFFFD00];
	_ =	sdelay $0x4  }
0x45: {  	[tilespmem:v4+s25+$0x0] =	vst.idx.msk $0xffff, v3  }
0x46: {  	v4 =	vor.u32 $0x7, v2;
	v3 =	vld [tilespmem:s19+$0xFFFFFE80];
	_ =	sdelay $0x4  }
0x47: {  	[tilespmem:v4+s25+$0x0] =	vst.idx.msk $0xffff, v3  }
0x48: {  	v4 =	vor.u32 $0x8, v2;
	v3 =	vld [tilespmem:s19+$0x0];
	_ =	sdelay $0x4  }
0x49: {  	[tilespmem:v4+s25+$0x0] =	vst.idx.msk $0xffff, v3  }
0x4a: {  	v4 =	vor.u32 $0x9, v2;
	v3 =	vld [tilespmem:s19+$0x180];
	_ =	sdelay $0x4  }
0x4b: {  	[tilespmem:v4+s25+$0x0] =	vst.idx.msk $0xffff, v3  }
0x4c: {  	v4 =	vor.u32 $0xA, v2;
	v3 =	vld [tilespmem:s19+$0x300];
	_ =	sdelay $0x4  }
0x4d: {  	[tilespmem:v4+s25+$0x0] =	vst.idx.msk $0xffff, v3  }
0x4e: {  	v4 =	vor.u32 $0xB, v2;
	v3 =	vld [tilespmem:s19+$0x480];
	_ =	sdelay $0x4  }
0x4f: {  	[tilespmem:v4+s25+$0x0] =	vst.idx.msk $0xffff, v3  }
0x50: {  	v4 =	vor.u32 $0xC, v2;
	v3 =	vld [tilespmem:s19+$0x600];
	_ =	sdelay $0x4  }
0x51: {  	[tilespmem:v4+s25+$0x0] =	vst.idx.msk $0xffff, v3  }
0x52: {  	v4 =	vor.u32 $0xD, v2;
	v3 =	vld [tilespmem:s19+$0x780];
	_ =	sdelay $0x4  }
0x53: {  	[tilespmem:v4+s25+$0x0] =	vst.idx.msk $0xffff, v3  }
0x54: {  	v4 =	vor.u32 $0xE, v2;
	v3 =	vld [tilespmem:s19+$0x900];
	_ =	sdelay $0x4  }
0x55: {  	[tilespmem:v4+s25+$0x0] =	vst.idx.msk $0xffff, v3  }
0x56: {  	v2 =	vor.u32 $0xF, v2;
	v3 =	vld [tilespmem:s19+$0xA80];
	_ =	sdelay $0x2  }
0x57: {  	s31 =	simm.s32 $0x10  }
0x58: {  	s30 =	simm.s32 $0x20;
	v4 =	vmov s31  }
.LBB2_7:
0x59: {  	p0 =	sne.s32 s30, $0x170;
	v4 =	vshll.u32 v4, $0x4;
	[tilespmem:v2+s25+$0x0] =	vst.idx.msk $0xffff, v3;
	s19 =	sadd.s32 $0x10, s19  }
0x5a: {  	v3 =	vld [tilespmem:s19+$0xFFFFF400];
	v2 =	vor.u32 v1, v4;
	_ =	sdelay $0x4  }
0x5b: {  	[tilespmem:v2+s25+$0x0] =	vst.idx.msk $0xffff, v3  }
0x5c: {  	v4 =	vor.u32 $0x1, v2;
	v3 =	vld [tilespmem:s19+$0xFFFFF580];
	_ =	sdelay $0x4  }
0x5d: {  	[tilespmem:v4+s25+$0x0] =	vst.idx.msk $0xffff, v3  }
0x5e: {  	v4 =	vor.u32 $0x2, v2;
	v3 =	vld [tilespmem:s19+$0xFFFFF700];
	_ =	sdelay $0x4  }
0x5f: {  	[tilespmem:v4+s25+$0x0] =	vst.idx.msk $0xffff, v3  }
0x60: {  	v4 =	vor.u32 $0x3, v2;
	v3 =	vld [tilespmem:s19+$0xFFFFF880];
	_ =	sdelay $0x4  }
0x61: {  	[tilespmem:v4+s25+$0x0] =	vst.idx.msk $0xffff, v3  }
0x62: {  	v4 =	vor.u32 $0x4, v2;
	v3 =	vld [tilespmem:s19+$0xFFFFFA00];
	_ =	sdelay $0x4  }
0x63: {  	[tilespmem:v4+s25+$0x0] =	vst.idx.msk $0xffff, v3  }
0x64: {  	v4 =	vor.u32 $0x5, v2;
	v3 =	vld [tilespmem:s19+$0xFFFFFB80];
	_ =	sdelay $0x4  }
0x65: {  	[tilespmem:v4+s25+$0x0] =	vst.idx.msk $0xffff, v3  }
0x66: {  	v4 =	vor.u32 $0x6, v2;
	v3 =	vld [tilespmem:s19+$0xFFFFFD00];
	_ =	sdelay $0x4  }
0x67: {  	[tilespmem:v4+s25+$0x0] =	vst.idx.msk $0xffff, v3  }
0x68: {  	v4 =	vor.u32 $0x7, v2;
	v3 =	vld [tilespmem:s19+$0xFFFFFE80];
	_ =	sdelay $0x4  }
0x69: {  	[tilespmem:v4+s25+$0x0] =	vst.idx.msk $0xffff, v3  }
0x6a: {  	v4 =	vor.u32 $0x8, v2;
	v3 =	vld [tilespmem:s19+$0x0];
	_ =	sdelay $0x4  }
0x6b: {  	[tilespmem:v4+s25+$0x0] =	vst.idx.msk $0xffff, v3  }
0x6c: {  	v4 =	vor.u32 $0x9, v2;
	v3 =	vld [tilespmem:s19+$0x180];
	_ =	sdelay $0x4  }
0x6d: {  	[tilespmem:v4+s25+$0x0] =	vst.idx.msk $0xffff, v3  }
0x6e: {  	v4 =	vor.u32 $0xA, v2;
	v3 =	vld [tilespmem:s19+$0x300];
	_ =	sdelay $0x4  }
0x6f: {  	[tilespmem:v4+s25+$0x0] =	vst.idx.msk $0xffff, v3  }
0x70: {  	v4 =	vor.u32 $0xB, v2;
	v3 =	vld [tilespmem:s19+$0x480];
	_ =	sdelay $0x4  }
0x71: {  	[tilespmem:v4+s25+$0x0] =	vst.idx.msk $0xffff, v3  }
0x72: {  	v4 =	vor.u32 $0xC, v2;
	v3 =	vld [tilespmem:s19+$0x600];
	_ =	sdelay $0x4  }
0x73: {  	[tilespmem:v4+s25+$0x0] =	vst.idx.msk $0xffff, v3  }
0x74: {  	v4 =	vor.u32 $0xD, v2;
	v3 =	vld [tilespmem:s19+$0x780];
	_ =	sdelay $0x4  }
0x75: {  	[tilespmem:v4+s25+$0x0] =	vst.idx.msk $0xffff, v3  }
0x76: {  	v4 =	vor.u32 $0xE, v2;
	v3 =	vld [tilespmem:s19+$0x900];
	_ =	sdelay $0x4  }
0x77: {  	[tilespmem:v4+s25+$0x0] =	vst.idx.msk $0xffff, v3  }
.Ltmp2:
0x78: {  	v2 =	vor.u32 $0xF, v2;
	v3 =	vld [tilespmem:s19+$0xA80];
	(pc) =	sbr.rel @p0 .LBB2_7-.Ltmp2, $2  }
0x79: {  	_ =	sdelay $0x2  }
0x7a: {  	v4 =	vmov s30;
	s30 =	sadd.s32 $0x10, s30  }
0x7b: {  	_ =	sdelay $0x3  }
0x7c: {  	v4 =	vshll.u32 v4, $0x4;
	[tilespmem:v2+s25+$0x0] =	vst.idx.msk $0xffff, v3;
	s19 =	sadd.s32 $0x10, s19  }
0x7d: {  	v2 =	vld [tilespmem:s19+$0xFFFFF400];
	v3 =	vor.u32 v1, v4;
	_ =	sdelay $0x4  }
0x7e: {  	[tilespmem:v3+s25+$0x0] =	vst.idx.msk $0xffff, v2  }
0x7f: {  	v4 =	vor.u32 $0x1, v3;
	v2 =	vld [tilespmem:s19+$0xFFFFF580];
	_ =	sdelay $0x4  }
0x80: {  	[tilespmem:v4+s25+$0x0] =	vst.idx.msk $0xffff, v2  }
0x81: {  	v4 =	vor.u32 $0x2, v3;
	v2 =	vld [tilespmem:s19+$0xFFFFF700];
	_ =	sdelay $0x4  }
0x82: {  	[tilespmem:v4+s25+$0x0] =	vst.idx.msk $0xffff, v2  }
0x83: {  	v4 =	vor.u32 $0x3, v3;
	v2 =	vld [tilespmem:s19+$0xFFFFF880];
	_ =	sdelay $0x4  }
0x84: {  	[tilespmem:v4+s25+$0x0] =	vst.idx.msk $0xffff, v2  }
0x85: {  	v4 =	vor.u32 $0x4, v3;
	v2 =	vld [tilespmem:s19+$0xFFFFFA00];
	_ =	sdelay $0x4  }
0x86: {  	[tilespmem:v4+s25+$0x0] =	vst.idx.msk $0xffff, v2  }
0x87: {  	v4 =	vor.u32 $0x5, v3;
	v2 =	vld [tilespmem:s19+$0xFFFFFB80];
	_ =	sdelay $0x4  }
0x88: {  	[tilespmem:v4+s25+$0x0] =	vst.idx.msk $0xffff, v2  }
0x89: {  	v4 =	vor.u32 $0x6, v3;
	v2 =	vld [tilespmem:s19+$0xFFFFFD00];
	_ =	sdelay $0x4  }
0x8a: {  	[tilespmem:v4+s25+$0x0] =	vst.idx.msk $0xffff, v2  }
0x8b: {  	v4 =	vor.u32 $0x7, v3;
	v2 =	vld [tilespmem:s19+$0xFFFFFE80];
	_ =	sdelay $0x4  }
0x8c: {  	[tilespmem:v4+s25+$0x0] =	vst.idx.msk $0xffff, v2  }
0x8d: {  	v4 =	vor.u32 $0x8, v3;
	v2 =	vld [tilespmem:s19+$0x0];
	_ =	sdelay $0x4  }
0x8e: {  	[tilespmem:v4+s25+$0x0] =	vst.idx.msk $0xffff, v2  }
0x8f: {  	v4 =	vor.u32 $0x9, v3;
	v2 =	vld [tilespmem:s19+$0x180];
	_ =	sdelay $0x4  }
0x90: {  	[tilespmem:v4+s25+$0x0] =	vst.idx.msk $0xffff, v2  }
0x91: {  	v4 =	vor.u32 $0xA, v3;
	v2 =	vld [tilespmem:s19+$0x300];
	_ =	sdelay $0x4  }
0x92: {  	[tilespmem:v4+s25+$0x0] =	vst.idx.msk $0xffff, v2  }
0x93: {  	v4 =	vor.u32 $0xB, v3;
	v2 =	vld [tilespmem:s19+$0x480];
	_ =	sdelay $0x4  }
0x94: {  	[tilespmem:v4+s25+$0x0] =	vst.idx.msk $0xffff, v2  }
0x95: {  	v4 =	vor.u32 $0xC, v3;
	v2 =	vld [tilespmem:s19+$0x600];
	_ =	sdelay $0x4  }
0x96: {  	[tilespmem:v4+s25+$0x0] =	vst.idx.msk $0xffff, v2  }
0x97: {  	v4 =	vor.u32 $0xD, v3;
	v2 =	vld [tilespmem:s19+$0x780];
	_ =	sdelay $0x4  }
0x98: {  	[tilespmem:v4+s25+$0x0] =	vst.idx.msk $0xffff, v2  }
0x99: {  	v4 =	vor.u32 $0xE, v3;
	v2 =	vld [tilespmem:s19+$0x900];
	_ =	sdelay $0x4  }
0x9a: {  	[tilespmem:v4+s25+$0x0] =	vst.idx.msk $0xffff, v2  }
0x9b: {  	v3 =	vor.u32 $0xF, v3;
	v2 =	vld [tilespmem:s19+$0xA80];
	_ =	sdelay $0x4  }
0x9c: {  	[tilespmem:v3+s25+$0x0] =	vst.idx.msk $0xffff, v2  }
0x9d: {  	[spmem:s3] =	stream.indirect.scatter.add.f32 [tilespmem:s25], [sflag:$0x3], $0x10, s18, s26, $0xb8;
	[tilespmem:$0x1F178] =	vst v63  }
0x9e: {  	s31 =	simm.s32 $0x18728;
	s20 =	simm.s32 $0x1C1A8  }
0x9f: {  	[spmem:s3] =	stream.indirect.scatter.add.f32 [tilespmem:s20], [sflag:$0x3], $0x10, s31, s26, $0xb8;
	[tilespmem:$0x1F178] =	vst v63  }
0xa0: {  	s21 =	simm.s32 $0x187A8;
	s30 =	simm.s32 $0x1C9A8  }
0xa1: {  	[spmem:s3] =	stream.indirect.scatter.add.f32 [tilespmem:s30], [sflag:$0x3], $0x10, s21, s26, $0xb8;
	[tilespmem:$0x1F178] =	vst v63  }
0xa2: {  	_ =	swait.ge [sflag:s0], $0x180  }
0xa3: {  	[sflag:s0] =	ssyncset.done $0x0  }
0xa4: {  	[sflag:s0] =	ssyncadd.s32 $0xFFFFFE80  }
0xa5: {  	p0 =	seq.s32 s28, $0x81;
	_ =	swait.ge [sflag:s0], $0x1800  }
0xa6: {  	s19 =	sadd.s32 @!p0 s29, s12;
	s29 =	simm.s32 @!p0 $0x0;
	[sflag:s0] =	ssyncset.done $0x0  }
0xa7: {  	s20 =	sshll.u32 @!p0 s19, $0x4;
	s19 =	sshll.u32 @!p0 s19, $0x7;
	[sflag:s0] =	ssyncadd.s32 $0xFFFFE800  }
0xa8: {  	s31 =	simm.s32 $0x0;
	s19 =	sadd.s32 @!p0 s7, s19;
	_ =	swait.ge [sflag:s2], $0x1800  }
0xa9: {  	s20 =	sadd.s32 @!p0 s1, s20;
	s19 =	sshrl.u32 @!p0 s19, $0x3;
	[sflag:s2] =	ssyncset.done $0x0  }
0xaa: {  	s30 =	simm.s32 @!p0 $0x186A8;
	s19 =	sadd.s32 @!p0 s5, s19;
	[sflag:s2] =	ssyncadd.s32 $0xFFFFE800  }
0xab: {  	[tilespmem:s30], [sflag:$0x1] =	stream.linear.gather @!p0 [hbm4b:s20+s29], $0x180, $0x38;
	[tilespmem:$0x1F178] =	vst v63  }
0xac: {  	s20 =	simm.s32 @!p0 $0x180;
	s29 =	simm.s32 @!p0 $0x186A00;
	s30 =	simm.s32 @!p0 $0x189A8  }
0xad: {  	v2 =	vmov s31;
	[tilespmem:s30], [sflag:$0x1] =	stream.strided.gather @!p0 [hbm4b:s19+s20], $0x1800, s29, s20, $0x38;
	[tilespmem:$0x1F178] =	vst v63  }
0xae: {  	v2 =	vshll.u32 v2, $0x4;
	s19 =	simm.s32 $0x1A1A8  }
0xaf: {  	v2 =	vor.u32 v1, v2;
	v3 =	vld [tilespmem:s19+$0x0];
	_ =	sdelay $0x4  }
0xb0: {  	[tilespmem:v2+s9+$0x0] =	vst.idx.msk $0xffff, v3  }
0xb1: {  	v4 =	vor.u32 $0x1, v2;
	v3 =	vld [tilespmem:s19+$0x180];
	_ =	sdelay $0x4  }
0xb2: {  	[tilespmem:v4+s9+$0x0] =	vst.idx.msk $0xffff, v3  }
0xb3: {  	v4 =	vor.u32 $0x2, v2;
	v3 =	vld [tilespmem:s19+$0x300];
	_ =	sdelay $0x4  }
0xb4: {  	[tilespmem:v4+s9+$0x0] =	vst.idx.msk $0xffff, v3  }
0xb5: {  	v4 =	vor.u32 $0x3, v2;
	v3 =	vld [tilespmem:s19+$0x480];
	_ =	sdelay $0x4  }
0xb6: {  	[tilespmem:v4+s9+$0x0] =	vst.idx.msk $0xffff, v3  }
0xb7: {  	v4 =	vor.u32 $0x4, v2;
	v3 =	vld [tilespmem:s19+$0x600];
	_ =	sdelay $0x4  }
0xb8: {  	[tilespmem:v4+s9+$0x0] =	vst.idx.msk $0xffff, v3  }
0xb9: {  	v4 =	vor.u32 $0x5, v2;
	v3 =	vld [tilespmem:s19+$0x780];
	_ =	sdelay $0x4  }
0xba: {  	[tilespmem:v4+s9+$0x0] =	vst.idx.msk $0xffff, v3  }
0xbb: {  	v4 =	vor.u32 $0x6, v2;
	v3 =	vld [tilespmem:s19+$0x900];
	_ =	sdelay $0x4  }
0xbc: {  	[tilespmem:v4+s9+$0x0] =	vst.idx.msk $0xffff, v3  }
0xbd: {  	v4 =	vor.u32 $0x7, v2;
	v3 =	vld [tilespmem:s19+$0xA80];
	_ =	sdelay $0x4  }
0xbe: {  	[tilespmem:v4+s9+$0x0] =	vst.idx.msk $0xffff, v3  }
0xbf: {  	v4 =	vor.u32 $0x8, v2;
	v3 =	vld [tilespmem:s19+$0xC00];
	_ =	sdelay $0x4  }
0xc0: {  	[tilespmem:v4+s9+$0x0] =	vst.idx.msk $0xffff, v3  }
0xc1: {  	v4 =	vor.u32 $0x9, v2;
	v3 =	vld [tilespmem:s19+$0xD80];
	_ =	sdelay $0x4  }
0xc2: {  	[tilespmem:v4+s9+$0x0] =	vst.idx.msk $0xffff, v3  }
0xc3: {  	v4 =	vor.u32 $0xA, v2;
	v3 =	vld [tilespmem:s19+$0xF00];
	_ =	sdelay $0x4  }
0xc4: {  	[tilespmem:v4+s9+$0x0] =	vst.idx.msk $0xffff, v3  }
0xc5: {  	v4 =	vor.u32 $0xB, v2;
	v3 =	vld [tilespmem:s19+$0x1080];
	_ =	sdelay $0x4  }
0xc6: {  	[tilespmem:v4+s9+$0x0] =	vst.idx.msk $0xffff, v3  }
0xc7: {  	v4 =	vor.u32 $0xC, v2;
	v3 =	vld [tilespmem:s19+$0x1200];
	_ =	sdelay $0x4  }
0xc8: {  	[tilespmem:v4+s9+$0x0] =	vst.idx.msk $0xffff, v3  }
0xc9: {  	v4 =	vor.u32 $0xD, v2;
	v3 =	vld [tilespmem:s19+$0x1380];
	_ =	sdelay $0x4  }
0xca: {  	[tilespmem:v4+s9+$0x0] =	vst.idx.msk $0xffff, v3  }
0xcb: {  	v4 =	vor.u32 $0xE, v2;
	v3 =	vld [tilespmem:s19+$0x1500];
	_ =	sdelay $0x4  }
0xcc: {  	[tilespmem:v4+s9+$0x0] =	vst.idx.msk $0xffff, v3  }
0xcd: {  	v2 =	vor.u32 $0xF, v2;
	v3 =	vld [tilespmem:s19+$0x1680];
	_ =	sdelay $0x2  }
0xce: {  	s31 =	simm.s32 $0x10  }
0xcf: {  	s29 =	simm.s32 $0x20;
	v4 =	vmov s31  }
.LBB2_9:
0xd0: {  	p0 =	sne.s32 s29, $0x170;
	v4 =	vshll.u32 v4, $0x4;
	[tilespmem:v2+s9+$0x0] =	vst.idx.msk $0xffff, v3;
	s19 =	sadd.s32 $0x10, s19  }
0xd1: {  	v3 =	vld [tilespmem:s19+$0x0];
	v2 =	vor.u32 v1, v4;
	_ =	sdelay $0x4  }
0xd2: {  	[tilespmem:v2+s9+$0x0] =	vst.idx.msk $0xffff, v3  }
0xd3: {  	v4 =	vor.u32 $0x1, v2;
	v3 =	vld [tilespmem:s19+$0x180];
	_ =	sdelay $0x4  }
0xd4: {  	[tilespmem:v4+s9+$0x0] =	vst.idx.msk $0xffff, v3  }
0xd5: {  	v4 =	vor.u32 $0x2, v2;
	v3 =	vld [tilespmem:s19+$0x300];
	_ =	sdelay $0x4  }
0xd6: {  	[tilespmem:v4+s9+$0x0] =	vst.idx.msk $0xffff, v3  }
0xd7: {  	v4 =	vor.u32 $0x3, v2;
	v3 =	vld [tilespmem:s19+$0x480];
	_ =	sdelay $0x4  }
0xd8: {  	[tilespmem:v4+s9+$0x0] =	vst.idx.msk $0xffff, v3  }
0xd9: {  	v4 =	vor.u32 $0x4, v2;
	v3 =	vld [tilespmem:s19+$0x600];
	_ =	sdelay $0x4  }
0xda: {  	[tilespmem:v4+s9+$0x0] =	vst.idx.msk $0xffff, v3  }
0xdb: {  	v4 =	vor.u32 $0x5, v2;
	v3 =	vld [tilespmem:s19+$0x780];
	_ =	sdelay $0x4  }
0xdc: {  	[tilespmem:v4+s9+$0x0] =	vst.idx.msk $0xffff, v3  }
0xdd: {  	v4 =	vor.u32 $0x6, v2;
	v3 =	vld [tilespmem:s19+$0x900];
	_ =	sdelay $0x4  }
0xde: {  	[tilespmem:v4+s9+$0x0] =	vst.idx.msk $0xffff, v3  }
0xdf: {  	v4 =	vor.u32 $0x7, v2;
	v3 =	vld [tilespmem:s19+$0xA80];
	_ =	sdelay $0x4  }
0xe0: {  	[tilespmem:v4+s9+$0x0] =	vst.idx.msk $0xffff, v3  }
0xe1: {  	v4 =	vor.u32 $0x8, v2;
	v3 =	vld [tilespmem:s19+$0xC00];
	_ =	sdelay $0x4  }
0xe2: {  	[tilespmem:v4+s9+$0x0] =	vst.idx.msk $0xffff, v3  }
0xe3: {  	v4 =	vor.u32 $0x9, v2;
	v3 =	vld [tilespmem:s19+$0xD80];
	_ =	sdelay $0x4  }
0xe4: {  	[tilespmem:v4+s9+$0x0] =	vst.idx.msk $0xffff, v3  }
0xe5: {  	v4 =	vor.u32 $0xA, v2;
	v3 =	vld [tilespmem:s19+$0xF00];
	_ =	sdelay $0x4  }
0xe6: {  	[tilespmem:v4+s9+$0x0] =	vst.idx.msk $0xffff, v3  }
0xe7: {  	v4 =	vor.u32 $0xB, v2;
	v3 =	vld [tilespmem:s19+$0x1080];
	_ =	sdelay $0x4  }
0xe8: {  	[tilespmem:v4+s9+$0x0] =	vst.idx.msk $0xffff, v3  }
0xe9: {  	v4 =	vor.u32 $0xC, v2;
	v3 =	vld [tilespmem:s19+$0x1200];
	_ =	sdelay $0x4  }
0xea: {  	[tilespmem:v4+s9+$0x0] =	vst.idx.msk $0xffff, v3  }
0xeb: {  	v4 =	vor.u32 $0xD, v2;
	v3 =	vld [tilespmem:s19+$0x1380];
	_ =	sdelay $0x4  }
0xec: {  	[tilespmem:v4+s9+$0x0] =	vst.idx.msk $0xffff, v3  }
0xed: {  	v4 =	vor.u32 $0xE, v2;
	v3 =	vld [tilespmem:s19+$0x1500];
	_ =	sdelay $0x4  }
0xee: {  	[tilespmem:v4+s9+$0x0] =	vst.idx.msk $0xffff, v3  }
.Ltmp3:
0xef: {  	v2 =	vor.u32 $0xF, v2;
	v3 =	vld [tilespmem:s19+$0x1680];
	(pc) =	sbr.rel @p0 .LBB2_9-.Ltmp3, $2  }
0xf0: {  	_ =	sdelay $0x2  }
0xf1: {  	v4 =	vmov s29;
	s29 =	sadd.s32 $0x10, s29  }
0xf2: {  	_ =	sdelay $0x3  }
0xf3: {  	v4 =	vshll.u32 v4, $0x4;
	[tilespmem:v2+s9+$0x0] =	vst.idx.msk $0xffff, v3;
	s19 =	sadd.s32 $0x10, s19  }
0xf4: {  	v2 =	vld [tilespmem:s19+$0x0];
	v3 =	vor.u32 v1, v4;
	_ =	sdelay $0x4  }
0xf5: {  	[tilespmem:v3+s9+$0x0] =	vst.idx.msk $0xffff, v2  }
0xf6: {  	v4 =	vor.u32 $0x1, v3;
	v2 =	vld [tilespmem:s19+$0x180];
	_ =	sdelay $0x4  }
0xf7: {  	[tilespmem:v4+s9+$0x0] =	vst.idx.msk $0xffff, v2  }
0xf8: {  	v51 =	vor.u32 $0x2, v3;
	v2 =	vld [tilespmem:s19+$0x300];
	_ =	sdelay $0x4  }
0xf9: {  	[tilespmem:v51+s9+$0x0] =	vst.idx.msk $0xffff, v2  }
0xfa: {  	v52 =	vor.u32 $0x3, v3;
	v2 =	vld [tilespmem:s19+$0x480];
	_ =	sdelay $0x4  }
0xfb: {  	[tilespmem:v52+s9+$0x0] =	vst.idx.msk $0xffff, v2  }
0xfc: {  	v53 =	vor.u32 $0x4, v3;
	v2 =	vld [tilespmem:s19+$0x600];
	_ =	sdelay $0x4  }
0xfd: {  	[tilespmem:v53+s9+$0x0] =	vst.idx.msk $0xffff, v2  }
0xfe: {  	v54 =	vor.u32 $0x5, v3;
	v2 =	vld [tilespmem:s19+$0x780];
	_ =	sdelay $0x4  }
0xff: {  	[tilespmem:v54+s9+$0x0] =	vst.idx.msk $0xffff, v2  }
0x100: {  	v55 =	vor.u32 $0x6, v3;
	v2 =	vld [tilespmem:s19+$0x900];
	_ =	sdelay $0x4  }
0x101: {  	[tilespmem:v55+s9+$0x0] =	vst.idx.msk $0xffff, v2  }
0x102: {  	v56 =	vor.u32 $0x7, v3;
	v2 =	vld [tilespmem:s19+$0xA80];
	_ =	sdelay $0x4  }
0x103: {  	[tilespmem:v56+s9+$0x0] =	vst.idx.msk $0xffff, v2  }
0x104: {  	v57 =	vor.u32 $0x8, v3;
	v2 =	vld [tilespmem:s19+$0xC00];
	_ =	sdelay $0x4  }
0x105: {  	[tilespmem:v57+s9+$0x0] =	vst.idx.msk $0xffff, v2  }
0x106: {  	v58 =	vor.u32 $0x9, v3;
	v2 =	vld [tilespmem:s19+$0xD80];
	_ =	sdelay $0x4  }
0x107: {  	[tilespmem:v58+s9+$0x0] =	vst.idx.msk $0xffff, v2  }
0x108: {  	v59 =	vor.u32 $0xA, v3;
	v2 =	vld [tilespmem:s19+$0xF00];
	_ =	sdelay $0x4  }
0x109: {  	[tilespmem:v59+s9+$0x0] =	vst.idx.msk $0xffff, v2  }
0x10a: {  	v60 =	vor.u32 $0xB, v3;
	v2 =	vld [tilespmem:s19+$0x1080];
	_ =	sdelay $0x4  }
0x10b: {  	[tilespmem:v60+s9+$0x0] =	vst.idx.msk $0xffff, v2  }
0x10c: {  	v61 =	vor.u32 $0xC, v3;
	v2 =	vld [tilespmem:s19+$0x1200];
	_ =	sdelay $0x4  }
0x10d: {  	[tilespmem:v61+s9+$0x0] =	vst.idx.msk $0xffff, v2  }
0x10e: {  	v62 =	vor.u32 $0xD, v3;
	v2 =	vld [tilespmem:s19+$0x1380];
	_ =	sdelay $0x4  }
0x10f: {  	[tilespmem:v62+s9+$0x0] =	vst.idx.msk $0xffff, v2  }
0x110: {  	v63 =	vor.u32 $0xE, v3;
	v2 =	vld [tilespmem:s19+$0x1500];
	_ =	sdelay $0x4  }
0x111: {  	[tilespmem:v63+s9+$0x0] =	vst.idx.msk $0xffff, v2  }
0x112: {  	v3 =	vor.u32 $0xF, v3;
	v2 =	vld [tilespmem:s19+$0x1680];
	_ =	sdelay $0x3  }
0x113: {  	s28 =	sadd.s32 $0x1, s28  }
0x114: {  	p0 =	sne.s32 s28, $0x82;
	[tilespmem:v3+s9+$0x0] =	vst.idx.msk $0xffff, v2  }
0x115: {  	[spmem:s3] =	stream.indirect.scatter.add.f32 [tilespmem:s9], [sflag:$0x4], $0x10, s23, s26, $0xb8;
	[tilespmem:$0x1F178] =	vst v63  }
.Ltmp4:
0x116: {  	_ = 	snop;
	(pc) =	sbr.rel @p0 .LBB2_6-.Ltmp4, $4  }
0x117: {  	s29 =	simm.s32 $0x188A8;
	s20 =	simm.s32 $0x1D9A8  }
0x118: {  	[spmem:s3] =	stream.indirect.scatter.add.f32 [tilespmem:s20], [sflag:$0x4], $0x10, s29, s26, $0xb8;
	[tilespmem:$0x1F178] =	vst v63  }
0x119: {  	s30 =	simm.s32 $0x18928;
	s31 =	simm.s32 $0x1E1A8  }
0x11a: {  	[spmem:s3] =	stream.indirect.scatter.add.f32 [tilespmem:s31], [sflag:$0x4], $0x10, s30, s26, $0xb8;
	[tilespmem:$0x1F178] =	vst v63  }
0x11b: {  	s19 =	simm.s32 $0x4  }
0x11c: {  	_ =	swait.ge [sflag:s19], $0x1800  }
0x11d: {  	s24 =	simm.s32 $0x30C;
	[sflag:s19] =	ssyncset.done $0x0  }
0x11e: {  	s30 =	simm.s32 $0x18B28;
	s31 =	simm.s32 $0x18CA8;
	[sflag:s19] =	ssyncadd.s32 $0xFFFFE800  }
.LBB2_12:
0x11f: {  	s19 =	sadd.s32 s6, s24  }
0x120: {  	s20 =	sshll.u32 s19, $0x4  }
0x121: {  	s29 =	simm.s32 $0x0;
	s19 =	sshll.u32 s19, $0x7;
	s20 =	sadd.s32 s1, s20  }
0x122: {  	[tilespmem:s18], [sflag:$0x5] =	stream.linear.gather [hbm4b:s20+s29], $0x80, $0x38;
	[tilespmem:$0x1F178] =	vst v63  }
0x123: {  	s19 =	sadd.s32 s7, s19;
	_ =	swait.ge [sflag:s17], $0x80  }
0x124: {  	s19 =	sshrl.u32 s19, $0x3;
	[sflag:s17] =	ssyncset.done $0x0  }
0x125: {  	s21 =	simm.s32 $0x189A8;
	s19 =	sadd.s32 s5, s19;
	[sflag:s17] =	ssyncadd.s32 $0xFFFFFF80  }
0x126: {  	[tilespmem:s21], [sflag:$0x5] =	stream.linear.gather [hbm4b:s19+s29], $0x80, $0x38;
	[tilespmem:$0x1F178] =	vst v63  }
0x127: {  	s21 =	sadd.s32 $0x30D40, s19  }
0x128: {  	[tilespmem:s30], [sflag:$0x5] =	stream.linear.gather [hbm4b:s21+s29], $0x80, $0x38;
	[tilespmem:$0x1F178] =	vst v63  }
0x129: {  	s21 =	sadd.s32 $0x61A80, s19  }
0x12a: {  	[tilespmem:s31], [sflag:$0x5] =	stream.linear.gather [hbm4b:s21+s29], $0x80, $0x38;
	[tilespmem:$0x1F178] =	vst v63  }
0x12b: {  	s28 =	simm.s32 $0x18E28;
	s21 =	sadd.s32 $0x927C0, s19  }
0x12c: {  	[tilespmem:s28], [sflag:$0x5] =	stream.linear.gather [hbm4b:s21+s29], $0x80, $0x38;
	[tilespmem:$0x1F178] =	vst v63  }
0x12d: {  	s21 =	sadd.s32 $0xC3500, s19;
	s28 =	simm.s32 $0x18FA8  }
0x12e: {  	[tilespmem:s28], [sflag:$0x5] =	stream.linear.gather [hbm4b:s21+s29], $0x80, $0x38;
	[tilespmem:$0x1F178] =	vst v63  }
0x12f: {  	s21 =	sadd.s32 $0xF4240, s19;
	s28 =	simm.s32 $0x19128  }
0x130: {  	[tilespmem:s28], [sflag:$0x5] =	stream.linear.gather [hbm4b:s21+s29], $0x80, $0x38;
	[tilespmem:$0x1F178] =	vst v63  }
0x131: {  	s21 =	sadd.s32 $0x124F80, s19;
	s28 =	simm.s32 $0x192A8  }
0x132: {  	[tilespmem:s28], [sflag:$0x5] =	stream.linear.gather [hbm4b:s21+s29], $0x80, $0x38;
	[tilespmem:$0x1F178] =	vst v63  }
0x133: {  	s21 =	sadd.s32 $0x155CC0, s19;
	s28 =	simm.s32 $0x19428  }
0x134: {  	[tilespmem:s28], [sflag:$0x5] =	stream.linear.gather [hbm4b:s21+s29], $0x80, $0x38;
	[tilespmem:$0x1F178] =	vst v63  }
0x135: {  	s21 =	sadd.s32 $0x186A00, s19;
	s28 =	simm.s32 $0x195A8  }
0x136: {  	[tilespmem:s28], [sflag:$0x5] =	stream.linear.gather [hbm4b:s21+s29], $0x80, $0x38;
	[tilespmem:$0x1F178] =	vst v63  }
0x137: {  	s20 =	sadd.s32 $0x1B7740, s19;
	s21 =	simm.s32 $0x19728  }
0x138: {  	[tilespmem:s21], [sflag:$0x5] =	stream.linear.gather [hbm4b:s20+s29], $0x80, $0x38;
	[tilespmem:$0x1F178] =	vst v63  }
0x139: {  	s20 =	sadd.s32 $0x1E8480, s19;
	s21 =	simm.s32 $0x198A8  }
0x13a: {  	[tilespmem:s21], [sflag:$0x5] =	stream.linear.gather [hbm4b:s20+s29], $0x80, $0x38;
	[tilespmem:$0x1F178] =	vst v63  }
0x13b: {  	s20 =	sadd.s32 $0x2191C0, s19;
	s21 =	simm.s32 $0x19A28  }
0x13c: {  	[tilespmem:s21], [sflag:$0x5] =	stream.linear.gather [hbm4b:s20+s29], $0x80, $0x38;
	[tilespmem:$0x1F178] =	vst v63  }
0x13d: {  	s20 =	sadd.s32 $0x249F00, s19;
	s21 =	simm.s32 $0x19BA8  }
0x13e: {  	[tilespmem:s21], [sflag:$0x5] =	stream.linear.gather [hbm4b:s20+s29], $0x80, $0x38;
	[tilespmem:$0x1F178] =	vst v63  }
0x13f: {  	s20 =	sadd.s32 $0x27AC40, s19;
	s21 =	simm.s32 $0x19D28  }
0x140: {  	[tilespmem:s21], [sflag:$0x5] =	stream.linear.gather [hbm4b:s20+s29], $0x80, $0x38;
	[tilespmem:$0x1F178] =	vst v63  }
0x141: {  	s21 =	sadd.s32 $0x2AB980, s19  }
0x142: {  	[tilespmem:s10], [sflag:$0x5] =	stream.linear.gather [hbm4b:s21+s29], $0x80, $0x38;
	[tilespmem:$0x1F178] =	vst v63  }
0x143: {  	s19 =	sadd.s32 $0x2DC6C0, s19  }
0x144: {  	[tilespmem:s13], [sflag:$0x5] =	stream.linear.gather [hbm4b:s19+s29], $0x80, $0x38;
	[tilespmem:$0x1F178] =	vst v63  }
0x145: {  	_ =	swait.ge [sflag:s17], $0x800  }
0x146: {  	v2 =	vmov s29;
	[sflag:s17] =	ssyncset.done $0x0  }
0x147: {  	v2 =	vshll.u32 v2, $0x4;
	[sflag:s17] =	ssyncadd.s32 $0xFFFFF800  }
0x148: {  	v2 =	vor.u32 v1, v2;
	v3 =	vld [tilespmem:s28+$0xFFFFF400];
	_ =	sdelay $0x4  }
0x149: {  	[tilespmem:v2+s25+$0x0] =	vst.idx.msk $0xffff, v3  }
0x14a: {  	v4 =	vor.u32 $0x1, v2;
	v3 =	vld [tilespmem:s28+$0xFFFFF580];
	_ =	sdelay $0x4  }
0x14b: {  	[tilespmem:v4+s25+$0x0] =	vst.idx.msk $0xffff, v3  }
0x14c: {  	v4 =	vor.u32 $0x2, v2;
	v3 =	vld [tilespmem:s28+$0xFFFFF700];
	_ =	sdelay $0x4  }
0x14d: {  	[tilespmem:v4+s25+$0x0] =	vst.idx.msk $0xffff, v3  }
0x14e: {  	v4 =	vor.u32 $0x3, v2;
	v3 =	vld [tilespmem:s28+$0xFFFFF880];
	_ =	sdelay $0x4  }
0x14f: {  	[tilespmem:v4+s25+$0x0] =	vst.idx.msk $0xffff, v3  }
0x150: {  	v4 =	vor.u32 $0x4, v2;
	v3 =	vld [tilespmem:s28+$0xFFFFFA00];
	_ =	sdelay $0x4  }
0x151: {  	[tilespmem:v4+s25+$0x0] =	vst.idx.msk $0xffff, v3  }
0x152: {  	v4 =	vor.u32 $0x5, v2;
	v3 =	vld [tilespmem:s28+$0xFFFFFB80];
	_ =	sdelay $0x4  }
0x153: {  	[tilespmem:v4+s25+$0x0] =	vst.idx.msk $0xffff, v3  }
0x154: {  	v4 =	vor.u32 $0x6, v2;
	v3 =	vld [tilespmem:s28+$0xFFFFFD00];
	_ =	sdelay $0x4  }
0x155: {  	[tilespmem:v4+s25+$0x0] =	vst.idx.msk $0xffff, v3  }
0x156: {  	v4 =	vor.u32 $0x7, v2;
	v3 =	vld [tilespmem:s28+$0xFFFFFE80];
	_ =	sdelay $0x4  }
0x157: {  	[tilespmem:v4+s25+$0x0] =	vst.idx.msk $0xffff, v3  }
0x158: {  	v4 =	vor.u32 $0x8, v2;
	v3 =	vld [tilespmem:s28+$0x0];
	_ =	sdelay $0x4  }
0x159: {  	[tilespmem:v4+s25+$0x0] =	vst.idx.msk $0xffff, v3  }
0x15a: {  	v4 =	vor.u32 $0x9, v2;
	v3 =	vld [tilespmem:s28+$0x180];
	_ =	sdelay $0x4  }
0x15b: {  	[tilespmem:v4+s25+$0x0] =	vst.idx.msk $0xffff, v3  }
0x15c: {  	v4 =	vor.u32 $0xA, v2;
	v3 =	vld [tilespmem:s28+$0x300];
	_ =	sdelay $0x4  }
0x15d: {  	[tilespmem:v4+s25+$0x0] =	vst.idx.msk $0xffff, v3  }
0x15e: {  	v4 =	vor.u32 $0xB, v2;
	v3 =	vld [tilespmem:s28+$0x480];
	_ =	sdelay $0x4  }
0x15f: {  	[tilespmem:v4+s25+$0x0] =	vst.idx.msk $0xffff, v3  }
0x160: {  	v4 =	vor.u32 $0xC, v2;
	v3 =	vld [tilespmem:s28+$0x600];
	_ =	sdelay $0x4  }
0x161: {  	[tilespmem:v4+s25+$0x0] =	vst.idx.msk $0xffff, v3  }
0x162: {  	v4 =	vor.u32 $0xD, v2;
	v3 =	vld [tilespmem:s28+$0x780];
	_ =	sdelay $0x4  }
0x163: {  	[tilespmem:v4+s25+$0x0] =	vst.idx.msk $0xffff, v3  }
0x164: {  	v4 =	vor.u32 $0xE, v2;
	v3 =	vld [tilespmem:s28+$0x900];
	_ =	sdelay $0x4  }
0x165: {  	[tilespmem:v4+s25+$0x0] =	vst.idx.msk $0xffff, v3  }
0x166: {  	v2 =	vor.u32 $0xF, v2;
	v3 =	vld [tilespmem:s28+$0xA80];
	_ =	sdelay $0x2  }
0x167: {  	s29 =	simm.s32 $0x10  }
0x168: {  	s19 =	simm.s32 $0x20;
	v4 =	vmov s29  }
.LBB2_13:
0x169: {  	p0 =	sne.s32 s19, $0x70;
	v4 =	vshll.u32 v4, $0x4;
	[tilespmem:v2+s25+$0x0] =	vst.idx.msk $0xffff, v3;
	s28 =	sadd.s32 $0x10, s28  }
0x16a: {  	v3 =	vld [tilespmem:s28+$0xFFFFF400];
	v2 =	vor.u32 v1, v4;
	_ =	sdelay $0x4  }
0x16b: {  	[tilespmem:v2+s25+$0x0] =	vst.idx.msk $0xffff, v3  }
0x16c: {  	v4 =	vor.u32 $0x1, v2;
	v3 =	vld [tilespmem:s28+$0xFFFFF580];
	_ =	sdelay $0x4  }
0x16d: {  	[tilespmem:v4+s25+$0x0] =	vst.idx.msk $0xffff, v3  }
0x16e: {  	v4 =	vor.u32 $0x2, v2;
	v3 =	vld [tilespmem:s28+$0xFFFFF700];
	_ =	sdelay $0x4  }
0x16f: {  	[tilespmem:v4+s25+$0x0] =	vst.idx.msk $0xffff, v3  }
0x170: {  	v4 =	vor.u32 $0x3, v2;
	v3 =	vld [tilespmem:s28+$0xFFFFF880];
	_ =	sdelay $0x4  }
0x171: {  	[tilespmem:v4+s25+$0x0] =	vst.idx.msk $0xffff, v3  }
0x172: {  	v4 =	vor.u32 $0x4, v2;
	v3 =	vld [tilespmem:s28+$0xFFFFFA00];
	_ =	sdelay $0x4  }
0x173: {  	[tilespmem:v4+s25+$0x0] =	vst.idx.msk $0xffff, v3  }
0x174: {  	v4 =	vor.u32 $0x5, v2;
	v3 =	vld [tilespmem:s28+$0xFFFFFB80];
	_ =	sdelay $0x4  }
0x175: {  	[tilespmem:v4+s25+$0x0] =	vst.idx.msk $0xffff, v3  }
0x176: {  	v4 =	vor.u32 $0x6, v2;
	v3 =	vld [tilespmem:s28+$0xFFFFFD00];
	_ =	sdelay $0x4  }
0x177: {  	[tilespmem:v4+s25+$0x0] =	vst.idx.msk $0xffff, v3  }
0x178: {  	v4 =	vor.u32 $0x7, v2;
	v3 =	vld [tilespmem:s28+$0xFFFFFE80];
	_ =	sdelay $0x4  }
0x179: {  	[tilespmem:v4+s25+$0x0] =	vst.idx.msk $0xffff, v3  }
0x17a: {  	v4 =	vor.u32 $0x8, v2;
	v3 =	vld [tilespmem:s28+$0x0];
	_ =	sdelay $0x4  }
0x17b: {  	[tilespmem:v4+s25+$0x0] =	vst.idx.msk $0xffff, v3  }
0x17c: {  	v4 =	vor.u32 $0x9, v2;
	v3 =	vld [tilespmem:s28+$0x180];
	_ =	sdelay $0x4  }
0x17d: {  	[tilespmem:v4+s25+$0x0] =	vst.idx.msk $0xffff, v3  }
0x17e: {  	v4 =	vor.u32 $0xA, v2;
	v3 =	vld [tilespmem:s28+$0x300];
	_ =	sdelay $0x4  }
0x17f: {  	[tilespmem:v4+s25+$0x0] =	vst.idx.msk $0xffff, v3  }
0x180: {  	v4 =	vor.u32 $0xB, v2;
	v3 =	vld [tilespmem:s28+$0x480];
	_ =	sdelay $0x4  }
0x181: {  	[tilespmem:v4+s25+$0x0] =	vst.idx.msk $0xffff, v3  }
0x182: {  	v4 =	vor.u32 $0xC, v2;
	v3 =	vld [tilespmem:s28+$0x600];
	_ =	sdelay $0x4  }
0x183: {  	[tilespmem:v4+s25+$0x0] =	vst.idx.msk $0xffff, v3  }
0x184: {  	v4 =	vor.u32 $0xD, v2;
	v3 =	vld [tilespmem:s28+$0x780];
	_ =	sdelay $0x4  }
0x185: {  	[tilespmem:v4+s25+$0x0] =	vst.idx.msk $0xffff, v3  }
0x186: {  	v4 =	vor.u32 $0xE, v2;
	v3 =	vld [tilespmem:s28+$0x900];
	_ =	sdelay $0x4  }
0x187: {  	[tilespmem:v4+s25+$0x0] =	vst.idx.msk $0xffff, v3  }
.Ltmp5:
0x188: {  	v2 =	vor.u32 $0xF, v2;
	v3 =	vld [tilespmem:s28+$0xA80];
	(pc) =	sbr.rel @p0 .LBB2_13-.Ltmp5, $2  }
0x189: {  	_ =	sdelay $0x2  }
0x18a: {  	v4 =	vmov s19;
	s19 =	sadd.s32 $0x10, s19  }
0x18b: {  	_ =	sdelay $0x3  }
0x18c: {  	v4 =	vshll.u32 v4, $0x4;
	[tilespmem:v2+s25+$0x0] =	vst.idx.msk $0xffff, v3;
	s19 =	sadd.s32 $0x10, s28  }
0x18d: {  	v2 =	vld [tilespmem:s19+$0xFFFFF400];
	v3 =	vor.u32 v1, v4;
	_ =	sdelay $0x4  }
0x18e: {  	[tilespmem:v3+s25+$0x0] =	vst.idx.msk $0xffff, v2  }
0x18f: {  	v4 =	vor.u32 $0x1, v3;
	v2 =	vld [tilespmem:s19+$0xFFFFF580];
	_ =	sdelay $0x4  }
0x190: {  	[tilespmem:v4+s25+$0x0] =	vst.idx.msk $0xffff, v2  }
0x191: {  	v51 =	vor.u32 $0x2, v3;
	v2 =	vld [tilespmem:s19+$0xFFFFF700];
	_ =	sdelay $0x4  }
0x192: {  	[tilespmem:v51+s25+$0x0] =	vst.idx.msk $0xffff, v2  }
0x193: {  	v52 =	vor.u32 $0x3, v3;
	v2 =	vld [tilespmem:s19+$0xFFFFF880];
	_ =	sdelay $0x4  }
0x194: {  	[tilespmem:v52+s25+$0x0] =	vst.idx.msk $0xffff, v2  }
0x195: {  	v53 =	vor.u32 $0x4, v3;
	v2 =	vld [tilespmem:s19+$0xFFFFFA00];
	_ =	sdelay $0x4  }
0x196: {  	[tilespmem:v53+s25+$0x0] =	vst.idx.msk $0xffff, v2  }
0x197: {  	v54 =	vor.u32 $0x5, v3;
	v2 =	vld [tilespmem:s19+$0xFFFFFB80];
	_ =	sdelay $0x4  }
0x198: {  	[tilespmem:v54+s25+$0x0] =	vst.idx.msk $0xffff, v2  }
0x199: {  	v55 =	vor.u32 $0x6, v3;
	v2 =	vld [tilespmem:s19+$0xFFFFFD00];
	_ =	sdelay $0x4  }
0x19a: {  	[tilespmem:v55+s25+$0x0] =	vst.idx.msk $0xffff, v2  }
0x19b: {  	v56 =	vor.u32 $0x7, v3;
	v2 =	vld [tilespmem:s19+$0xFFFFFE80];
	_ =	sdelay $0x4  }
0x19c: {  	[tilespmem:v56+s25+$0x0] =	vst.idx.msk $0xffff, v2  }
0x19d: {  	v57 =	vor.u32 $0x8, v3;
	v2 =	vld [tilespmem:s19+$0x0];
	_ =	sdelay $0x4  }
0x19e: {  	[tilespmem:v57+s25+$0x0] =	vst.idx.msk $0xffff, v2  }
0x19f: {  	v58 =	vor.u32 $0x9, v3;
	v2 =	vld [tilespmem:s19+$0x180];
	_ =	sdelay $0x4  }
0x1a0: {  	[tilespmem:v58+s25+$0x0] =	vst.idx.msk $0xffff, v2  }
0x1a1: {  	v59 =	vor.u32 $0xA, v3;
	v2 =	vld [tilespmem:s19+$0x300];
	_ =	sdelay $0x4  }
0x1a2: {  	[tilespmem:v59+s25+$0x0] =	vst.idx.msk $0xffff, v2  }
0x1a3: {  	v60 =	vor.u32 $0xB, v3;
	v2 =	vld [tilespmem:s19+$0x480];
	_ =	sdelay $0x4  }
0x1a4: {  	[tilespmem:v60+s25+$0x0] =	vst.idx.msk $0xffff, v2  }
0x1a5: {  	v61 =	vor.u32 $0xC, v3;
	v2 =	vld [tilespmem:s19+$0x600];
	_ =	sdelay $0x4  }
0x1a6: {  	[tilespmem:v61+s25+$0x0] =	vst.idx.msk $0xffff, v2  }
0x1a7: {  	v62 =	vor.u32 $0xD, v3;
	v2 =	vld [tilespmem:s19+$0x780];
	_ =	sdelay $0x4  }
0x1a8: {  	[tilespmem:v62+s25+$0x0] =	vst.idx.msk $0xffff, v2  }
0x1a9: {  	v63 =	vor.u32 $0xE, v3;
	v2 =	vld [tilespmem:s19+$0x900];
	_ =	sdelay $0x4  }
0x1aa: {  	[tilespmem:v63+s25+$0x0] =	vst.idx.msk $0xffff, v2  }
0x1ab: {  	v3 =	vor.u32 $0xF, v3;
	v2 =	vld [tilespmem:s19+$0xA80];
	_ =	sdelay $0x2  }
0x1ac: {  	s24 =	sadd.s32 $0x1, s24  }
0x1ad: {  	p0 =	sne.s32 s24, s8  }
.Ltmp6:
0x1ae: {  	[tilespmem:v3+s25+$0x0] =	vst.idx.msk $0xffff, v2;
	(pc) =	sbr.rel @p0 .LBB2_12-.Ltmp6, $4  }
0x1af: {  	[spmem:s3] =	stream.indirect.scatter.add.f32 [tilespmem:s25], [sflag:$0x5], $0x10, s18, s26, $0xb8;
	[tilespmem:$0x1F178] =	vst v63  }
0x1b0: {  	_ =	swait.ge [sflag:s17], $0x800  }
0x1b1: {  	[sflag:s17] =	ssyncset.done $0x0  }
0x1b2: {  	[sflag:s17] =	ssyncadd.s32 $0xFFFFF800  }
0x1b3: {  	s19 =	stileid.u32  }
0x1b4: {  	[bflag:$0x0] =	sbarrier.arrive $0xFFFF;
	s19 =	sshll.u32 s19, $0x6  }
0x1b5: {  	s20 =	sadd.s32 $0x0, s15;
	s24 =	sshrl.u32 s14, $0x3;
	s19 =	sor.u32 $0x1C05, s19  }
0x1b6: {  	[hbm:s20@s4], [sflag:s19] =	dma.strided [spmem:s24@s0], $0xFA, s22, $0x2   }
0x1b7: {  	s28 =	sadd.s32 $0x7D0, s14;
	s24 =	simm.s32 $0x7D0;
	_ =	swait.ge [sflag:s17], $0xFA  }
.LBB2_16:
0x1b8: {  	s20 =	sadd.s32 s24, s15;
	[sflag:s17] =	ssyncset.done $0x0;
	p0 =	sne.s32 s24, $0x17ED0  }
.Ltmp7:
0x1b9: {  	s29 =	sshrl.u32 s28, $0x3;
	[sflag:s17] =	ssyncadd.s32 $0xFFFFFF06;
	(pc) =	sbr.rel @p0 .LBB2_16-.Ltmp7, $3  }
0x1ba: {  	[hbm:s20@s4], [sflag:s19] =	dma.strided [spmem:s29@s0], $0xFA, s22, $0x2   }
0x1bb: {  	s24 =	sadd.s32 $0x7D0, s24;
	_ =	sdelay $0x1  }
0x1bc: {  	s28 =	sadd.s32 $0x7D0, s28;
	_ =	swait.ge [sflag:s17], $0xFA  }
0x1bd: {  	s19 =	rddreg [dreg:$0x4]  }
0x1be: {  	s20 =	rddreg [dreg:$0x7];
	s19 =	sadd.s32 $0x1, s19  }
0x1bf: {  	p0 =	sne.s32 s19, s20  }
.Ltmp8:
0x1c0: {  	_ = 	snop;
	(pc) =	sbr.rel @p0 .LBB2_1-.Ltmp8, $3  }
0x1c1: {  	_ =	sdelay $0x1  }
0x1c2: {  	[sflag:s17] =	ssyncset.done $0x0  }
0x1c3: {  	[sflag:s17] =	ssyncadd.s32 $0xFFFFFF06  }
0x1c4: {  	_ =	sfence.sel $0x180000  }
0x1c5: {  	[bflag:$0x0] =	sbarrier.arrive $0xFFFF  }
0x1c6: {  	_ =	strace $0x90000047  }
0x1c7: {  	s0 =	stileid.u32;
	[bflag:$0x2] =	sbarrier.arrive $0xFFFF  }
0x1c8: {  	p0 =	sne.s32 s0, $0x0;
	s0 =	rddreg [dreg:$0x3]  }
0x1c9: {  	s0 =	sadd.s32 @!p0 $0x100000, s0  }
0x1ca: {  	[sflag:s0] =	ssyncadd.tile.s32 @!p0 $0x1;
	_ =	shalt  }
.Lfunc_end2:
_tile_overlayer_lowered:
.L_overlay_start_2:
0x1cb: {  	(tag) =	ssettag $0x2  }
0x1cc: {  	s0 =	rddreg [dreg:$0x0];
	s2 =	stileid.u32  }
0x1cd: {  	s1 =	rddreg [dreg:$0x1];
	p0 =	sne.s32 s2, $0x0  }
0x1ce: {  	s3 =	rddreg [dreg:$0x2];
	[bflag:$0x3] =	sbarrier.arrive $0xFFFF;
	s2 =	simm.s32 @!p0 $0x1C05  }
0x1cf: {  	[timem:s3], [sflag:s2] =	dma.local @!p0 [hbm:s0], s1  }
0x1d0: {  	s0 =	simm.s32 @!p0 $0x5  }
0x1d1: {  	_ =	swait.ge @!p0 [sflag:s0], s1  }
0x1d2: {  	s1 =	ssub.s32 @!p0 $0x0, s1;
	[sflag:s0] =	ssyncset.done @!p0 $0x0  }
0x1d3: {  	[sflag:s0] =	ssyncadd.s32 @!p0 s1  }
0x1d4: {  	[bflag:$0x3] =	sbarrier.arrive $0xFFFF  }
0x1d5: {  	_ =	shalt  }

</sc_bundles>
